<compile_context>
chip_gen: v7x
topology: tpu7x:2x2x1
jax: 0.10.2.dev20260603
libtpu: 0.0.44.dev20260713+nightly
codegen_flags: <defaults>
</compile_context>

<pallas_src>
import functools

import numpy as np
import jax
import jax.numpy as jnp
from jax import lax
from jax.experimental import pallas as pl
from jax.experimental.pallas import tpu as pltpu
from jax.experimental.pallas import tpu_sc as plsc

VOCAB = 100000
EMBD = 128
MAX_LEN = 8192
BATCH = 4
SEQ = 8192
TOK = BATCH * SEQ
NW = 32
SRANGE = SEQ // NW
PER = BATCH * SRANGE
CHUNK = 128
NCHUNK = PER // CHUNK
HALVES = SRANGE // CHUNK
LANES = 16
NBUF = 5


def _position_table() -> np.ndarray:
    pos = np.arange(MAX_LEN, dtype=np.float64)[:, None]
    div = np.arange(0, EMBD, 2, dtype=np.float64)[None, :]
    m = (pos / (10000.0 ** (div / EMBD))).astype(np.float32)
    return np.concatenate([np.sin(m), np.cos(m)], axis=-1).astype(np.float32)


_POS_FLAT = _position_table().reshape(-1)

_MESH = plsc.VectorSubcoreMesh(core_axis_name="c", subcore_axis_name="s")


@functools.partial(
    pl.kernel,
    mesh=_MESH,
    out_type=[
        jax.ShapeDtypeStruct((BATCH, SEQ, EMBD), jnp.float32),
        jax.ShapeDtypeStruct((NW, BATCH, LANES), jnp.int32),
    ],
    scratch_types=[
        pltpu.VMEM((BATCH, SRANGE), jnp.int32),
        pltpu.VMEM((SRANGE * EMBD,), jnp.float32),
        pltpu.VMEM((NBUF, CHUNK, EMBD), jnp.float32),
        pltpu.VMEM((BATCH, LANES), jnp.int32),
        pltpu.SemaphoreType.DMA,
        pltpu.SemaphoreType.DMA,
        pltpu.SemaphoreType.DMA,
        pltpu.SemaphoreType.DMA,
        pltpu.SemaphoreType.DMA,
        pltpu.SemaphoreType.DMA,
        pltpu.SemaphoreType.DMA,
        pltpu.SemaphoreType.DMA,
    ],
)
def _embed_sc(ids_h, tab_h, pos_h, out_h, cnt_h,
              idx_v, pbuf, gring, cnt_v,
              psem, gsem0, gsem1, gsem2, gsem3, gsem4, osem0, osem1):
    wid = lax.axis_index("s") * 2 + lax.axis_index("c")
    sbase = wid * SRANGE

    pcp = pltpu.async_copy(pos_h.at[pl.ds(sbase * EMBD, SRANGE * EMBD)],
                           pbuf, psem)

    pltpu.sync_copy(ids_h.at[:, pl.ds(sbase, SRANGE)], idx_v)

    gsems = (gsem0, gsem1, gsem2, gsem3, gsem4)
    osems = (osem0, osem1)

    def issue(c):
        return pltpu.async_copy(
            tab_h.at[idx_v.at[c // HALVES,
                              pl.ds((c % HALVES) * CHUNK, CHUNK)]],
            gring.at[c % NBUF], gsems[c % NBUF])

    inflight = [None] * NCHUNK
    ostores = [None] * NCHUNK
    inflight[0] = issue(0)
    inflight[1] = issue(1)
    inflight[2] = issue(2)
    inflight[3] = issue(3)

    for b in range(BATCH):
        def count_body(t, acc):
            v = idx_v[b, pl.ds(t * LANES, LANES)]
            return acc + jnp.where(v == 1, 1, 0).astype(jnp.int32)

        acc = lax.fori_loop(0, SRANGE // LANES, count_body,
                            jnp.zeros((LANES,), jnp.int32))
        cnt_v[b] = acc
    pltpu.sync_copy(cnt_v, cnt_h.at[wid])

    pcp.wait()
    for c in range(NCHUNK):
        if c + 4 < NCHUNK:
            if c >= 1:
                ostores[c - 1].wait()
            inflight[c + 4] = issue(c + 4)
        inflight[c].wait()
        gbuf = gring.at[c % NBUF]
        poff = (c % HALVES) * CHUNK

        def add_body(r, _):
            pb = (poff + r) * EMBD
            for j in range(EMBD // LANES):
                vec = pbuf[pl.ds(pb + j * LANES, LANES)]
                plsc.addupdate(gbuf.at[r, pl.ds(j * LANES, LANES)], vec)
            return 0

        lax.fori_loop(0, CHUNK, add_body, 0)
        ostores[c] = pltpu.async_copy(
            gbuf, out_h.at[c // HALVES, pl.ds(sbase + poff, CHUNK)],
            osems[c % 2])
    for c in range(NCHUNK - 5, NCHUNK):
        if ostores[c] is not None:
            ostores[c].wait()


def kernel(ids, word_embedding):
    pos = jnp.asarray(_POS_FLAT)
    out, cnt = _embed_sc(ids, word_embedding, pos)
    padding_len = jnp.sum(cnt, axis=(0, 2))
    return (out, padding_len)

# --- scband reference (transcript-rebuilt; emitter-appended) ---
"""Pipeline reference for scband-embedding-4389456577006 (READ-ONLY COPY).

The authoritative reference and input builder live on the scoring server;
editing this copy changes nothing except your own understanding.
"""

import jax, jax.numpy as jnp
import numpy as np

VOCAB = 100000
EMBD = 128
MAX_LEN = 8192

def setup_inputs(seed: int = 0) -> dict:
    key = jax.random.key(seed)
    k1, k2 = jax.random.split(key)
    ids = jax.random.randint(k1, (4, 8192), 0, VOCAB, dtype=jnp.int32)
    word_embedding = jax.random.normal(k2, (VOCAB, EMBD), dtype=jnp.float32)
    # padding_idx=1 row is zero-initialized in torch nn.Embedding
    word_embedding = word_embedding.at[1].set(0.0)
    return {"ids": ids, "word_embedding": word_embedding}

def reference(ids, word_embedding):
    batch_size, sequence_len = ids.shape
    position_seq = jnp.tile(jnp.arange(0, MAX_LEN)[:, None], (1, EMBD // 2)).astype(jnp.float32)
    div = jnp.tile(jnp.arange(0, EMBD, 2)[None, :], (MAX_LEN, 1)).astype(jnp.float32)
    posi_matrix = position_seq / (10000.0 ** (div / EMBD))
    position_embedding = jnp.concatenate([jnp.sin(posi_matrix), jnp.cos(posi_matrix)], axis=-1)
    position_vector = jnp.broadcast_to(position_embedding[:sequence_len][None, :, :], (batch_size, sequence_len, EMBD))
    word_vector = jnp.take(word_embedding, ids, axis=0)
    token_type_vector = jnp.zeros_like(word_vector)
    out = word_vector + position_vector + token_type_vector
    padding_len = jnp.sum(ids == 1, axis=1)
    return (out, padding_len)

if __name__ == "__main__":
    import jax
    _d = setup_inputs()
    print(jax.jit(kernel)(*tuple(_d.values())))

</pallas_src>

<mosaic_0001>
#map = affine_map<(d0, d1) -> (0, 0)>
#map1 = affine_map<(d0, d1) -> (0)>
#map2 = affine_map<(d0, d1) -> (0, 0, 0)>
module attributes {stable_mosaic.version = 14 : i64} {
  func.func @_embed_sc(%arg0: i32, %arg1: i32, %arg2: memref<4x8192xi32, #tpu.memory_space<hbm>>, %arg3: memref<100000x128xf32, #tpu.memory_space<hbm>>, %arg4: memref<1048576xf32, #tpu.memory_space<hbm>>, %arg5: memref<4x8192x128xf32, #tpu.memory_space<hbm>>, %arg6: memref<32x4x16xi32, #tpu.memory_space<hbm>>, %arg7: memref<4x256xi32, #tpu.memory_space<vmem>>, %arg8: memref<32768xf32, #tpu.memory_space<vmem>>, %arg9: memref<5x128x128xf32, #tpu.memory_space<vmem>>, %arg10: memref<4x16xi32, #tpu.memory_space<vmem>>, %arg11: memref<!tpu.dma_semaphore, #tpu.memory_space<semaphore_mem>>, %arg12: memref<!tpu.dma_semaphore, #tpu.memory_space<semaphore_mem>>, %arg13: memref<!tpu.dma_semaphore, #tpu.memory_space<semaphore_mem>>, %arg14: memref<!tpu.dma_semaphore, #tpu.memory_space<semaphore_mem>>, %arg15: memref<!tpu.dma_semaphore, #tpu.memory_space<semaphore_mem>>, %arg16: memref<!tpu.dma_semaphore, #tpu.memory_space<semaphore_mem>>, %arg17: memref<!tpu.dma_semaphore, #tpu.memory_space<semaphore_mem>>, %arg18: memref<!tpu.dma_semaphore, #tpu.memory_space<semaphore_mem>>) attributes {dimension_semantics = [#tpu.dimension_semantics<core_parallel>, #tpu.dimension_semantics<subcore_parallel>], iteration_bounds = array<i64: 2, 16>, scalar_prefetch = 0 : i64, scratch_operands = 12 : i64, tpu.core_type = #tpu.core_type<sc_vector_subcore>, window_params = [{transform_indices = #map}, {transform_indices = #map}, {transform_indices = #map1}, {transform_indices = #map2}, {transform_indices = #map2}]} {
    %mul3A = arith.constant 2 : i32
    %mul3A_0 = arith.muli %arg1, %mul3A : i32
    %add3A = arith.addi %mul3A_0, %arg0 : i32
    %mul3A_1 = arith.constant 256 : i32
    %mul3A_2 = arith.muli %add3A, %mul3A_1 : i32
    %mul3A_3 = arith.constant 128 : i32
    %mul3A_4 = arith.muli %mul3A_2, %mul3A_3 : i32
    %dma_start3A = tpu.memref_slice %arg4[%mul3A_4] : memref<1048576xf32, #tpu.memory_space<hbm>> -> memref<32768xf32, #tpu.memory_space<hbm>>
    %dma_start3A_5 = tpu.memref_slice %arg4[%mul3A_4] : memref<1048576xf32, #tpu.memory_space<hbm>> -> memref<32768xf32, #tpu.memory_space<hbm>>
    tpu.enqueue_dma source(%dma_start3A_5 : memref<32768xf32, #tpu.memory_space<hbm>>) target(%arg8 : memref<32768xf32, #tpu.memory_space<vmem>>) target_semaphore(%arg11 : memref<!tpu.dma_semaphore, #tpu.memory_space<semaphore_mem>>)
    "tpu.region"() ({
      %run_scoped3A = tpu.sem_alloc : memref<!tpu.dma_semaphore, #tpu.memory_space<semaphore_mem>>
      %dma_start3A_588 = arith.constant 0 : i32
      %dma_start3A_589 = tpu.memref_slice %arg2[%dma_start3A_588, %mul3A_2] : memref<4x8192xi32, #tpu.memory_space<hbm>> -> memref<4x256xi32, #tpu.memory_space<hbm>>
      %dma_start3A_590 = arith.constant 0 : i32
      %dma_start3A_591 = tpu.memref_slice %arg2[%dma_start3A_590, %mul3A_2] : memref<4x8192xi32, #tpu.memory_space<hbm>> -> memref<4x256xi32, #tpu.memory_space<hbm>>
      tpu.enqueue_dma source(%dma_start3A_591 : memref<4x256xi32, #tpu.memory_space<hbm>>) target(%arg7 : memref<4x256xi32, #tpu.memory_space<vmem>>) target_semaphore(%run_scoped3A : memref<!tpu.dma_semaphore, #tpu.memory_space<semaphore_mem>>)
      %dma_wait3A_592 = arith.constant 0 : i32
      %dma_wait3A_593 = tpu.memref_slice %arg2[%dma_wait3A_592, %mul3A_2] : memref<4x8192xi32, #tpu.memory_space<hbm>> -> memref<4x256xi32, #tpu.memory_space<hbm>>
      %dma_wait3A_594 = arith.constant 0 : i32
      %dma_wait3A_595 = tpu.memref_slice %arg2[%dma_wait3A_594, %mul3A_2] : memref<4x8192xi32, #tpu.memory_space<hbm>> -> memref<4x256xi32, #tpu.memory_space<hbm>>
      tpu.wait_dma2 semaphore(%run_scoped3A : memref<!tpu.dma_semaphore, #tpu.memory_space<semaphore_mem>>) src(%dma_wait3A_595 : memref<4x256xi32, #tpu.memory_space<hbm>>) dst(%arg7 : memref<4x256xi32, #tpu.memory_space<vmem>>)
      tpu.yield
    }) : () -> ()
    %dma_start3A_6 = arith.constant 0 : i32
    %dma_start3A_7 = arith.constant 0 : i32
    %dma_start3A_8 = arith.constant 0 : i32
    %dma_start3A_9 = arith.constant 0 : i32
    %dma_start3A_10 = tpu.memref_slice %arg9[%dma_start3A_7, %dma_start3A_8, %dma_start3A_9] : memref<5x128x128xf32, #tpu.memory_space<vmem>> -> memref<1x128x128xf32, #tpu.memory_space<vmem>>
    %dma_start3A_11 = tpu.memref_squeeze %dma_start3A_10 : memref<1x128x128xf32, #tpu.memory_space<vmem>> -> memref<128x128xf32, #tpu.memory_space<vmem>>
    %dma_start3A_12 = arith.constant 0 : i32
    %dma_start3A_13 = tpu.memref_slice %arg7[%dma_start3A_6, %dma_start3A_12] : memref<4x256xi32, #tpu.memory_space<vmem>> -> memref<1x128xi32, #tpu.memory_space<vmem>>
    %dma_start3A_14 = tpu.memref_squeeze %dma_start3A_13 : memref<1x128xi32, #tpu.memory_space<vmem>> -> memref<128xi32, #tpu.memory_space<vmem>>
    %dma_start3A_15 = arith.constant 0 : i32
    %dma_start3A_16 = arith.constant 0 : i32
    %dma_start3A_17 = tpu.memref_slice %arg3[%dma_start3A_15, %dma_start3A_16] : memref<100000x128xf32, #tpu.memory_space<hbm>> -> memref<100000x128xf32, #tpu.memory_space<hbm>>
    tpu.enqueue_indirect_dma source(%dma_start3A_17 : memref<100000x128xf32, #tpu.memory_space<hbm>>) target(%dma_start3A_11 : memref<128x128xf32, #tpu.memory_space<vmem>>) offsets(%dma_start3A_14 : memref<128xi32, #tpu.memory_space<vmem>>) semaphore(%arg12 : memref<!tpu.dma_semaphore, #tpu.memory_space<semaphore_mem>>)
    %dma_start3A_18 = arith.constant 0 : i32
    %dma_start3A_19 = arith.constant 1 : i32
    %dma_start3A_20 = arith.constant 0 : i32
    %dma_start3A_21 = arith.constant 0 : i32
    %dma_start3A_22 = tpu.memref_slice %arg9[%dma_start3A_19, %dma_start3A_20, %dma_start3A_21] : memref<5x128x128xf32, #tpu.memory_space<vmem>> -> memref<1x128x128xf32, #tpu.memory_space<vmem>>
    %dma_start3A_23 = tpu.memref_squeeze %dma_start3A_22 : memref<1x128x128xf32, #tpu.memory_space<vmem>> -> memref<128x128xf32, #tpu.memory_space<vmem>>
    %dma_start3A_24 = arith.constant 128 : i32
    %dma_start3A_25 = tpu.memref_slice %arg7[%dma_start3A_18, %dma_start3A_24] : memref<4x256xi32, #tpu.memory_space<vmem>> -> memref<1x128xi32, #tpu.memory_space<vmem>>
    %dma_start3A_26 = tpu.memref_squeeze %dma_start3A_25 : memref<1x128xi32, #tpu.memory_space<vmem>> -> memref<128xi32, #tpu.memory_space<vmem>>
    %dma_start3A_27 = arith.constant 0 : i32
    %dma_start3A_28 = arith.constant 0 : i32
    %dma_start3A_29 = tpu.memref_slice %arg3[%dma_start3A_27, %dma_start3A_28] : memref<100000x128xf32, #tpu.memory_space<hbm>> -> memref<100000x128xf32, #tpu.memory_space<hbm>>
    tpu.enqueue_indirect_dma source(%dma_start3A_29 : memref<100000x128xf32, #tpu.memory_space<hbm>>) target(%dma_start3A_23 : memref<128x128xf32, #tpu.memory_space<vmem>>) offsets(%dma_start3A_26 : memref<128xi32, #tpu.memory_space<vmem>>) semaphore(%arg13 : memref<!tpu.dma_semaphore, #tpu.memory_space<semaphore_mem>>)
    %dma_start3A_30 = arith.constant 1 : i32
    %dma_start3A_31 = arith.constant 2 : i32
    %dma_start3A_32 = arith.constant 0 : i32
    %dma_start3A_33 = arith.constant 0 : i32
    %dma_start3A_34 = tpu.memref_slice %arg9[%dma_start3A_31, %dma_start3A_32, %dma_start3A_33] : memref<5x128x128xf32, #tpu.memory_space<vmem>> -> memref<1x128x128xf32, #tpu.memory_space<vmem>>
    %dma_start3A_35 = tpu.memref_squeeze %dma_start3A_34 : memref<1x128x128xf32, #tpu.memory_space<vmem>> -> memref<128x128xf32, #tpu.memory_space<vmem>>
    %dma_start3A_36 = arith.constant 0 : i32
    %dma_start3A_37 = tpu.memref_slice %arg7[%dma_start3A_30, %dma_start3A_36] : memref<4x256xi32, #tpu.memory_space<vmem>> -> memref<1x128xi32, #tpu.memory_space<vmem>>
    %dma_start3A_38 = tpu.memref_squeeze %dma_start3A_37 : memref<1x128xi32, #tpu.memory_space<vmem>> -> memref<128xi32, #tpu.memory_space<vmem>>
    %dma_start3A_39 = arith.constant 0 : i32
    %dma_start3A_40 = arith.constant 0 : i32
    %dma_start3A_41 = tpu.memref_slice %arg3[%dma_start3A_39, %dma_start3A_40] : memref<100000x128xf32, #tpu.memory_space<hbm>> -> memref<100000x128xf32, #tpu.memory_space<hbm>>
    tpu.enqueue_indirect_dma source(%dma_start3A_41 : memref<100000x128xf32, #tpu.memory_space<hbm>>) target(%dma_start3A_35 : memref<128x128xf32, #tpu.memory_space<vmem>>) offsets(%dma_start3A_38 : memref<128xi32, #tpu.memory_space<vmem>>) semaphore(%arg14 : memref<!tpu.dma_semaphore, #tpu.memory_space<semaphore_mem>>)
    %dma_start3A_42 = arith.constant 1 : i32
    %dma_start3A_43 = arith.constant 3 : i32
    %dma_start3A_44 = arith.constant 0 : i32
    %dma_start3A_45 = arith.constant 0 : i32
    %dma_start3A_46 = tpu.memref_slice %arg9[%dma_start3A_43, %dma_start3A_44, %dma_start3A_45] : memref<5x128x128xf32, #tpu.memory_space<vmem>> -> memref<1x128x128xf32, #tpu.memory_space<vmem>>
    %dma_start3A_47 = tpu.memref_squeeze %dma_start3A_46 : memref<1x128x128xf32, #tpu.memory_space<vmem>> -> memref<128x128xf32, #tpu.memory_space<vmem>>
    %dma_start3A_48 = arith.constant 128 : i32
    %dma_start3A_49 = tpu.memref_slice %arg7[%dma_start3A_42, %dma_start3A_48] : memref<4x256xi32, #tpu.memory_space<vmem>> -> memref<1x128xi32, #tpu.memory_space<vmem>>
    %dma_start3A_50 = tpu.memref_squeeze %dma_start3A_49 : memref<1x128xi32, #tpu.memory_space<vmem>> -> memref<128xi32, #tpu.memory_space<vmem>>
    %dma_start3A_51 = arith.constant 0 : i32
    %dma_start3A_52 = arith.constant 0 : i32
    %dma_start3A_53 = tpu.memref_slice %arg3[%dma_start3A_51, %dma_start3A_52] : memref<100000x128xf32, #tpu.memory_space<hbm>> -> memref<100000x128xf32, #tpu.memory_space<hbm>>
    tpu.enqueue_indirect_dma source(%dma_start3A_53 : memref<100000x128xf32, #tpu.memory_space<hbm>>) target(%dma_start3A_47 : memref<128x128xf32, #tpu.memory_space<vmem>>) offsets(%dma_start3A_50 : memref<128xi32, #tpu.memory_space<vmem>>) semaphore(%arg15 : memref<!tpu.dma_semaphore, #tpu.memory_space<semaphore_mem>>)
    %broadcast_in_dim3A = arith.constant 0 : i32
    %broadcast_in_dim3A_54 = vector.broadcast %broadcast_in_dim3A : i32 to vector<16xi32>
    %scan3A = arith.constant 0 : i32
    %scan3A_55 = arith.constant 16 : i32
    %scan3A_56 = arith.addi %scan3A, %scan3A_55 : i32
    %scan3A_57 = arith.constant 1 : i32
    %scan3A_58 = scf.for %scan3A_588 = %scan3A to %scan3A_56 step %scan3A_57 iter_args(%scan3A_589 = %broadcast_in_dim3A_54) -> (vector<16xi32>)  : i32 {
      %mul3A_590 = arith.constant 16 : i32
      %mul3A_591 = arith.muli %scan3A_588, %mul3A_590 : i32
      %get3A = arith.constant 0 : i32
      %get3A_592 = arith.index_cast %get3A : i32 to index
      %get3A_593 = arith.index_cast %mul3A_591 : i32 to index
      %get3A_594 = tpu.vector_load %arg7[%get3A_592, %get3A_593] {strides = array<i32>} : memref<4x256xi32, #tpu.memory_space<vmem>>, vector<1x16xi32>,
      %get3A_595 = vector.shape_cast %get3A_594 : vector<1x16xi32> to vector<16xi32>
      %eq3A = arith.constant 1 : i32
      %eq3A_596 = vector.broadcast %eq3A : i32 to vector<16xi32>
      %eq3A_597 = arith.cmpi eq, %get3A_595, %eq3A_596 : vector<16xi32>
      %jit3A = arith.constant 1 : i32
      %jit3A_598 = arith.constant 0 : i32
      %broadcast_in_dim3A_599 = vector.broadcast %jit3A : i32 to vector<16xi32>
      %broadcast_in_dim3A_600 = vector.broadcast %jit3A_598 : i32 to vector<16xi32>
      %select_n3A = arith.select %eq3A_597, %broadcast_in_dim3A_599, %broadcast_in_dim3A_600 : vector<16xi1>, vector<16xi32>
      %add3A_601 = arith.addi %scan3A_589, %select_n3A : vector<16xi32>
      scf.yield %add3A_601 : vector<16xi32>
    }
    %scan3A_59 = arith.constant 16 : i32
    %swap3A = arith.constant 0 : i32
    %swap3A_60 = arith.index_cast %swap3A : i32 to index
    %swap3A_61 = arith.constant 0 : index
    %swap3A_62 = tpu.vector_load %arg10[%swap3A_60, %swap3A_61] {strides = array<i32>} : memref<4x16xi32, #tpu.memory_space<vmem>>, vector<1x16xi32>,
    %swap3A_63 = vector.shape_cast %swap3A_62 : vector<1x16xi32> to vector<16xi32>
    %swap3A_64 = vector.shape_cast %scan3A_58 : vector<16xi32> to vector<1x16xi32>
    tpu.vector_store %arg10[%swap3A_60, %swap3A_61], %swap3A_64 {strides = array<i32>} : memref<4x16xi32, #tpu.memory_space<vmem>>, vector<1x16xi32>,
    %broadcast_in_dim3A_65 = arith.constant 0 : i32
    %broadcast_in_dim3A_66 = vector.broadcast %broadcast_in_dim3A_65 : i32 to vector<16xi32>
    %scan3A_67 = arith.constant 0 : i32
    %scan3A_68 = arith.constant 16 : i32
    %scan3A_69 = arith.addi %scan3A_67, %scan3A_68 : i32
    %scan3A_70 = arith.constant 1 : i32
    %scan3A_71 = scf.for %scan3A_588 = %scan3A_67 to %scan3A_69 step %scan3A_70 iter_args(%scan3A_589 = %broadcast_in_dim3A_66) -> (vector<16xi32>)  : i32 {
      %mul3A_590 = arith.constant 16 : i32
      %mul3A_591 = arith.muli %scan3A_588, %mul3A_590 : i32
      %get3A = arith.constant 1 : i32
      %get3A_592 = arith.index_cast %get3A : i32 to index
      %get3A_593 = arith.index_cast %mul3A_591 : i32 to index
      %get3A_594 = tpu.vector_load %arg7[%get3A_592, %get3A_593] {strides = array<i32>} : memref<4x256xi32, #tpu.memory_space<vmem>>, vector<1x16xi32>,
      %get3A_595 = vector.shape_cast %get3A_594 : vector<1x16xi32> to vector<16xi32>
      %eq3A = arith.constant 1 : i32
      %eq3A_596 = vector.broadcast %eq3A : i32 to vector<16xi32>
      %eq3A_597 = arith.cmpi eq, %get3A_595, %eq3A_596 : vector<16xi32>
      %jit3A = arith.constant 1 : i32
      %jit3A_598 = arith.constant 0 : i32
      %broadcast_in_dim3A_599 = vector.broadcast %jit3A : i32 to vector<16xi32>
      %broadcast_in_dim3A_600 = vector.broadcast %jit3A_598 : i32 to vector<16xi32>
      %select_n3A = arith.select %eq3A_597, %broadcast_in_dim3A_599, %broadcast_in_dim3A_600 : vector<16xi1>, vector<16xi32>
      %add3A_601 = arith.addi %scan3A_589, %select_n3A : vector<16xi32>
      scf.yield %add3A_601 : vector<16xi32>
    }
    %scan3A_72 = arith.constant 16 : i32
    %swap3A_73 = arith.constant 1 : i32
    %swap3A_74 = arith.index_cast %swap3A_73 : i32 to index
    %swap3A_75 = arith.constant 0 : index
    %swap3A_76 = tpu.vector_load %arg10[%swap3A_74, %swap3A_75] {strides = array<i32>} : memref<4x16xi32, #tpu.memory_space<vmem>>, vector<1x16xi32>,
    %swap3A_77 = vector.shape_cast %swap3A_76 : vector<1x16xi32> to vector<16xi32>
    %swap3A_78 = vector.shape_cast %scan3A_71 : vector<16xi32> to vector<1x16xi32>
    tpu.vector_store %arg10[%swap3A_74, %swap3A_75], %swap3A_78 {strides = array<i32>} : memref<4x16xi32, #tpu.memory_space<vmem>>, vector<1x16xi32>,
    %broadcast_in_dim3A_79 = arith.constant 0 : i32
    %broadcast_in_dim3A_80 = vector.broadcast %broadcast_in_dim3A_79 : i32 to vector<16xi32>
    %scan3A_81 = arith.constant 0 : i32
    %scan3A_82 = arith.constant 16 : i32
    %scan3A_83 = arith.addi %scan3A_81, %scan3A_82 : i32
    %scan3A_84 = arith.constant 1 : i32
    %scan3A_85 = scf.for %scan3A_588 = %scan3A_81 to %scan3A_83 step %scan3A_84 iter_args(%scan3A_589 = %broadcast_in_dim3A_80) -> (vector<16xi32>)  : i32 {
      %mul3A_590 = arith.constant 16 : i32
      %mul3A_591 = arith.muli %scan3A_588, %mul3A_590 : i32
      %get3A = arith.constant 2 : i32
      %get3A_592 = arith.index_cast %get3A : i32 to index
      %get3A_593 = arith.index_cast %mul3A_591 : i32 to index
      %get3A_594 = tpu.vector_load %arg7[%get3A_592, %get3A_593] {strides = array<i32>} : memref<4x256xi32, #tpu.memory_space<vmem>>, vector<1x16xi32>,
      %get3A_595 = vector.shape_cast %get3A_594 : vector<1x16xi32> to vector<16xi32>
      %eq3A = arith.constant 1 : i32
      %eq3A_596 = vector.broadcast %eq3A : i32 to vector<16xi32>
      %eq3A_597 = arith.cmpi eq, %get3A_595, %eq3A_596 : vector<16xi32>
      %jit3A = arith.constant 1 : i32
      %jit3A_598 = arith.constant 0 : i32
      %broadcast_in_dim3A_599 = vector.broadcast %jit3A : i32 to vector<16xi32>
      %broadcast_in_dim3A_600 = vector.broadcast %jit3A_598 : i32 to vector<16xi32>
      %select_n3A = arith.select %eq3A_597, %broadcast_in_dim3A_599, %broadcast_in_dim3A_600 : vector<16xi1>, vector<16xi32>
      %add3A_601 = arith.addi %scan3A_589, %select_n3A : vector<16xi32>
      scf.yield %add3A_601 : vector<16xi32>
    }
    %scan3A_86 = arith.constant 16 : i32
    %swap3A_87 = arith.constant 2 : i32
    %swap3A_88 = arith.index_cast %swap3A_87 : i32 to index
    %swap3A_89 = arith.constant 0 : index
    %swap3A_90 = tpu.vector_load %arg10[%swap3A_88, %swap3A_89] {strides = array<i32>} : memref<4x16xi32, #tpu.memory_space<vmem>>, vector<1x16xi32>,
    %swap3A_91 = vector.shape_cast %swap3A_90 : vector<1x16xi32> to vector<16xi32>
    %swap3A_92 = vector.shape_cast %scan3A_85 : vector<16xi32> to vector<1x16xi32>
    tpu.vector_store %arg10[%swap3A_88, %swap3A_89], %swap3A_92 {strides = array<i32>} : memref<4x16xi32, #tpu.memory_space<vmem>>, vector<1x16xi32>,
    %broadcast_in_dim3A_93 = arith.constant 0 : i32
    %broadcast_in_dim3A_94 = vector.broadcast %broadcast_in_dim3A_93 : i32 to vector<16xi32>
    %scan3A_95 = arith.constant 0 : i32
    %scan3A_96 = arith.constant 16 : i32
    %scan3A_97 = arith.addi %scan3A_95, %scan3A_96 : i32
    %scan3A_98 = arith.constant 1 : i32
    %scan3A_99 = scf.for %scan3A_588 = %scan3A_95 to %scan3A_97 step %scan3A_98 iter_args(%scan3A_589 = %broadcast_in_dim3A_94) -> (vector<16xi32>)  : i32 {
      %mul3A_590 = arith.constant 16 : i32
      %mul3A_591 = arith.muli %scan3A_588, %mul3A_590 : i32
      %get3A = arith.constant 3 : i32
      %get3A_592 = arith.index_cast %get3A : i32 to index
      %get3A_593 = arith.index_cast %mul3A_591 : i32 to index
      %get3A_594 = tpu.vector_load %arg7[%get3A_592, %get3A_593] {strides = array<i32>} : memref<4x256xi32, #tpu.memory_space<vmem>>, vector<1x16xi32>,
      %get3A_595 = vector.shape_cast %get3A_594 : vector<1x16xi32> to vector<16xi32>
      %eq3A = arith.constant 1 : i32
      %eq3A_596 = vector.broadcast %eq3A : i32 to vector<16xi32>
      %eq3A_597 = arith.cmpi eq, %get3A_595, %eq3A_596 : vector<16xi32>
      %jit3A = arith.constant 1 : i32
      %jit3A_598 = arith.constant 0 : i32
      %broadcast_in_dim3A_599 = vector.broadcast %jit3A : i32 to vector<16xi32>
      %broadcast_in_dim3A_600 = vector.broadcast %jit3A_598 : i32 to vector<16xi32>
      %select_n3A = arith.select %eq3A_597, %broadcast_in_dim3A_599, %broadcast_in_dim3A_600 : vector<16xi1>, vector<16xi32>
      %add3A_601 = arith.addi %scan3A_589, %select_n3A : vector<16xi32>
      scf.yield %add3A_601 : vector<16xi32>
    }
    %scan3A_100 = arith.constant 16 : i32
    %swap3A_101 = arith.constant 3 : i32
    %swap3A_102 = arith.index_cast %swap3A_101 : i32 to index
    %swap3A_103 = arith.constant 0 : index
    %swap3A_104 = tpu.vector_load %arg10[%swap3A_102, %swap3A_103] {strides = array<i32>} : memref<4x16xi32, #tpu.memory_space<vmem>>, vector<1x16xi32>,
    %swap3A_105 = vector.shape_cast %swap3A_104 : vector<1x16xi32> to vector<16xi32>
    %swap3A_106 = vector.shape_cast %scan3A_99 : vector<16xi32> to vector<1x16xi32>
    tpu.vector_store %arg10[%swap3A_102, %swap3A_103], %swap3A_106 {strides = array<i32>} : memref<4x16xi32, #tpu.memory_space<vmem>>, vector<1x16xi32>,
    "tpu.region"() ({
      %run_scoped3A = tpu.sem_alloc : memref<!tpu.dma_semaphore, #tpu.memory_space<semaphore_mem>>
      %dma_start3A_588 = arith.constant 0 : i32
      %dma_start3A_589 = arith.constant 0 : i32
      %dma_start3A_590 = tpu.memref_slice %arg6[%add3A, %dma_start3A_588, %dma_start3A_589] : memref<32x4x16xi32, #tpu.memory_space<hbm>> -> memref<1x4x16xi32, #tpu.memory_space<hbm>>
      %dma_start3A_591 = tpu.memref_squeeze %dma_start3A_590 : memref<1x4x16xi32, #tpu.memory_space<hbm>> -> memref<4x16xi32, #tpu.memory_space<hbm>>
      %dma_start3A_592 = arith.constant 0 : i32
      %dma_start3A_593 = arith.constant 0 : i32
      %dma_start3A_594 = tpu.memref_slice %arg6[%add3A, %dma_start3A_592, %dma_start3A_593] : memref<32x4x16xi32, #tpu.memory_space<hbm>> -> memref<1x4x16xi32, #tpu.memory_space<hbm>>
      %dma_start3A_595 = tpu.memref_squeeze %dma_start3A_594 : memref<1x4x16xi32, #tpu.memory_space<hbm>> -> memref<4x16xi32, #tpu.memory_space<hbm>>
      tpu.enqueue_dma source(%arg10 : memref<4x16xi32, #tpu.memory_space<vmem>>) target(%dma_start3A_595 : memref<4x16xi32, #tpu.memory_space<hbm>>) target_semaphore(%run_scoped3A : memref<!tpu.dma_semaphore, #tpu.memory_space<semaphore_mem>>)
      %dma_wait3A_596 = arith.constant 0 : i32
      %dma_wait3A_597 = arith.constant 0 : i32
      %dma_wait3A_598 = tpu.memref_slice %arg6[%add3A, %dma_wait3A_596, %dma_wait3A_597] : memref<32x4x16xi32, #tpu.memory_space<hbm>> -> memref<1x4x16xi32, #tpu.memory_space<hbm>>
      %dma_wait3A_599 = tpu.memref_squeeze %dma_wait3A_598 : memref<1x4x16xi32, #tpu.memory_space<hbm>> -> memref<4x16xi32, #tpu.memory_space<hbm>>
      %dma_wait3A_600 = arith.constant 0 : i32
      %dma_wait3A_601 = arith.constant 0 : i32
      %dma_wait3A_602 = tpu.memref_slice %arg6[%add3A, %dma_wait3A_600, %dma_wait3A_601] : memref<32x4x16xi32, #tpu.memory_space<hbm>> -> memref<1x4x16xi32, #tpu.memory_space<hbm>>
      %dma_wait3A_603 = tpu.memref_squeeze %dma_wait3A_602 : memref<1x4x16xi32, #tpu.memory_space<hbm>> -> memref<4x16xi32, #tpu.memory_space<hbm>>
      tpu.wait_dma2 semaphore(%run_scoped3A : memref<!tpu.dma_semaphore, #tpu.memory_space<semaphore_mem>>) src(%arg10 : memref<4x16xi32, #tpu.memory_space<vmem>>) dst(%dma_wait3A_603 : memref<4x16xi32, #tpu.memory_space<hbm>>)
      tpu.yield
    }) : () -> ()
    %dma_wait3A = tpu.memref_slice %arg4[%mul3A_4] : memref<1048576xf32, #tpu.memory_space<hbm>> -> memref<32768xf32, #tpu.memory_space<hbm>>
    %dma_wait3A_107 = tpu.memref_slice %arg4[%mul3A_4] : memref<1048576xf32, #tpu.memory_space<hbm>> -> memref<32768xf32, #tpu.memory_space<hbm>>
    tpu.wait_dma2 semaphore(%arg11 : memref<!tpu.dma_semaphore, #tpu.memory_space<semaphore_mem>>) src(%dma_wait3A_107 : memref<32768xf32, #tpu.memory_space<hbm>>) dst(%arg8 : memref<32768xf32, #tpu.memory_space<vmem>>)
    %dma_start3A_108 = arith.constant 2 : i32
    %dma_start3A_109 = arith.constant 4 : i32
    %dma_start3A_110 = arith.constant 0 : i32
    %dma_start3A_111 = arith.constant 0 : i32
    %dma_start3A_112 = tpu.memref_slice %arg9[%dma_start3A_109, %dma_start3A_110, %dma_start3A_111] : memref<5x128x128xf32, #tpu.memory_space<vmem>> -> memref<1x128x128xf32, #tpu.memory_space<vmem>>
    %dma_start3A_113 = tpu.memref_squeeze %dma_start3A_112 : memref<1x128x128xf32, #tpu.memory_space<vmem>> -> memref<128x128xf32, #tpu.memory_space<vmem>>
    %dma_start3A_114 = arith.constant 0 : i32
    %dma_start3A_115 = tpu.memref_slice %arg7[%dma_start3A_108, %dma_start3A_114] : memref<4x256xi32, #tpu.memory_space<vmem>> -> memref<1x128xi32, #tpu.memory_space<vmem>>
    %dma_start3A_116 = tpu.memref_squeeze %dma_start3A_115 : memref<1x128xi32, #tpu.memory_space<vmem>> -> memref<128xi32, #tpu.memory_space<vmem>>
    %dma_start3A_117 = arith.constant 0 : i32
    %dma_start3A_118 = arith.constant 0 : i32
    %dma_start3A_119 = tpu.memref_slice %arg3[%dma_start3A_117, %dma_start3A_118] : memref<100000x128xf32, #tpu.memory_space<hbm>> -> memref<100000x128xf32, #tpu.memory_space<hbm>>
    tpu.enqueue_indirect_dma source(%dma_start3A_119 : memref<100000x128xf32, #tpu.memory_space<hbm>>) target(%dma_start3A_113 : memref<128x128xf32, #tpu.memory_space<vmem>>) offsets(%dma_start3A_116 : memref<128xi32, #tpu.memory_space<vmem>>) semaphore(%arg16 : memref<!tpu.dma_semaphore, #tpu.memory_space<semaphore_mem>>)
    %dma_wait3A_120 = arith.constant 0 : i32
    %dma_wait3A_121 = arith.constant 0 : i32
    %dma_wait3A_122 = arith.constant 0 : i32
    %dma_wait3A_123 = arith.constant 0 : i32
    %dma_wait3A_124 = tpu.memref_slice %arg9[%dma_wait3A_121, %dma_wait3A_122, %dma_wait3A_123] : memref<5x128x128xf32, #tpu.memory_space<vmem>> -> memref<1x128x128xf32, #tpu.memory_space<vmem>>
    %dma_wait3A_125 = tpu.memref_squeeze %dma_wait3A_124 : memref<1x128x128xf32, #tpu.memory_space<vmem>> -> memref<128x128xf32, #tpu.memory_space<vmem>>
    %dma_wait3A_126 = arith.constant 0 : i32
    %dma_wait3A_127 = tpu.memref_slice %arg7[%dma_wait3A_120, %dma_wait3A_126] : memref<4x256xi32, #tpu.memory_space<vmem>> -> memref<1x128xi32, #tpu.memory_space<vmem>>
    %dma_wait3A_128 = tpu.memref_squeeze %dma_wait3A_127 : memref<1x128xi32, #tpu.memory_space<vmem>> -> memref<128xi32, #tpu.memory_space<vmem>>
    %dma_wait3A_129 = arith.constant 0 : i32
    %dma_wait3A_130 = arith.constant 0 : i32
    %dma_wait3A_131 = tpu.memref_slice %arg3[%dma_wait3A_129, %dma_wait3A_130] : memref<100000x128xf32, #tpu.memory_space<hbm>> -> memref<100000x128xf32, #tpu.memory_space<hbm>>
    tpu.wait_indirect_dma semaphore(%arg12 : memref<!tpu.dma_semaphore, #tpu.memory_space<semaphore_mem>>) src(%dma_wait3A_131 : memref<100000x128xf32, #tpu.memory_space<hbm>>) dst(%dma_wait3A_125 : memref<128x128xf32, #tpu.memory_space<vmem>>)
    %scan3A_132 = arith.constant 0 : i32
    %scan3A_133 = arith.constant 0 : i32
    %scan3A_134 = arith.constant 0 : i32
    %scan3A_135 = arith.constant 128 : i32
    %scan3A_136 = arith.addi %scan3A_134, %scan3A_135 : i32
    %scan3A_137 = arith.constant 1 : i32
    %scan3A_138 = scf.for %scan3A_588 = %scan3A_134 to %scan3A_136 step %scan3A_137 iter_args(%scan3A_589 = %scan3A_133) -> (i32)  : i32 {
      %add3A_590 = arith.constant 0 : i32
      %add3A_591 = arith.addi %add3A_590, %scan3A_588 : i32
      %mul3A_592 = arith.constant 128 : i32
      %mul3A_593 = arith.muli %add3A_591, %mul3A_592 : i32
      %add3A_594 = arith.constant 0 : i32
      %add3A_595 = arith.addi %mul3A_593, %add3A_594 : i32
      %get3A = arith.index_cast %add3A_595 : i32 to index
      %get3A_596 = tpu.vector_load %arg8[%get3A] {strides = array<i32>} : memref<32768xf32, #tpu.memory_space<vmem>>, vector<16xf32>,
      %get3A_597 = vector.shape_cast %get3A_596 : vector<16xf32> to vector<16xf32>
      %swap3A_598 = arith.constant 0 : i32
      %swap3A_599 = arith.constant 0 : i32
      %swap3A_600 = tpu.memref_slice %arg9[%scan3A_132, %swap3A_598, %swap3A_599] : memref<5x128x128xf32, #tpu.memory_space<vmem>> -> memref<1x128x128xf32, #tpu.memory_space<vmem>>
      %swap3A_601 = tpu.memref_squeeze %swap3A_600 : memref<1x128x128xf32, #tpu.memory_space<vmem>> -> memref<128x128xf32, #tpu.memory_space<vmem>>
      %swap3A_602 = arith.index_cast %scan3A_588 : i32 to index
      %swap3A_603 = arith.constant 0 : index
      %swap3A_604 = tpu.vector_load %swap3A_601[%swap3A_602, %swap3A_603] {strides = array<i32>} : memref<128x128xf32, #tpu.memory_space<vmem>>, vector<1x16xf32>,
      %swap3A_605 = vector.shape_cast %swap3A_604 : vector<1x16xf32> to vector<16xf32>
      %swap3A_606 = vector.shape_cast %get3A_597 : vector<16xf32> to vector<1x16xf32>
      tpu.vector_store %swap3A_601[%swap3A_602, %swap3A_603], %swap3A_606 {add = true, strides = array<i32>} : memref<128x128xf32, #tpu.memory_space<vmem>>, vector<1x16xf32>,
      %add3A_607 = arith.constant 16 : i32
      %add3A_608 = arith.addi %mul3A_593, %add3A_607 : i32
      %get3A_609 = arith.index_cast %add3A_608 : i32 to index
      %get3A_610 = tpu.vector_load %arg8[%get3A_609] {strides = array<i32>} : memref<32768xf32, #tpu.memory_space<vmem>>, vector<16xf32>,
      %get3A_611 = vector.shape_cast %get3A_610 : vector<16xf32> to vector<16xf32>
      %swap3A_612 = arith.constant 0 : i32
      %swap3A_613 = arith.constant 0 : i32
      %swap3A_614 = tpu.memref_slice %arg9[%scan3A_132, %swap3A_612, %swap3A_613] : memref<5x128x128xf32, #tpu.memory_space<vmem>> -> memref<1x128x128xf32, #tpu.memory_space<vmem>>
      %swap3A_615 = tpu.memref_squeeze %swap3A_614 : memref<1x128x128xf32, #tpu.memory_space<vmem>> -> memref<128x128xf32, #tpu.memory_space<vmem>>
      %swap3A_616 = arith.index_cast %scan3A_588 : i32 to index
      %swap3A_617 = arith.constant 16 : index
      %swap3A_618 = tpu.vector_load %swap3A_615[%swap3A_616, %swap3A_617] {strides = array<i32>} : memref<128x128xf32, #tpu.memory_space<vmem>>, vector<1x16xf32>,
      %swap3A_619 = vector.shape_cast %swap3A_618 : vector<1x16xf32> to vector<16xf32>
      %swap3A_620 = vector.shape_cast %get3A_611 : vector<16xf32> to vector<1x16xf32>
      tpu.vector_store %swap3A_615[%swap3A_616, %swap3A_617], %swap3A_620 {add = true, strides = array<i32>} : memref<128x128xf32, #tpu.memory_space<vmem>>, vector<1x16xf32>,
      %add3A_621 = arith.constant 32 : i32
      %add3A_622 = arith.addi %mul3A_593, %add3A_621 : i32
      %get3A_623 = arith.index_cast %add3A_622 : i32 to index
      %get3A_624 = tpu.vector_load %arg8[%get3A_623] {strides = array<i32>} : memref<32768xf32, #tpu.memory_space<vmem>>, vector<16xf32>,
      %get3A_625 = vector.shape_cast %get3A_624 : vector<16xf32> to vector<16xf32>
      %swap3A_626 = arith.constant 0 : i32
      %swap3A_627 = arith.constant 0 : i32
      %swap3A_628 = tpu.memref_slice %arg9[%scan3A_132, %swap3A_626, %swap3A_627] : memref<5x128x128xf32, #tpu.memory_space<vmem>> -> memref<1x128x128xf32, #tpu.memory_space<vmem>>
      %swap3A_629 = tpu.memref_squeeze %swap3A_628 : memref<1x128x128xf32, #tpu.memory_space<vmem>> -> memref<128x128xf32, #tpu.memory_space<vmem>>
      %swap3A_630 = arith.index_cast %scan3A_588 : i32 to index
      %swap3A_631 = arith.constant 32 : index
      %swap3A_632 = tpu.vector_load %swap3A_629[%swap3A_630, %swap3A_631] {strides = array<i32>} : memref<128x128xf32, #tpu.memory_space<vmem>>, vector<1x16xf32>,
      %swap3A_633 = vector.shape_cast %swap3A_632 : vector<1x16xf32> to vector<16xf32>
      %swap3A_634 = vector.shape_cast %get3A_625 : vector<16xf32> to vector<1x16xf32>
      tpu.vector_store %swap3A_629[%swap3A_630, %swap3A_631], %swap3A_634 {add = true, strides = array<i32>} : memref<128x128xf32, #tpu.memory_space<vmem>>, vector<1x16xf32>,
      %add3A_635 = arith.constant 48 : i32
      %add3A_636 = arith.addi %mul3A_593, %add3A_635 : i32
      %get3A_637 = arith.index_cast %add3A_636 : i32 to index
      %get3A_638 = tpu.vector_load %arg8[%get3A_637] {strides = array<i32>} : memref<32768xf32, #tpu.memory_space<vmem>>, vector<16xf32>,
      %get3A_639 = vector.shape_cast %get3A_638 : vector<16xf32> to vector<16xf32>
      %swap3A_640 = arith.constant 0 : i32
      %swap3A_641 = arith.constant 0 : i32
      %swap3A_642 = tpu.memref_slice %arg9[%scan3A_132, %swap3A_640, %swap3A_641] : memref<5x128x128xf32, #tpu.memory_space<vmem>> -> memref<1x128x128xf32, #tpu.memory_space<vmem>>
      %swap3A_643 = tpu.memref_squeeze %swap3A_642 : memref<1x128x128xf32, #tpu.memory_space<vmem>> -> memref<128x128xf32, #tpu.memory_space<vmem>>
      %swap3A_644 = arith.index_cast %scan3A_588 : i32 to index
      %swap3A_645 = arith.constant 48 : index
      %swap3A_646 = tpu.vector_load %swap3A_643[%swap3A_644, %swap3A_645] {strides = array<i32>} : memref<128x128xf32, #tpu.memory_space<vmem>>, vector<1x16xf32>,
      %swap3A_647 = vector.shape_cast %swap3A_646 : vector<1x16xf32> to vector<16xf32>
      %swap3A_648 = vector.shape_cast %get3A_639 : vector<16xf32> to vector<1x16xf32>
      tpu.vector_store %swap3A_643[%swap3A_644, %swap3A_645], %swap3A_648 {add = true, strides = array<i32>} : memref<128x128xf32, #tpu.memory_space<vmem>>, vector<1x16xf32>,
      %add3A_649 = arith.constant 64 : i32
      %add3A_650 = arith.addi %mul3A_593, %add3A_649 : i32
      %get3A_651 = arith.index_cast %add3A_650 : i32 to index
      %get3A_652 = tpu.vector_load %arg8[%get3A_651] {strides = array<i32>} : memref<32768xf32, #tpu.memory_space<vmem>>, vector<16xf32>,
      %get3A_653 = vector.shape_cast %get3A_652 : vector<16xf32> to vector<16xf32>
      %swap3A_654 = arith.constant 0 : i32
      %swap3A_655 = arith.constant 0 : i32
      %swap3A_656 = tpu.memref_slice %arg9[%scan3A_132, %swap3A_654, %swap3A_655] : memref<5x128x128xf32, #tpu.memory_space<vmem>> -> memref<1x128x128xf32, #tpu.memory_space<vmem>>
      %swap3A_657 = tpu.memref_squeeze %swap3A_656 : memref<1x128x128xf32, #tpu.memory_space<vmem>> -> memref<128x128xf32, #tpu.memory_space<vmem>>
      %swap3A_658 = arith.index_cast %scan3A_588 : i32 to index
      %swap3A_659 = arith.constant 64 : index
      %swap3A_660 = tpu.vector_load %swap3A_657[%swap3A_658, %swap3A_659] {strides = array<i32>} : memref<128x128xf32, #tpu.memory_space<vmem>>, vector<1x16xf32>,
      %swap3A_661 = vector.shape_cast %swap3A_660 : vector<1x16xf32> to vector<16xf32>
      %swap3A_662 = vector.shape_cast %get3A_653 : vector<16xf32> to vector<1x16xf32>
      tpu.vector_store %swap3A_657[%swap3A_658, %swap3A_659], %swap3A_662 {add = true, strides = array<i32>} : memref<128x128xf32, #tpu.memory_space<vmem>>, vector<1x16xf32>,
      %add3A_663 = arith.constant 80 : i32
      %add3A_664 = arith.addi %mul3A_593, %add3A_663 : i32
      %get3A_665 = arith.index_cast %add3A_664 : i32 to index
      %get3A_666 = tpu.vector_load %arg8[%get3A_665] {strides = array<i32>} : memref<32768xf32, #tpu.memory_space<vmem>>, vector<16xf32>,
      %get3A_667 = vector.shape_cast %get3A_666 : vector<16xf32> to vector<16xf32>
      %swap3A_668 = arith.constant 0 : i32
      %swap3A_669 = arith.constant 0 : i32
      %swap3A_670 = tpu.memref_slice %arg9[%scan3A_132, %swap3A_668, %swap3A_669] : memref<5x128x128xf32, #tpu.memory_space<vmem>> -> memref<1x128x128xf32, #tpu.memory_space<vmem>>
      %swap3A_671 = tpu.memref_squeeze %swap3A_670 : memref<1x128x128xf32, #tpu.memory_space<vmem>> -> memref<128x128xf32, #tpu.memory_space<vmem>>
      %swap3A_672 = arith.index_cast %scan3A_588 : i32 to index
      %swap3A_673 = arith.constant 80 : index
      %swap3A_674 = tpu.vector_load %swap3A_671[%swap3A_672, %swap3A_673] {strides = array<i32>} : memref<128x128xf32, #tpu.memory_space<vmem>>, vector<1x16xf32>,
      %swap3A_675 = vector.shape_cast %swap3A_674 : vector<1x16xf32> to vector<16xf32>
      %swap3A_676 = vector.shape_cast %get3A_667 : vector<16xf32> to vector<1x16xf32>
      tpu.vector_store %swap3A_671[%swap3A_672, %swap3A_673], %swap3A_676 {add = true, strides = array<i32>} : memref<128x128xf32, #tpu.memory_space<vmem>>, vector<1x16xf32>,
      %add3A_677 = arith.constant 96 : i32
      %add3A_678 = arith.addi %mul3A_593, %add3A_677 : i32
      %get3A_679 = arith.index_cast %add3A_678 : i32 to index
      %get3A_680 = tpu.vector_load %arg8[%get3A_679] {strides = array<i32>} : memref<32768xf32, #tpu.memory_space<vmem>>, vector<16xf32>,
      %get3A_681 = vector.shape_cast %get3A_680 : vector<16xf32> to vector<16xf32>
      %swap3A_682 = arith.constant 0 : i32
      %swap3A_683 = arith.constant 0 : i32
      %swap3A_684 = tpu.memref_slice %arg9[%scan3A_132, %swap3A_682, %swap3A_683] : memref<5x128x128xf32, #tpu.memory_space<vmem>> -> memref<1x128x128xf32, #tpu.memory_space<vmem>>
      %swap3A_685 = tpu.memref_squeeze %swap3A_684 : memref<1x128x128xf32, #tpu.memory_space<vmem>> -> memref<128x128xf32, #tpu.memory_space<vmem>>
      %swap3A_686 = arith.index_cast %scan3A_588 : i32 to index
      %swap3A_687 = arith.constant 96 : index
      %swap3A_688 = tpu.vector_load %swap3A_685[%swap3A_686, %swap3A_687] {strides = array<i32>} : memref<128x128xf32, #tpu.memory_space<vmem>>, vector<1x16xf32>,
      %swap3A_689 = vector.shape_cast %swap3A_688 : vector<1x16xf32> to vector<16xf32>
      %swap3A_690 = vector.shape_cast %get3A_681 : vector<16xf32> to vector<1x16xf32>
      tpu.vector_store %swap3A_685[%swap3A_686, %swap3A_687], %swap3A_690 {add = true, strides = array<i32>} : memref<128x128xf32, #tpu.memory_space<vmem>>, vector<1x16xf32>,
      %add3A_691 = arith.constant 112 : i32
      %add3A_692 = arith.addi %mul3A_593, %add3A_691 : i32
      %get3A_693 = arith.index_cast %add3A_692 : i32 to index
      %get3A_694 = tpu.vector_load %arg8[%get3A_693] {strides = array<i32>} : memref<32768xf32, #tpu.memory_space<vmem>>, vector<16xf32>,
      %get3A_695 = vector.shape_cast %get3A_694 : vector<16xf32> to vector<16xf32>
      %swap3A_696 = arith.constant 0 : i32
      %swap3A_697 = arith.constant 0 : i32
      %swap3A_698 = tpu.memref_slice %arg9[%scan3A_132, %swap3A_696, %swap3A_697] : memref<5x128x128xf32, #tpu.memory_space<vmem>> -> memref<1x128x128xf32, #tpu.memory_space<vmem>>
      %swap3A_699 = tpu.memref_squeeze %swap3A_698 : memref<1x128x128xf32, #tpu.memory_space<vmem>> -> memref<128x128xf32, #tpu.memory_space<vmem>>
      %swap3A_700 = arith.index_cast %scan3A_588 : i32 to index
      %swap3A_701 = arith.constant 112 : index
      %swap3A_702 = tpu.vector_load %swap3A_699[%swap3A_700, %swap3A_701] {strides = array<i32>} : memref<128x128xf32, #tpu.memory_space<vmem>>, vector<1x16xf32>,
      %swap3A_703 = vector.shape_cast %swap3A_702 : vector<1x16xf32> to vector<16xf32>
      %swap3A_704 = vector.shape_cast %get3A_695 : vector<16xf32> to vector<1x16xf32>
      tpu.vector_store %swap3A_699[%swap3A_700, %swap3A_701], %swap3A_704 {add = true, strides = array<i32>} : memref<128x128xf32, #tpu.memory_space<vmem>>, vector<1x16xf32>,
      %scan3A_705 = arith.constant 0 : i32
      scf.yield %scan3A_705 : i32
    }
    %scan3A_139 = arith.constant 128 : i32
    %add3A_140 = arith.constant 0 : i32
    %add3A_141 = arith.addi %mul3A_2, %add3A_140 : i32
    %dma_start3A_142 = arith.constant 0 : i32
    %dma_start3A_143 = arith.constant 0 : i32
    %dma_start3A_144 = arith.constant 0 : i32
    %dma_start3A_145 = arith.constant 0 : i32
    %dma_start3A_146 = tpu.memref_slice %arg9[%dma_start3A_142, %dma_start3A_144, %dma_start3A_145] : memref<5x128x128xf32, #tpu.memory_space<vmem>> -> memref<1x128x128xf32, #tpu.memory_space<vmem>>
    %dma_start3A_147 = tpu.memref_squeeze %dma_start3A_146 : memref<1x128x128xf32, #tpu.memory_space<vmem>> -> memref<128x128xf32, #tpu.memory_space<vmem>>
    %dma_start3A_148 = arith.constant 0 : i32
    %dma_start3A_149 = tpu.memref_slice %arg5[%dma_start3A_143, %add3A_141, %dma_start3A_148] : memref<4x8192x128xf32, #tpu.memory_space<hbm>> -> memref<1x128x128xf32, #tpu.memory_space<hbm>>
    %dma_start3A_150 = tpu.memref_squeeze %dma_start3A_149 : memref<1x128x128xf32, #tpu.memory_space<hbm>> -> memref<128x128xf32, #tpu.memory_space<hbm>>
    %dma_start3A_151 = arith.constant 0 : i32
    %dma_start3A_152 = tpu.memref_slice %arg5[%dma_start3A_143, %add3A_141, %dma_start3A_151] : memref<4x8192x128xf32, #tpu.memory_space<hbm>> -> memref<1x128x128xf32, #tpu.memory_space<hbm>>
    %dma_start3A_153 = tpu.memref_squeeze %dma_start3A_152 : memref<1x128x128xf32, #tpu.memory_space<hbm>> -> memref<128x128xf32, #tpu.memory_space<hbm>>
    %dma_start3A_154 = arith.constant 0 : i32
    %dma_start3A_155 = arith.constant 0 : i32
    %dma_start3A_156 = tpu.memref_slice %arg9[%dma_start3A_142, %dma_start3A_154, %dma_start3A_155] : memref<5x128x128xf32, #tpu.memory_space<vmem>> -> memref<1x128x128xf32, #tpu.memory_space<vmem>>
    %dma_start3A_157 = tpu.memref_squeeze %dma_start3A_156 : memref<1x128x128xf32, #tpu.memory_space<vmem>> -> memref<128x128xf32, #tpu.memory_space<vmem>>
    tpu.enqueue_dma source(%dma_start3A_157 : memref<128x128xf32, #tpu.memory_space<vmem>>) target(%dma_start3A_153 : memref<128x128xf32, #tpu.memory_space<hbm>>) target_semaphore(%arg17 : memref<!tpu.dma_semaphore, #tpu.memory_space<semaphore_mem>>)
    %dma_wait3A_158 = arith.constant 0 : i32
    %dma_wait3A_159 = arith.constant 0 : i32
    %dma_wait3A_160 = arith.constant 0 : i32
    %dma_wait3A_161 = arith.constant 0 : i32
    %dma_wait3A_162 = tpu.memref_slice %arg9[%dma_wait3A_158, %dma_wait3A_160, %dma_wait3A_161] : memref<5x128x128xf32, #tpu.memory_space<vmem>> -> memref<1x128x128xf32, #tpu.memory_space<vmem>>
    %dma_wait3A_163 = tpu.memref_squeeze %dma_wait3A_162 : memref<1x128x128xf32, #tpu.memory_space<vmem>> -> memref<128x128xf32, #tpu.memory_space<vmem>>
    %dma_wait3A_164 = arith.constant 0 : i32
    %dma_wait3A_165 = tpu.memref_slice %arg5[%dma_wait3A_159, %add3A_141, %dma_wait3A_164] : memref<4x8192x128xf32, #tpu.memory_space<hbm>> -> memref<1x128x128xf32, #tpu.memory_space<hbm>>
    %dma_wait3A_166 = tpu.memref_squeeze %dma_wait3A_165 : memref<1x128x128xf32, #tpu.memory_space<hbm>> -> memref<128x128xf32, #tpu.memory_space<hbm>>
    %dma_wait3A_167 = arith.constant 0 : i32
    %dma_wait3A_168 = tpu.memref_slice %arg5[%dma_wait3A_159, %add3A_141, %dma_wait3A_167] : memref<4x8192x128xf32, #tpu.memory_space<hbm>> -> memref<1x128x128xf32, #tpu.memory_space<hbm>>
    %dma_wait3A_169 = tpu.memref_squeeze %dma_wait3A_168 : memref<1x128x128xf32, #tpu.memory_space<hbm>> -> memref<128x128xf32, #tpu.memory_space<hbm>>
    %dma_wait3A_170 = arith.constant 0 : i32
    %dma_wait3A_171 = arith.constant 0 : i32
    %dma_wait3A_172 = tpu.memref_slice %arg9[%dma_wait3A_158, %dma_wait3A_170, %dma_wait3A_171] : memref<5x128x128xf32, #tpu.memory_space<vmem>> -> memref<1x128x128xf32, #tpu.memory_space<vmem>>
    %dma_wait3A_173 = tpu.memref_squeeze %dma_wait3A_172 : memref<1x128x128xf32, #tpu.memory_space<vmem>> -> memref<128x128xf32, #tpu.memory_space<vmem>>
    tpu.wait_dma2 semaphore(%arg17 : memref<!tpu.dma_semaphore, #tpu.memory_space<semaphore_mem>>) src(%dma_wait3A_173 : memref<128x128xf32, #tpu.memory_space<vmem>>) dst(%dma_wait3A_169 : memref<128x128xf32, #tpu.memory_space<hbm>>)
    %dma_start3A_174 = arith.constant 2 : i32
    %dma_start3A_175 = arith.constant 0 : i32
    %dma_start3A_176 = arith.constant 0 : i32
    %dma_start3A_177 = arith.constant 0 : i32
    %dma_start3A_178 = tpu.memref_slice %arg9[%dma_start3A_175, %dma_start3A_176, %dma_start3A_177] : memref<5x128x128xf32, #tpu.memory_space<vmem>> -> memref<1x128x128xf32, #tpu.memory_space<vmem>>
    %dma_start3A_179 = tpu.memref_squeeze %dma_start3A_178 : memref<1x128x128xf32, #tpu.memory_space<vmem>> -> memref<128x128xf32, #tpu.memory_space<vmem>>
    %dma_start3A_180 = arith.constant 128 : i32
    %dma_start3A_181 = tpu.memref_slice %arg7[%dma_start3A_174, %dma_start3A_180] : memref<4x256xi32, #tpu.memory_space<vmem>> -> memref<1x128xi32, #tpu.memory_space<vmem>>
    %dma_start3A_182 = tpu.memref_squeeze %dma_start3A_181 : memref<1x128xi32, #tpu.memory_space<vmem>> -> memref<128xi32, #tpu.memory_space<vmem>>
    %dma_start3A_183 = arith.constant 0 : i32
    %dma_start3A_184 = arith.constant 0 : i32
    %dma_start3A_185 = tpu.memref_slice %arg3[%dma_start3A_183, %dma_start3A_184] : memref<100000x128xf32, #tpu.memory_space<hbm>> -> memref<100000x128xf32, #tpu.memory_space<hbm>>
    tpu.enqueue_indirect_dma source(%dma_start3A_185 : memref<100000x128xf32, #tpu.memory_space<hbm>>) target(%dma_start3A_179 : memref<128x128xf32, #tpu.memory_space<vmem>>) offsets(%dma_start3A_182 : memref<128xi32, #tpu.memory_space<vmem>>) semaphore(%arg12 : memref<!tpu.dma_semaphore, #tpu.memory_space<semaphore_mem>>)
    %dma_wait3A_186 = arith.constant 0 : i32
    %dma_wait3A_187 = arith.constant 1 : i32
    %dma_wait3A_188 = arith.constant 0 : i32
    %dma_wait3A_189 = arith.constant 0 : i32
    %dma_wait3A_190 = tpu.memref_slice %arg9[%dma_wait3A_187, %dma_wait3A_188, %dma_wait3A_189] : memref<5x128x128xf32, #tpu.memory_space<vmem>> -> memref<1x128x128xf32, #tpu.memory_space<vmem>>
    %dma_wait3A_191 = tpu.memref_squeeze %dma_wait3A_190 : memref<1x128x128xf32, #tpu.memory_space<vmem>> -> memref<128x128xf32, #tpu.memory_space<vmem>>
    %dma_wait3A_192 = arith.constant 128 : i32
    %dma_wait3A_193 = tpu.memref_slice %arg7[%dma_wait3A_186, %dma_wait3A_192] : memref<4x256xi32, #tpu.memory_space<vmem>> -> memref<1x128xi32, #tpu.memory_space<vmem>>
    %dma_wait3A_194 = tpu.memref_squeeze %dma_wait3A_193 : memref<1x128xi32, #tpu.memory_space<vmem>> -> memref<128xi32, #tpu.memory_space<vmem>>
    %dma_wait3A_195 = arith.constant 0 : i32
    %dma_wait3A_196 = arith.constant 0 : i32
    %dma_wait3A_197 = tpu.memref_slice %arg3[%dma_wait3A_195, %dma_wait3A_196] : memref<100000x128xf32, #tpu.memory_space<hbm>> -> memref<100000x128xf32, #tpu.memory_space<hbm>>
    tpu.wait_indirect_dma semaphore(%arg13 : memref<!tpu.dma_semaphore, #tpu.memory_space<semaphore_mem>>) src(%dma_wait3A_197 : memref<100000x128xf32, #tpu.memory_space<hbm>>) dst(%dma_wait3A_191 : memref<128x128xf32, #tpu.memory_space<vmem>>)
    %scan3A_198 = arith.constant 1 : i32
    %scan3A_199 = arith.constant 0 : i32
    %scan3A_200 = arith.constant 0 : i32
    %scan3A_201 = arith.constant 128 : i32
    %scan3A_202 = arith.addi %scan3A_200, %scan3A_201 : i32
    %scan3A_203 = arith.constant 1 : i32
    %scan3A_204 = scf.for %scan3A_588 = %scan3A_200 to %scan3A_202 step %scan3A_203 iter_args(%scan3A_589 = %scan3A_199) -> (i32)  : i32 {
      %add3A_590 = arith.constant 128 : i32
      %add3A_591 = arith.addi %add3A_590, %scan3A_588 : i32
      %mul3A_592 = arith.constant 128 : i32
      %mul3A_593 = arith.muli %add3A_591, %mul3A_592 : i32
      %add3A_594 = arith.constant 0 : i32
      %add3A_595 = arith.addi %mul3A_593, %add3A_594 : i32
      %get3A = arith.index_cast %add3A_595 : i32 to index
      %get3A_596 = tpu.vector_load %arg8[%get3A] {strides = array<i32>} : memref<32768xf32, #tpu.memory_space<vmem>>, vector<16xf32>,
      %get3A_597 = vector.shape_cast %get3A_596 : vector<16xf32> to vector<16xf32>
      %swap3A_598 = arith.constant 0 : i32
      %swap3A_599 = arith.constant 0 : i32
      %swap3A_600 = tpu.memref_slice %arg9[%scan3A_198, %swap3A_598, %swap3A_599] : memref<5x128x128xf32, #tpu.memory_space<vmem>> -> memref<1x128x128xf32, #tpu.memory_space<vmem>>
      %swap3A_601 = tpu.memref_squeeze %swap3A_600 : memref<1x128x128xf32, #tpu.memory_space<vmem>> -> memref<128x128xf32, #tpu.memory_space<vmem>>
      %swap3A_602 = arith.index_cast %scan3A_588 : i32 to index
      %swap3A_603 = arith.constant 0 : index
      %swap3A_604 = tpu.vector_load %swap3A_601[%swap3A_602, %swap3A_603] {strides = array<i32>} : memref<128x128xf32, #tpu.memory_space<vmem>>, vector<1x16xf32>,
      %swap3A_605 = vector.shape_cast %swap3A_604 : vector<1x16xf32> to vector<16xf32>
      %swap3A_606 = vector.shape_cast %get3A_597 : vector<16xf32> to vector<1x16xf32>
      tpu.vector_store %swap3A_601[%swap3A_602, %swap3A_603], %swap3A_606 {add = true, strides = array<i32>} : memref<128x128xf32, #tpu.memory_space<vmem>>, vector<1x16xf32>,
      %add3A_607 = arith.constant 16 : i32
      %add3A_608 = arith.addi %mul3A_593, %add3A_607 : i32
      %get3A_609 = arith.index_cast %add3A_608 : i32 to index
      %get3A_610 = tpu.vector_load %arg8[%get3A_609] {strides = array<i32>} : memref<32768xf32, #tpu.memory_space<vmem>>, vector<16xf32>,
      %get3A_611 = vector.shape_cast %get3A_610 : vector<16xf32> to vector<16xf32>
      %swap3A_612 = arith.constant 0 : i32
      %swap3A_613 = arith.constant 0 : i32
      %swap3A_614 = tpu.memref_slice %arg9[%scan3A_198, %swap3A_612, %swap3A_613] : memref<5x128x128xf32, #tpu.memory_space<vmem>> -> memref<1x128x128xf32, #tpu.memory_space<vmem>>
      %swap3A_615 = tpu.memref_squeeze %swap3A_614 : memref<1x128x128xf32, #tpu.memory_space<vmem>> -> memref<128x128xf32, #tpu.memory_space<vmem>>
      %swap3A_616 = arith.index_cast %scan3A_588 : i32 to index
      %swap3A_617 = arith.constant 16 : index
      %swap3A_618 = tpu.vector_load %swap3A_615[%swap3A_616, %swap3A_617] {strides = array<i32>} : memref<128x128xf32, #tpu.memory_space<vmem>>, vector<1x16xf32>,
      %swap3A_619 = vector.shape_cast %swap3A_618 : vector<1x16xf32> to vector<16xf32>
      %swap3A_620 = vector.shape_cast %get3A_611 : vector<16xf32> to vector<1x16xf32>
      tpu.vector_store %swap3A_615[%swap3A_616, %swap3A_617], %swap3A_620 {add = true, strides = array<i32>} : memref<128x128xf32, #tpu.memory_space<vmem>>, vector<1x16xf32>,
      %add3A_621 = arith.constant 32 : i32
      %add3A_622 = arith.addi %mul3A_593, %add3A_621 : i32
      %get3A_623 = arith.index_cast %add3A_622 : i32 to index
      %get3A_624 = tpu.vector_load %arg8[%get3A_623] {strides = array<i32>} : memref<32768xf32, #tpu.memory_space<vmem>>, vector<16xf32>,
      %get3A_625 = vector.shape_cast %get3A_624 : vector<16xf32> to vector<16xf32>
      %swap3A_626 = arith.constant 0 : i32
      %swap3A_627 = arith.constant 0 : i32
      %swap3A_628 = tpu.memref_slice %arg9[%scan3A_198, %swap3A_626, %swap3A_627] : memref<5x128x128xf32, #tpu.memory_space<vmem>> -> memref<1x128x128xf32, #tpu.memory_space<vmem>>
      %swap3A_629 = tpu.memref_squeeze %swap3A_628 : memref<1x128x128xf32, #tpu.memory_space<vmem>> -> memref<128x128xf32, #tpu.memory_space<vmem>>
      %swap3A_630 = arith.index_cast %scan3A_588 : i32 to index
      %swap3A_631 = arith.constant 32 : index
      %swap3A_632 = tpu.vector_load %swap3A_629[%swap3A_630, %swap3A_631] {strides = array<i32>} : memref<128x128xf32, #tpu.memory_space<vmem>>, vector<1x16xf32>,
      %swap3A_633 = vector.shape_cast %swap3A_632 : vector<1x16xf32> to vector<16xf32>
      %swap3A_634 = vector.shape_cast %get3A_625 : vector<16xf32> to vector<1x16xf32>
      tpu.vector_store %swap3A_629[%swap3A_630, %swap3A_631], %swap3A_634 {add = true, strides = array<i32>} : memref<128x128xf32, #tpu.memory_space<vmem>>, vector<1x16xf32>,
      %add3A_635 = arith.constant 48 : i32
      %add3A_636 = arith.addi %mul3A_593, %add3A_635 : i32
      %get3A_637 = arith.index_cast %add3A_636 : i32 to index
      %get3A_638 = tpu.vector_load %arg8[%get3A_637] {strides = array<i32>} : memref<32768xf32, #tpu.memory_space<vmem>>, vector<16xf32>,
      %get3A_639 = vector.shape_cast %get3A_638 : vector<16xf32> to vector<16xf32>
      %swap3A_640 = arith.constant 0 : i32
      %swap3A_641 = arith.constant 0 : i32
      %swap3A_642 = tpu.memref_slice %arg9[%scan3A_198, %swap3A_640, %swap3A_641] : memref<5x128x128xf32, #tpu.memory_space<vmem>> -> memref<1x128x128xf32, #tpu.memory_space<vmem>>
      %swap3A_643 = tpu.memref_squeeze %swap3A_642 : memref<1x128x128xf32, #tpu.memory_space<vmem>> -> memref<128x128xf32, #tpu.memory_space<vmem>>
      %swap3A_644 = arith.index_cast %scan3A_588 : i32 to index
      %swap3A_645 = arith.constant 48 : index
      %swap3A_646 = tpu.vector_load %swap3A_643[%swap3A_644, %swap3A_645] {strides = array<i32>} : memref<128x128xf32, #tpu.memory_space<vmem>>, vector<1x16xf32>,
      %swap3A_647 = vector.shape_cast %swap3A_646 : vector<1x16xf32> to vector<16xf32>
      %swap3A_648 = vector.shape_cast %get3A_639 : vector<16xf32> to vector<1x16xf32>
      tpu.vector_store %swap3A_643[%swap3A_644, %swap3A_645], %swap3A_648 {add = true, strides = array<i32>} : memref<128x128xf32, #tpu.memory_space<vmem>>, vector<1x16xf32>,
      %add3A_649 = arith.constant 64 : i32
      %add3A_650 = arith.addi %mul3A_593, %add3A_649 : i32
      %get3A_651 = arith.index_cast %add3A_650 : i32 to index
      %get3A_652 = tpu.vector_load %arg8[%get3A_651] {strides = array<i32>} : memref<32768xf32, #tpu.memory_space<vmem>>, vector<16xf32>,
      %get3A_653 = vector.shape_cast %get3A_652 : vector<16xf32> to vector<16xf32>
      %swap3A_654 = arith.constant 0 : i32
      %swap3A_655 = arith.constant 0 : i32
      %swap3A_656 = tpu.memref_slice %arg9[%scan3A_198, %swap3A_654, %swap3A_655] : memref<5x128x128xf32, #tpu.memory_space<vmem>> -> memref<1x128x128xf32, #tpu.memory_space<vmem>>
      %swap3A_657 = tpu.memref_squeeze %swap3A_656 : memref<1x128x128xf32, #tpu.memory_space<vmem>> -> memref<128x128xf32, #tpu.memory_space<vmem>>
      %swap3A_658 = arith.index_cast %scan3A_588 : i32 to index
      %swap3A_659 = arith.constant 64 : index
      %swap3A_660 = tpu.vector_load %swap3A_657[%swap3A_658, %swap3A_659] {strides = array<i32>} : memref<128x128xf32, #tpu.memory_space<vmem>>, vector<1x16xf32>,
      %swap3A_661 = vector.shape_cast %swap3A_660 : vector<1x16xf32> to vector<16xf32>
      %swap3A_662 = vector.shape_cast %get3A_653 : vector<16xf32> to vector<1x16xf32>
      tpu.vector_store %swap3A_657[%swap3A_658, %swap3A_659], %swap3A_662 {add = true, strides = array<i32>} : memref<128x128xf32, #tpu.memory_space<vmem>>, vector<1x16xf32>,
      %add3A_663 = arith.constant 80 : i32
      %add3A_664 = arith.addi %mul3A_593, %add3A_663 : i32
      %get3A_665 = arith.index_cast %add3A_664 : i32 to index
      %get3A_666 = tpu.vector_load %arg8[%get3A_665] {strides = array<i32>} : memref<32768xf32, #tpu.memory_space<vmem>>, vector<16xf32>,
      %get3A_667 = vector.shape_cast %get3A_666 : vector<16xf32> to vector<16xf32>
      %swap3A_668 = arith.constant 0 : i32
      %swap3A_669 = arith.constant 0 : i32
      %swap3A_670 = tpu.memref_slice %arg9[%scan3A_198, %swap3A_668, %swap3A_669] : memref<5x128x128xf32, #tpu.memory_space<vmem>> -> memref<1x128x128xf32, #tpu.memory_space<vmem>>
      %swap3A_671 = tpu.memref_squeeze %swap3A_670 : memref<1x128x128xf32, #tpu.memory_space<vmem>> -> memref<128x128xf32, #tpu.memory_space<vmem>>
      %swap3A_672 = arith.index_cast %scan3A_588 : i32 to index
      %swap3A_673 = arith.constant 80 : index
      %swap3A_674 = tpu.vector_load %swap3A_671[%swap3A_672, %swap3A_673] {strides = array<i32>} : memref<128x128xf32, #tpu.memory_space<vmem>>, vector<1x16xf32>,
      %swap3A_675 = vector.shape_cast %swap3A_674 : vector<1x16xf32> to vector<16xf32>
      %swap3A_676 = vector.shape_cast %get3A_667 : vector<16xf32> to vector<1x16xf32>
      tpu.vector_store %swap3A_671[%swap3A_672, %swap3A_673], %swap3A_676 {add = true, strides = array<i32>} : memref<128x128xf32, #tpu.memory_space<vmem>>, vector<1x16xf32>,
      %add3A_677 = arith.constant 96 : i32
      %add3A_678 = arith.addi %mul3A_593, %add3A_677 : i32
      %get3A_679 = arith.index_cast %add3A_678 : i32 to index
      %get3A_680 = tpu.vector_load %arg8[%get3A_679] {strides = array<i32>} : memref<32768xf32, #tpu.memory_space<vmem>>, vector<16xf32>,
      %get3A_681 = vector.shape_cast %get3A_680 : vector<16xf32> to vector<16xf32>
      %swap3A_682 = arith.constant 0 : i32
      %swap3A_683 = arith.constant 0 : i32
      %swap3A_684 = tpu.memref_slice %arg9[%scan3A_198, %swap3A_682, %swap3A_683] : memref<5x128x128xf32, #tpu.memory_space<vmem>> -> memref<1x128x128xf32, #tpu.memory_space<vmem>>
      %swap3A_685 = tpu.memref_squeeze %swap3A_684 : memref<1x128x128xf32, #tpu.memory_space<vmem>> -> memref<128x128xf32, #tpu.memory_space<vmem>>
      %swap3A_686 = arith.index_cast %scan3A_588 : i32 to index
      %swap3A_687 = arith.constant 96 : index
      %swap3A_688 = tpu.vector_load %swap3A_685[%swap3A_686, %swap3A_687] {strides = array<i32>} : memref<128x128xf32, #tpu.memory_space<vmem>>, vector<1x16xf32>,
      %swap3A_689 = vector.shape_cast %swap3A_688 : vector<1x16xf32> to vector<16xf32>
      %swap3A_690 = vector.shape_cast %get3A_681 : vector<16xf32> to vector<1x16xf32>
      tpu.vector_store %swap3A_685[%swap3A_686, %swap3A_687], %swap3A_690 {add = true, strides = array<i32>} : memref<128x128xf32, #tpu.memory_space<vmem>>, vector<1x16xf32>,
      %add3A_691 = arith.constant 112 : i32
      %add3A_692 = arith.addi %mul3A_593, %add3A_691 : i32
      %get3A_693 = arith.index_cast %add3A_692 : i32 to index
      %get3A_694 = tpu.vector_load %arg8[%get3A_693] {strides = array<i32>} : memref<32768xf32, #tpu.memory_space<vmem>>, vector<16xf32>,
      %get3A_695 = vector.shape_cast %get3A_694 : vector<16xf32> to vector<16xf32>
      %swap3A_696 = arith.constant 0 : i32
      %swap3A_697 = arith.constant 0 : i32
      %swap3A_698 = tpu.memref_slice %arg9[%scan3A_198, %swap3A_696, %swap3A_697] : memref<5x128x128xf32, #tpu.memory_space<vmem>> -> memref<1x128x128xf32, #tpu.memory_space<vmem>>
      %swap3A_699 = tpu.memref_squeeze %swap3A_698 : memref<1x128x128xf32, #tpu.memory_space<vmem>> -> memref<128x128xf32, #tpu.memory_space<vmem>>
      %swap3A_700 = arith.index_cast %scan3A_588 : i32 to index
      %swap3A_701 = arith.constant 112 : index
      %swap3A_702 = tpu.vector_load %swap3A_699[%swap3A_700, %swap3A_701] {strides = array<i32>} : memref<128x128xf32, #tpu.memory_space<vmem>>, vector<1x16xf32>,
      %swap3A_703 = vector.shape_cast %swap3A_702 : vector<1x16xf32> to vector<16xf32>
      %swap3A_704 = vector.shape_cast %get3A_695 : vector<16xf32> to vector<1x16xf32>
      tpu.vector_store %swap3A_699[%swap3A_700, %swap3A_701], %swap3A_704 {add = true, strides = array<i32>} : memref<128x128xf32, #tpu.memory_space<vmem>>, vector<1x16xf32>,
      %scan3A_705 = arith.constant 0 : i32
      scf.yield %scan3A_705 : i32
    }
    %scan3A_205 = arith.constant 128 : i32
    %add3A_206 = arith.constant 128 : i32
    %add3A_207 = arith.addi %mul3A_2, %add3A_206 : i32
    %dma_start3A_208 = arith.constant 1 : i32
    %dma_start3A_209 = arith.constant 0 : i32
    %dma_start3A_210 = arith.constant 0 : i32
    %dma_start3A_211 = arith.constant 0 : i32
    %dma_start3A_212 = tpu.memref_slice %arg9[%dma_start3A_208, %dma_start3A_210, %dma_start3A_211] : memref<5x128x128xf32, #tpu.memory_space<vmem>> -> memref<1x128x128xf32, #tpu.memory_space<vmem>>
    %dma_start3A_213 = tpu.memref_squeeze %dma_start3A_212 : memref<1x128x128xf32, #tpu.memory_space<vmem>> -> memref<128x128xf32, #tpu.memory_space<vmem>>
    %dma_start3A_214 = arith.constant 0 : i32
    %dma_start3A_215 = tpu.memref_slice %arg5[%dma_start3A_209, %add3A_207, %dma_start3A_214] : memref<4x8192x128xf32, #tpu.memory_space<hbm>> -> memref<1x128x128xf32, #tpu.memory_space<hbm>>
    %dma_start3A_216 = tpu.memref_squeeze %dma_start3A_215 : memref<1x128x128xf32, #tpu.memory_space<hbm>> -> memref<128x128xf32, #tpu.memory_space<hbm>>
    %dma_start3A_217 = arith.constant 0 : i32
    %dma_start3A_218 = tpu.memref_slice %arg5[%dma_start3A_209, %add3A_207, %dma_start3A_217] : memref<4x8192x128xf32, #tpu.memory_space<hbm>> -> memref<1x128x128xf32, #tpu.memory_space<hbm>>
    %dma_start3A_219 = tpu.memref_squeeze %dma_start3A_218 : memref<1x128x128xf32, #tpu.memory_space<hbm>> -> memref<128x128xf32, #tpu.memory_space<hbm>>
    %dma_start3A_220 = arith.constant 0 : i32
    %dma_start3A_221 = arith.constant 0 : i32
    %dma_start3A_222 = tpu.memref_slice %arg9[%dma_start3A_208, %dma_start3A_220, %dma_start3A_221] : memref<5x128x128xf32, #tpu.memory_space<vmem>> -> memref<1x128x128xf32, #tpu.memory_space<vmem>>
    %dma_start3A_223 = tpu.memref_squeeze %dma_start3A_222 : memref<1x128x128xf32, #tpu.memory_space<vmem>> -> memref<128x128xf32, #tpu.memory_space<vmem>>
    tpu.enqueue_dma source(%dma_start3A_223 : memref<128x128xf32, #tpu.memory_space<vmem>>) target(%dma_start3A_219 : memref<128x128xf32, #tpu.memory_space<hbm>>) target_semaphore(%arg18 : memref<!tpu.dma_semaphore, #tpu.memory_space<semaphore_mem>>)
    %dma_wait3A_224 = arith.constant 1 : i32
    %dma_wait3A_225 = arith.constant 0 : i32
    %dma_wait3A_226 = arith.constant 0 : i32
    %dma_wait3A_227 = arith.constant 0 : i32
    %dma_wait3A_228 = tpu.memref_slice %arg9[%dma_wait3A_224, %dma_wait3A_226, %dma_wait3A_227] : memref<5x128x128xf32, #tpu.memory_space<vmem>> -> memref<1x128x128xf32, #tpu.memory_space<vmem>>
    %dma_wait3A_229 = tpu.memref_squeeze %dma_wait3A_228 : memref<1x128x128xf32, #tpu.memory_space<vmem>> -> memref<128x128xf32, #tpu.memory_space<vmem>>
    %dma_wait3A_230 = arith.constant 0 : i32
    %dma_wait3A_231 = tpu.memref_slice %arg5[%dma_wait3A_225, %add3A_207, %dma_wait3A_230] : memref<4x8192x128xf32, #tpu.memory_space<hbm>> -> memref<1x128x128xf32, #tpu.memory_space<hbm>>
    %dma_wait3A_232 = tpu.memref_squeeze %dma_wait3A_231 : memref<1x128x128xf32, #tpu.memory_space<hbm>> -> memref<128x128xf32, #tpu.memory_space<hbm>>
    %dma_wait3A_233 = arith.constant 0 : i32
    %dma_wait3A_234 = tpu.memref_slice %arg5[%dma_wait3A_225, %add3A_207, %dma_wait3A_233] : memref<4x8192x128xf32, #tpu.memory_space<hbm>> -> memref<1x128x128xf32, #tpu.memory_space<hbm>>
    %dma_wait3A_235 = tpu.memref_squeeze %dma_wait3A_234 : memref<1x128x128xf32, #tpu.memory_space<hbm>> -> memref<128x128xf32, #tpu.memory_space<hbm>>
    %dma_wait3A_236 = arith.constant 0 : i32
    %dma_wait3A_237 = arith.constant 0 : i32
    %dma_wait3A_238 = tpu.memref_slice %arg9[%dma_wait3A_224, %dma_wait3A_236, %dma_wait3A_237] : memref<5x128x128xf32, #tpu.memory_space<vmem>> -> memref<1x128x128xf32, #tpu.memory_space<vmem>>
    %dma_wait3A_239 = tpu.memref_squeeze %dma_wait3A_238 : memref<1x128x128xf32, #tpu.memory_space<vmem>> -> memref<128x128xf32, #tpu.memory_space<vmem>>
    tpu.wait_dma2 semaphore(%arg18 : memref<!tpu.dma_semaphore, #tpu.memory_space<semaphore_mem>>) src(%dma_wait3A_239 : memref<128x128xf32, #tpu.memory_space<vmem>>) dst(%dma_wait3A_235 : memref<128x128xf32, #tpu.memory_space<hbm>>)
    %dma_start3A_240 = arith.constant 3 : i32
    %dma_start3A_241 = arith.constant 1 : i32
    %dma_start3A_242 = arith.constant 0 : i32
    %dma_start3A_243 = arith.constant 0 : i32
    %dma_start3A_244 = tpu.memref_slice %arg9[%dma_start3A_241, %dma_start3A_242, %dma_start3A_243] : memref<5x128x128xf32, #tpu.memory_space<vmem>> -> memref<1x128x128xf32, #tpu.memory_space<vmem>>
    %dma_start3A_245 = tpu.memref_squeeze %dma_start3A_244 : memref<1x128x128xf32, #tpu.memory_space<vmem>> -> memref<128x128xf32, #tpu.memory_space<vmem>>
    %dma_start3A_246 = arith.constant 0 : i32
    %dma_start3A_247 = tpu.memref_slice %arg7[%dma_start3A_240, %dma_start3A_246] : memref<4x256xi32, #tpu.memory_space<vmem>> -> memref<1x128xi32, #tpu.memory_space<vmem>>
    %dma_start3A_248 = tpu.memref_squeeze %dma_start3A_247 : memref<1x128xi32, #tpu.memory_space<vmem>> -> memref<128xi32, #tpu.memory_space<vmem>>
    %dma_start3A_249 = arith.constant 0 : i32
    %dma_start3A_250 = arith.constant 0 : i32
    %dma_start3A_251 = tpu.memref_slice %arg3[%dma_start3A_249, %dma_start3A_250] : memref<100000x128xf32, #tpu.memory_space<hbm>> -> memref<100000x128xf32, #tpu.memory_space<hbm>>
    tpu.enqueue_indirect_dma source(%dma_start3A_251 : memref<100000x128xf32, #tpu.memory_space<hbm>>) target(%dma_start3A_245 : memref<128x128xf32, #tpu.memory_space<vmem>>) offsets(%dma_start3A_248 : memref<128xi32, #tpu.memory_space<vmem>>) semaphore(%arg13 : memref<!tpu.dma_semaphore, #tpu.memory_space<semaphore_mem>>)
    %dma_wait3A_252 = arith.constant 1 : i32
    %dma_wait3A_253 = arith.constant 2 : i32
    %dma_wait3A_254 = arith.constant 0 : i32
    %dma_wait3A_255 = arith.constant 0 : i32
    %dma_wait3A_256 = tpu.memref_slice %arg9[%dma_wait3A_253, %dma_wait3A_254, %dma_wait3A_255] : memref<5x128x128xf32, #tpu.memory_space<vmem>> -> memref<1x128x128xf32, #tpu.memory_space<vmem>>
    %dma_wait3A_257 = tpu.memref_squeeze %dma_wait3A_256 : memref<1x128x128xf32, #tpu.memory_space<vmem>> -> memref<128x128xf32, #tpu.memory_space<vmem>>
    %dma_wait3A_258 = arith.constant 0 : i32
    %dma_wait3A_259 = tpu.memref_slice %arg7[%dma_wait3A_252, %dma_wait3A_258] : memref<4x256xi32, #tpu.memory_space<vmem>> -> memref<1x128xi32, #tpu.memory_space<vmem>>
    %dma_wait3A_260 = tpu.memref_squeeze %dma_wait3A_259 : memref<1x128xi32, #tpu.memory_space<vmem>> -> memref<128xi32, #tpu.memory_space<vmem>>
    %dma_wait3A_261 = arith.constant 0 : i32
    %dma_wait3A_262 = arith.constant 0 : i32
    %dma_wait3A_263 = tpu.memref_slice %arg3[%dma_wait3A_261, %dma_wait3A_262] : memref<100000x128xf32, #tpu.memory_space<hbm>> -> memref<100000x128xf32, #tpu.memory_space<hbm>>
    tpu.wait_indirect_dma semaphore(%arg14 : memref<!tpu.dma_semaphore, #tpu.memory_space<semaphore_mem>>) src(%dma_wait3A_263 : memref<100000x128xf32, #tpu.memory_space<hbm>>) dst(%dma_wait3A_257 : memref<128x128xf32, #tpu.memory_space<vmem>>)
    %scan3A_264 = arith.constant 2 : i32
    %scan3A_265 = arith.constant 0 : i32
    %scan3A_266 = arith.constant 0 : i32
    %scan3A_267 = arith.constant 128 : i32
    %scan3A_268 = arith.addi %scan3A_266, %scan3A_267 : i32
    %scan3A_269 = arith.constant 1 : i32
    %scan3A_270 = scf.for %scan3A_588 = %scan3A_266 to %scan3A_268 step %scan3A_269 iter_args(%scan3A_589 = %scan3A_265) -> (i32)  : i32 {
      %add3A_590 = arith.constant 0 : i32
      %add3A_591 = arith.addi %add3A_590, %scan3A_588 : i32
      %mul3A_592 = arith.constant 128 : i32
      %mul3A_593 = arith.muli %add3A_591, %mul3A_592 : i32
      %add3A_594 = arith.constant 0 : i32
      %add3A_595 = arith.addi %mul3A_593, %add3A_594 : i32
      %get3A = arith.index_cast %add3A_595 : i32 to index
      %get3A_596 = tpu.vector_load %arg8[%get3A] {strides = array<i32>} : memref<32768xf32, #tpu.memory_space<vmem>>, vector<16xf32>,
      %get3A_597 = vector.shape_cast %get3A_596 : vector<16xf32> to vector<16xf32>
      %swap3A_598 = arith.constant 0 : i32
      %swap3A_599 = arith.constant 0 : i32
      %swap3A_600 = tpu.memref_slice %arg9[%scan3A_264, %swap3A_598, %swap3A_599] : memref<5x128x128xf32, #tpu.memory_space<vmem>> -> memref<1x128x128xf32, #tpu.memory_space<vmem>>
      %swap3A_601 = tpu.memref_squeeze %swap3A_600 : memref<1x128x128xf32, #tpu.memory_space<vmem>> -> memref<128x128xf32, #tpu.memory_space<vmem>>
      %swap3A_602 = arith.index_cast %scan3A_588 : i32 to index
      %swap3A_603 = arith.constant 0 : index
      %swap3A_604 = tpu.vector_load %swap3A_601[%swap3A_602, %swap3A_603] {strides = array<i32>} : memref<128x128xf32, #tpu.memory_space<vmem>>, vector<1x16xf32>,
      %swap3A_605 = vector.shape_cast %swap3A_604 : vector<1x16xf32> to vector<16xf32>
      %swap3A_606 = vector.shape_cast %get3A_597 : vector<16xf32> to vector<1x16xf32>
      tpu.vector_store %swap3A_601[%swap3A_602, %swap3A_603], %swap3A_606 {add = true, strides = array<i32>} : memref<128x128xf32, #tpu.memory_space<vmem>>, vector<1x16xf32>,
      %add3A_607 = arith.constant 16 : i32
      %add3A_608 = arith.addi %mul3A_593, %add3A_607 : i32
      %get3A_609 = arith.index_cast %add3A_608 : i32 to index
      %get3A_610 = tpu.vector_load %arg8[%get3A_609] {strides = array<i32>} : memref<32768xf32, #tpu.memory_space<vmem>>, vector<16xf32>,
      %get3A_611 = vector.shape_cast %get3A_610 : vector<16xf32> to vector<16xf32>
      %swap3A_612 = arith.constant 0 : i32
      %swap3A_613 = arith.constant 0 : i32
      %swap3A_614 = tpu.memref_slice %arg9[%scan3A_264, %swap3A_612, %swap3A_613] : memref<5x128x128xf32, #tpu.memory_space<vmem>> -> memref<1x128x128xf32, #tpu.memory_space<vmem>>
      %swap3A_615 = tpu.memref_squeeze %swap3A_614 : memref<1x128x128xf32, #tpu.memory_space<vmem>> -> memref<128x128xf32, #tpu.memory_space<vmem>>
      %swap3A_616 = arith.index_cast %scan3A_588 : i32 to index
      %swap3A_617 = arith.constant 16 : index
      %swap3A_618 = tpu.vector_load %swap3A_615[%swap3A_616, %swap3A_617] {strides = array<i32>} : memref<128x128xf32, #tpu.memory_space<vmem>>, vector<1x16xf32>,
      %swap3A_619 = vector.shape_cast %swap3A_618 : vector<1x16xf32> to vector<16xf32>
      %swap3A_620 = vector.shape_cast %get3A_611 : vector<16xf32> to vector<1x16xf32>
      tpu.vector_store %swap3A_615[%swap3A_616, %swap3A_617], %swap3A_620 {add = true, strides = array<i32>} : memref<128x128xf32, #tpu.memory_space<vmem>>, vector<1x16xf32>,
      %add3A_621 = arith.constant 32 : i32
      %add3A_622 = arith.addi %mul3A_593, %add3A_621 : i32
      %get3A_623 = arith.index_cast %add3A_622 : i32 to index
      %get3A_624 = tpu.vector_load %arg8[%get3A_623] {strides = array<i32>} : memref<32768xf32, #tpu.memory_space<vmem>>, vector<16xf32>,
      %get3A_625 = vector.shape_cast %get3A_624 : vector<16xf32> to vector<16xf32>
      %swap3A_626 = arith.constant 0 : i32
      %swap3A_627 = arith.constant 0 : i32
      %swap3A_628 = tpu.memref_slice %arg9[%scan3A_264, %swap3A_626, %swap3A_627] : memref<5x128x128xf32, #tpu.memory_space<vmem>> -> memref<1x128x128xf32, #tpu.memory_space<vmem>>
      %swap3A_629 = tpu.memref_squeeze %swap3A_628 : memref<1x128x128xf32, #tpu.memory_space<vmem>> -> memref<128x128xf32, #tpu.memory_space<vmem>>
      %swap3A_630 = arith.index_cast %scan3A_588 : i32 to index
      %swap3A_631 = arith.constant 32 : index
      %swap3A_632 = tpu.vector_load %swap3A_629[%swap3A_630, %swap3A_631] {strides = array<i32>} : memref<128x128xf32, #tpu.memory_space<vmem>>, vector<1x16xf32>,
      %swap3A_633 = vector.shape_cast %swap3A_632 : vector<1x16xf32> to vector<16xf32>
      %swap3A_634 = vector.shape_cast %get3A_625 : vector<16xf32> to vector<1x16xf32>
      tpu.vector_store %swap3A_629[%swap3A_630, %swap3A_631], %swap3A_634 {add = true, strides = array<i32>} : memref<128x128xf32, #tpu.memory_space<vmem>>, vector<1x16xf32>,
      %add3A_635 = arith.constant 48 : i32
      %add3A_636 = arith.addi %mul3A_593, %add3A_635 : i32
      %get3A_637 = arith.index_cast %add3A_636 : i32 to index
      %get3A_638 = tpu.vector_load %arg8[%get3A_637] {strides = array<i32>} : memref<32768xf32, #tpu.memory_space<vmem>>, vector<16xf32>,
      %get3A_639 = vector.shape_cast %get3A_638 : vector<16xf32> to vector<16xf32>
      %swap3A_640 = arith.constant 0 : i32
      %swap3A_641 = arith.constant 0 : i32
      %swap3A_642 = tpu.memref_slice %arg9[%scan3A_264, %swap3A_640, %swap3A_641] : memref<5x128x128xf32, #tpu.memory_space<vmem>> -> memref<1x128x128xf32, #tpu.memory_space<vmem>>
      %swap3A_643 = tpu.memref_squeeze %swap3A_642 : memref<1x128x128xf32, #tpu.memory_space<vmem>> -> memref<128x128xf32, #tpu.memory_space<vmem>>
      %swap3A_644 = arith.index_cast %scan3A_588 : i32 to index
      %swap3A_645 = arith.constant 48 : index
      %swap3A_646 = tpu.vector_load %swap3A_643[%swap3A_644, %swap3A_645] {strides = array<i32>} : memref<128x128xf32, #tpu.memory_space<vmem>>, vector<1x16xf32>,
      %swap3A_647 = vector.shape_cast %swap3A_646 : vector<1x16xf32> to vector<16xf32>
      %swap3A_648 = vector.shape_cast %get3A_639 : vector<16xf32> to vector<1x16xf32>
      tpu.vector_store %swap3A_643[%swap3A_644, %swap3A_645], %swap3A_648 {add = true, strides = array<i32>} : memref<128x128xf32, #tpu.memory_space<vmem>>, vector<1x16xf32>,
      %add3A_649 = arith.constant 64 : i32
      %add3A_650 = arith.addi %mul3A_593, %add3A_649 : i32
      %get3A_651 = arith.index_cast %add3A_650 : i32 to index
      %get3A_652 = tpu.vector_load %arg8[%get3A_651] {strides = array<i32>} : memref<32768xf32, #tpu.memory_space<vmem>>, vector<16xf32>,
      %get3A_653 = vector.shape_cast %get3A_652 : vector<16xf32> to vector<16xf32>
      %swap3A_654 = arith.constant 0 : i32
      %swap3A_655 = arith.constant 0 : i32
      %swap3A_656 = tpu.memref_slice %arg9[%scan3A_264, %swap3A_654, %swap3A_655] : memref<5x128x128xf32, #tpu.memory_space<vmem>> -> memref<1x128x128xf32, #tpu.memory_space<vmem>>
      %swap3A_657 = tpu.memref_squeeze %swap3A_656 : memref<1x128x128xf32, #tpu.memory_space<vmem>> -> memref<128x128xf32, #tpu.memory_space<vmem>>
      %swap3A_658 = arith.index_cast %scan3A_588 : i32 to index
      %swap3A_659 = arith.constant 64 : index
      %swap3A_660 = tpu.vector_load %swap3A_657[%swap3A_658, %swap3A_659] {strides = array<i32>} : memref<128x128xf32, #tpu.memory_space<vmem>>, vector<1x16xf32>,
      %swap3A_661 = vector.shape_cast %swap3A_660 : vector<1x16xf32> to vector<16xf32>
      %swap3A_662 = vector.shape_cast %get3A_653 : vector<16xf32> to vector<1x16xf32>
      tpu.vector_store %swap3A_657[%swap3A_658, %swap3A_659], %swap3A_662 {add = true, strides = array<i32>} : memref<128x128xf32, #tpu.memory_space<vmem>>, vector<1x16xf32>,
      %add3A_663 = arith.constant 80 : i32
      %add3A_664 = arith.addi %mul3A_593, %add3A_663 : i32
      %get3A_665 = arith.index_cast %add3A_664 : i32 to index
      %get3A_666 = tpu.vector_load %arg8[%get3A_665] {strides = array<i32>} : memref<32768xf32, #tpu.memory_space<vmem>>, vector<16xf32>,
      %get3A_667 = vector.shape_cast %get3A_666 : vector<16xf32> to vector<16xf32>
      %swap3A_668 = arith.constant 0 : i32
      %swap3A_669 = arith.constant 0 : i32
      %swap3A_670 = tpu.memref_slice %arg9[%scan3A_264, %swap3A_668, %swap3A_669] : memref<5x128x128xf32, #tpu.memory_space<vmem>> -> memref<1x128x128xf32, #tpu.memory_space<vmem>>
      %swap3A_671 = tpu.memref_squeeze %swap3A_670 : memref<1x128x128xf32, #tpu.memory_space<vmem>> -> memref<128x128xf32, #tpu.memory_space<vmem>>
      %swap3A_672 = arith.index_cast %scan3A_588 : i32 to index
      %swap3A_673 = arith.constant 80 : index
      %swap3A_674 = tpu.vector_load %swap3A_671[%swap3A_672, %swap3A_673] {strides = array<i32>} : memref<128x128xf32, #tpu.memory_space<vmem>>, vector<1x16xf32>,
      %swap3A_675 = vector.shape_cast %swap3A_674 : vector<1x16xf32> to vector<16xf32>
      %swap3A_676 = vector.shape_cast %get3A_667 : vector<16xf32> to vector<1x16xf32>
      tpu.vector_store %swap3A_671[%swap3A_672, %swap3A_673], %swap3A_676 {add = true, strides = array<i32>} : memref<128x128xf32, #tpu.memory_space<vmem>>, vector<1x16xf32>,
      %add3A_677 = arith.constant 96 : i32
      %add3A_678 = arith.addi %mul3A_593, %add3A_677 : i32
      %get3A_679 = arith.index_cast %add3A_678 : i32 to index
      %get3A_680 = tpu.vector_load %arg8[%get3A_679] {strides = array<i32>} : memref<32768xf32, #tpu.memory_space<vmem>>, vector<16xf32>,
      %get3A_681 = vector.shape_cast %get3A_680 : vector<16xf32> to vector<16xf32>
      %swap3A_682 = arith.constant 0 : i32
      %swap3A_683 = arith.constant 0 : i32
      %swap3A_684 = tpu.memref_slice %arg9[%scan3A_264, %swap3A_682, %swap3A_683] : memref<5x128x128xf32, #tpu.memory_space<vmem>> -> memref<1x128x128xf32, #tpu.memory_space<vmem>>
      %swap3A_685 = tpu.memref_squeeze %swap3A_684 : memref<1x128x128xf32, #tpu.memory_space<vmem>> -> memref<128x128xf32, #tpu.memory_space<vmem>>
      %swap3A_686 = arith.index_cast %scan3A_588 : i32 to index
      %swap3A_687 = arith.constant 96 : index
      %swap3A_688 = tpu.vector_load %swap3A_685[%swap3A_686, %swap3A_687] {strides = array<i32>} : memref<128x128xf32, #tpu.memory_space<vmem>>, vector<1x16xf32>,
      %swap3A_689 = vector.shape_cast %swap3A_688 : vector<1x16xf32> to vector<16xf32>
      %swap3A_690 = vector.shape_cast %get3A_681 : vector<16xf32> to vector<1x16xf32>
      tpu.vector_store %swap3A_685[%swap3A_686, %swap3A_687], %swap3A_690 {add = true, strides = array<i32>} : memref<128x128xf32, #tpu.memory_space<vmem>>, vector<1x16xf32>,
      %add3A_691 = arith.constant 112 : i32
      %add3A_692 = arith.addi %mul3A_593, %add3A_691 : i32
      %get3A_693 = arith.index_cast %add3A_692 : i32 to index
      %get3A_694 = tpu.vector_load %arg8[%get3A_693] {strides = array<i32>} : memref<32768xf32, #tpu.memory_space<vmem>>, vector<16xf32>,
      %get3A_695 = vector.shape_cast %get3A_694 : vector<16xf32> to vector<16xf32>
      %swap3A_696 = arith.constant 0 : i32
      %swap3A_697 = arith.constant 0 : i32
      %swap3A_698 = tpu.memref_slice %arg9[%scan3A_264, %swap3A_696, %swap3A_697] : memref<5x128x128xf32, #tpu.memory_space<vmem>> -> memref<1x128x128xf32, #tpu.memory_space<vmem>>
      %swap3A_699 = tpu.memref_squeeze %swap3A_698 : memref<1x128x128xf32, #tpu.memory_space<vmem>> -> memref<128x128xf32, #tpu.memory_space<vmem>>
      %swap3A_700 = arith.index_cast %scan3A_588 : i32 to index
      %swap3A_701 = arith.constant 112 : index
      %swap3A_702 = tpu.vector_load %swap3A_699[%swap3A_700, %swap3A_701] {strides = array<i32>} : memref<128x128xf32, #tpu.memory_space<vmem>>, vector<1x16xf32>,
      %swap3A_703 = vector.shape_cast %swap3A_702 : vector<1x16xf32> to vector<16xf32>
      %swap3A_704 = vector.shape_cast %get3A_695 : vector<16xf32> to vector<1x16xf32>
      tpu.vector_store %swap3A_699[%swap3A_700, %swap3A_701], %swap3A_704 {add = true, strides = array<i32>} : memref<128x128xf32, #tpu.memory_space<vmem>>, vector<1x16xf32>,
      %scan3A_705 = arith.constant 0 : i32
      scf.yield %scan3A_705 : i32
    }
    %scan3A_271 = arith.constant 128 : i32
    %add3A_272 = arith.constant 0 : i32
    %add3A_273 = arith.addi %mul3A_2, %add3A_272 : i32
    %dma_start3A_274 = arith.constant 2 : i32
    %dma_start3A_275 = arith.constant 1 : i32
    %dma_start3A_276 = arith.constant 0 : i32
    %dma_start3A_277 = arith.constant 0 : i32
    %dma_start3A_278 = tpu.memref_slice %arg9[%dma_start3A_274, %dma_start3A_276, %dma_start3A_277] : memref<5x128x128xf32, #tpu.memory_space<vmem>> -> memref<1x128x128xf32, #tpu.memory_space<vmem>>
    %dma_start3A_279 = tpu.memref_squeeze %dma_start3A_278 : memref<1x128x128xf32, #tpu.memory_space<vmem>> -> memref<128x128xf32, #tpu.memory_space<vmem>>
    %dma_start3A_280 = arith.constant 0 : i32
    %dma_start3A_281 = tpu.memref_slice %arg5[%dma_start3A_275, %add3A_273, %dma_start3A_280] : memref<4x8192x128xf32, #tpu.memory_space<hbm>> -> memref<1x128x128xf32, #tpu.memory_space<hbm>>
    %dma_start3A_282 = tpu.memref_squeeze %dma_start3A_281 : memref<1x128x128xf32, #tpu.memory_space<hbm>> -> memref<128x128xf32, #tpu.memory_space<hbm>>
    %dma_start3A_283 = arith.constant 0 : i32
    %dma_start3A_284 = tpu.memref_slice %arg5[%dma_start3A_275, %add3A_273, %dma_start3A_283] : memref<4x8192x128xf32, #tpu.memory_space<hbm>> -> memref<1x128x128xf32, #tpu.memory_space<hbm>>
    %dma_start3A_285 = tpu.memref_squeeze %dma_start3A_284 : memref<1x128x128xf32, #tpu.memory_space<hbm>> -> memref<128x128xf32, #tpu.memory_space<hbm>>
    %dma_start3A_286 = arith.constant 0 : i32
    %dma_start3A_287 = arith.constant 0 : i32
    %dma_start3A_288 = tpu.memref_slice %arg9[%dma_start3A_274, %dma_start3A_286, %dma_start3A_287] : memref<5x128x128xf32, #tpu.memory_space<vmem>> -> memref<1x128x128xf32, #tpu.memory_space<vmem>>
    %dma_start3A_289 = tpu.memref_squeeze %dma_start3A_288 : memref<1x128x128xf32, #tpu.memory_space<vmem>> -> memref<128x128xf32, #tpu.memory_space<vmem>>
    tpu.enqueue_dma source(%dma_start3A_289 : memref<128x128xf32, #tpu.memory_space<vmem>>) target(%dma_start3A_285 : memref<128x128xf32, #tpu.memory_space<hbm>>) target_semaphore(%arg17 : memref<!tpu.dma_semaphore, #tpu.memory_space<semaphore_mem>>)
    %dma_wait3A_290 = arith.constant 2 : i32
    %dma_wait3A_291 = arith.constant 1 : i32
    %dma_wait3A_292 = arith.constant 0 : i32
    %dma_wait3A_293 = arith.constant 0 : i32
    %dma_wait3A_294 = tpu.memref_slice %arg9[%dma_wait3A_290, %dma_wait3A_292, %dma_wait3A_293] : memref<5x128x128xf32, #tpu.memory_space<vmem>> -> memref<1x128x128xf32, #tpu.memory_space<vmem>>
    %dma_wait3A_295 = tpu.memref_squeeze %dma_wait3A_294 : memref<1x128x128xf32, #tpu.memory_space<vmem>> -> memref<128x128xf32, #tpu.memory_space<vmem>>
    %dma_wait3A_296 = arith.constant 0 : i32
    %dma_wait3A_297 = tpu.memref_slice %arg5[%dma_wait3A_291, %add3A_273, %dma_wait3A_296] : memref<4x8192x128xf32, #tpu.memory_space<hbm>> -> memref<1x128x128xf32, #tpu.memory_space<hbm>>
    %dma_wait3A_298 = tpu.memref_squeeze %dma_wait3A_297 : memref<1x128x128xf32, #tpu.memory_space<hbm>> -> memref<128x128xf32, #tpu.memory_space<hbm>>
    %dma_wait3A_299 = arith.constant 0 : i32
    %dma_wait3A_300 = tpu.memref_slice %arg5[%dma_wait3A_291, %add3A_273, %dma_wait3A_299] : memref<4x8192x128xf32, #tpu.memory_space<hbm>> -> memref<1x128x128xf32, #tpu.memory_space<hbm>>
    %dma_wait3A_301 = tpu.memref_squeeze %dma_wait3A_300 : memref<1x128x128xf32, #tpu.memory_space<hbm>> -> memref<128x128xf32, #tpu.memory_space<hbm>>
    %dma_wait3A_302 = arith.constant 0 : i32
    %dma_wait3A_303 = arith.constant 0 : i32
    %dma_wait3A_304 = tpu.memref_slice %arg9[%dma_wait3A_290, %dma_wait3A_302, %dma_wait3A_303] : memref<5x128x128xf32, #tpu.memory_space<vmem>> -> memref<1x128x128xf32, #tpu.memory_space<vmem>>
    %dma_wait3A_305 = tpu.memref_squeeze %dma_wait3A_304 : memref<1x128x128xf32, #tpu.memory_space<vmem>> -> memref<128x128xf32, #tpu.memory_space<vmem>>
    tpu.wait_dma2 semaphore(%arg17 : memref<!tpu.dma_semaphore, #tpu.memory_space<semaphore_mem>>) src(%dma_wait3A_305 : memref<128x128xf32, #tpu.memory_space<vmem>>) dst(%dma_wait3A_301 : memref<128x128xf32, #tpu.memory_space<hbm>>)
    %dma_start3A_306 = arith.constant 3 : i32
    %dma_start3A_307 = arith.constant 2 : i32
    %dma_start3A_308 = arith.constant 0 : i32
    %dma_start3A_309 = arith.constant 0 : i32
    %dma_start3A_310 = tpu.memref_slice %arg9[%dma_start3A_307, %dma_start3A_308, %dma_start3A_309] : memref<5x128x128xf32, #tpu.memory_space<vmem>> -> memref<1x128x128xf32, #tpu.memory_space<vmem>>
    %dma_start3A_311 = tpu.memref_squeeze %dma_start3A_310 : memref<1x128x128xf32, #tpu.memory_space<vmem>> -> memref<128x128xf32, #tpu.memory_space<vmem>>
    %dma_start3A_312 = arith.constant 128 : i32
    %dma_start3A_313 = tpu.memref_slice %arg7[%dma_start3A_306, %dma_start3A_312] : memref<4x256xi32, #tpu.memory_space<vmem>> -> memref<1x128xi32, #tpu.memory_space<vmem>>
    %dma_start3A_314 = tpu.memref_squeeze %dma_start3A_313 : memref<1x128xi32, #tpu.memory_space<vmem>> -> memref<128xi32, #tpu.memory_space<vmem>>
    %dma_start3A_315 = arith.constant 0 : i32
    %dma_start3A_316 = arith.constant 0 : i32
    %dma_start3A_317 = tpu.memref_slice %arg3[%dma_start3A_315, %dma_start3A_316] : memref<100000x128xf32, #tpu.memory_space<hbm>> -> memref<100000x128xf32, #tpu.memory_space<hbm>>
    tpu.enqueue_indirect_dma source(%dma_start3A_317 : memref<100000x128xf32, #tpu.memory_space<hbm>>) target(%dma_start3A_311 : memref<128x128xf32, #tpu.memory_space<vmem>>) offsets(%dma_start3A_314 : memref<128xi32, #tpu.memory_space<vmem>>) semaphore(%arg14 : memref<!tpu.dma_semaphore, #tpu.memory_space<semaphore_mem>>)
    %dma_wait3A_318 = arith.constant 1 : i32
    %dma_wait3A_319 = arith.constant 3 : i32
    %dma_wait3A_320 = arith.constant 0 : i32
    %dma_wait3A_321 = arith.constant 0 : i32
    %dma_wait3A_322 = tpu.memref_slice %arg9[%dma_wait3A_319, %dma_wait3A_320, %dma_wait3A_321] : memref<5x128x128xf32, #tpu.memory_space<vmem>> -> memref<1x128x128xf32, #tpu.memory_space<vmem>>
    %dma_wait3A_323 = tpu.memref_squeeze %dma_wait3A_322 : memref<1x128x128xf32, #tpu.memory_space<vmem>> -> memref<128x128xf32, #tpu.memory_space<vmem>>
    %dma_wait3A_324 = arith.constant 128 : i32
    %dma_wait3A_325 = tpu.memref_slice %arg7[%dma_wait3A_318, %dma_wait3A_324] : memref<4x256xi32, #tpu.memory_space<vmem>> -> memref<1x128xi32, #tpu.memory_space<vmem>>
    %dma_wait3A_326 = tpu.memref_squeeze %dma_wait3A_325 : memref<1x128xi32, #tpu.memory_space<vmem>> -> memref<128xi32, #tpu.memory_space<vmem>>
    %dma_wait3A_327 = arith.constant 0 : i32
    %dma_wait3A_328 = arith.constant 0 : i32
    %dma_wait3A_329 = tpu.memref_slice %arg3[%dma_wait3A_327, %dma_wait3A_328] : memref<100000x128xf32, #tpu.memory_space<hbm>> -> memref<100000x128xf32, #tpu.memory_space<hbm>>
    tpu.wait_indirect_dma semaphore(%arg15 : memref<!tpu.dma_semaphore, #tpu.memory_space<semaphore_mem>>) src(%dma_wait3A_329 : memref<100000x128xf32, #tpu.memory_space<hbm>>) dst(%dma_wait3A_323 : memref<128x128xf32, #tpu.memory_space<vmem>>)
    %scan3A_330 = arith.constant 3 : i32
    %scan3A_331 = arith.constant 0 : i32
    %scan3A_332 = arith.constant 0 : i32
    %scan3A_333 = arith.constant 128 : i32
    %scan3A_334 = arith.addi %scan3A_332, %scan3A_333 : i32
    %scan3A_335 = arith.constant 1 : i32
    %scan3A_336 = scf.for %scan3A_588 = %scan3A_332 to %scan3A_334 step %scan3A_335 iter_args(%scan3A_589 = %scan3A_331) -> (i32)  : i32 {
      %add3A_590 = arith.constant 128 : i32
      %add3A_591 = arith.addi %add3A_590, %scan3A_588 : i32
      %mul3A_592 = arith.constant 128 : i32
      %mul3A_593 = arith.muli %add3A_591, %mul3A_592 : i32
      %add3A_594 = arith.constant 0 : i32
      %add3A_595 = arith.addi %mul3A_593, %add3A_594 : i32
      %get3A = arith.index_cast %add3A_595 : i32 to index
      %get3A_596 = tpu.vector_load %arg8[%get3A] {strides = array<i32>} : memref<32768xf32, #tpu.memory_space<vmem>>, vector<16xf32>,
      %get3A_597 = vector.shape_cast %get3A_596 : vector<16xf32> to vector<16xf32>
      %swap3A_598 = arith.constant 0 : i32
      %swap3A_599 = arith.constant 0 : i32
      %swap3A_600 = tpu.memref_slice %arg9[%scan3A_330, %swap3A_598, %swap3A_599] : memref<5x128x128xf32, #tpu.memory_space<vmem>> -> memref<1x128x128xf32, #tpu.memory_space<vmem>>
      %swap3A_601 = tpu.memref_squeeze %swap3A_600 : memref<1x128x128xf32, #tpu.memory_space<vmem>> -> memref<128x128xf32, #tpu.memory_space<vmem>>
      %swap3A_602 = arith.index_cast %scan3A_588 : i32 to index
      %swap3A_603 = arith.constant 0 : index
      %swap3A_604 = tpu.vector_load %swap3A_601[%swap3A_602, %swap3A_603] {strides = array<i32>} : memref<128x128xf32, #tpu.memory_space<vmem>>, vector<1x16xf32>,
      %swap3A_605 = vector.shape_cast %swap3A_604 : vector<1x16xf32> to vector<16xf32>
      %swap3A_606 = vector.shape_cast %get3A_597 : vector<16xf32> to vector<1x16xf32>
      tpu.vector_store %swap3A_601[%swap3A_602, %swap3A_603], %swap3A_606 {add = true, strides = array<i32>} : memref<128x128xf32, #tpu.memory_space<vmem>>, vector<1x16xf32>,
      %add3A_607 = arith.constant 16 : i32
      %add3A_608 = arith.addi %mul3A_593, %add3A_607 : i32
      %get3A_609 = arith.index_cast %add3A_608 : i32 to index
      %get3A_610 = tpu.vector_load %arg8[%get3A_609] {strides = array<i32>} : memref<32768xf32, #tpu.memory_space<vmem>>, vector<16xf32>,
      %get3A_611 = vector.shape_cast %get3A_610 : vector<16xf32> to vector<16xf32>
      %swap3A_612 = arith.constant 0 : i32
      %swap3A_613 = arith.constant 0 : i32
      %swap3A_614 = tpu.memref_slice %arg9[%scan3A_330, %swap3A_612, %swap3A_613] : memref<5x128x128xf32, #tpu.memory_space<vmem>> -> memref<1x128x128xf32, #tpu.memory_space<vmem>>
      %swap3A_615 = tpu.memref_squeeze %swap3A_614 : memref<1x128x128xf32, #tpu.memory_space<vmem>> -> memref<128x128xf32, #tpu.memory_space<vmem>>
      %swap3A_616 = arith.index_cast %scan3A_588 : i32 to index
      %swap3A_617 = arith.constant 16 : index
      %swap3A_618 = tpu.vector_load %swap3A_615[%swap3A_616, %swap3A_617] {strides = array<i32>} : memref<128x128xf32, #tpu.memory_space<vmem>>, vector<1x16xf32>,
      %swap3A_619 = vector.shape_cast %swap3A_618 : vector<1x16xf32> to vector<16xf32>
      %swap3A_620 = vector.shape_cast %get3A_611 : vector<16xf32> to vector<1x16xf32>
      tpu.vector_store %swap3A_615[%swap3A_616, %swap3A_617], %swap3A_620 {add = true, strides = array<i32>} : memref<128x128xf32, #tpu.memory_space<vmem>>, vector<1x16xf32>,
      %add3A_621 = arith.constant 32 : i32
      %add3A_622 = arith.addi %mul3A_593, %add3A_621 : i32
      %get3A_623 = arith.index_cast %add3A_622 : i32 to index
      %get3A_624 = tpu.vector_load %arg8[%get3A_623] {strides = array<i32>} : memref<32768xf32, #tpu.memory_space<vmem>>, vector<16xf32>,
      %get3A_625 = vector.shape_cast %get3A_624 : vector<16xf32> to vector<16xf32>
      %swap3A_626 = arith.constant 0 : i32
      %swap3A_627 = arith.constant 0 : i32
      %swap3A_628 = tpu.memref_slice %arg9[%scan3A_330, %swap3A_626, %swap3A_627] : memref<5x128x128xf32, #tpu.memory_space<vmem>> -> memref<1x128x128xf32, #tpu.memory_space<vmem>>
      %swap3A_629 = tpu.memref_squeeze %swap3A_628 : memref<1x128x128xf32, #tpu.memory_space<vmem>> -> memref<128x128xf32, #tpu.memory_space<vmem>>
      %swap3A_630 = arith.index_cast %scan3A_588 : i32 to index
      %swap3A_631 = arith.constant 32 : index
      %swap3A_632 = tpu.vector_load %swap3A_629[%swap3A_630, %swap3A_631] {strides = array<i32>} : memref<128x128xf32, #tpu.memory_space<vmem>>, vector<1x16xf32>,
      %swap3A_633 = vector.shape_cast %swap3A_632 : vector<1x16xf32> to vector<16xf32>
      %swap3A_634 = vector.shape_cast %get3A_625 : vector<16xf32> to vector<1x16xf32>
      tpu.vector_store %swap3A_629[%swap3A_630, %swap3A_631], %swap3A_634 {add = true, strides = array<i32>} : memref<128x128xf32, #tpu.memory_space<vmem>>, vector<1x16xf32>,
      %add3A_635 = arith.constant 48 : i32
      %add3A_636 = arith.addi %mul3A_593, %add3A_635 : i32
      %get3A_637 = arith.index_cast %add3A_636 : i32 to index
      %get3A_638 = tpu.vector_load %arg8[%get3A_637] {strides = array<i32>} : memref<32768xf32, #tpu.memory_space<vmem>>, vector<16xf32>,
      %get3A_639 = vector.shape_cast %get3A_638 : vector<16xf32> to vector<16xf32>
      %swap3A_640 = arith.constant 0 : i32
      %swap3A_641 = arith.constant 0 : i32
      %swap3A_642 = tpu.memref_slice %arg9[%scan3A_330, %swap3A_640, %swap3A_641] : memref<5x128x128xf32, #tpu.memory_space<vmem>> -> memref<1x128x128xf32, #tpu.memory_space<vmem>>
      %swap3A_643 = tpu.memref_squeeze %swap3A_642 : memref<1x128x128xf32, #tpu.memory_space<vmem>> -> memref<128x128xf32, #tpu.memory_space<vmem>>
      %swap3A_644 = arith.index_cast %scan3A_588 : i32 to index
      %swap3A_645 = arith.constant 48 : index
      %swap3A_646 = tpu.vector_load %swap3A_643[%swap3A_644, %swap3A_645] {strides = array<i32>} : memref<128x128xf32, #tpu.memory_space<vmem>>, vector<1x16xf32>,
      %swap3A_647 = vector.shape_cast %swap3A_646 : vector<1x16xf32> to vector<16xf32>
      %swap3A_648 = vector.shape_cast %get3A_639 : vector<16xf32> to vector<1x16xf32>
      tpu.vector_store %swap3A_643[%swap3A_644, %swap3A_645], %swap3A_648 {add = true, strides = array<i32>} : memref<128x128xf32, #tpu.memory_space<vmem>>, vector<1x16xf32>,
      %add3A_649 = arith.constant 64 : i32
      %add3A_650 = arith.addi %mul3A_593, %add3A_649 : i32
      %get3A_651 = arith.index_cast %add3A_650 : i32 to index
      %get3A_652 = tpu.vector_load %arg8[%get3A_651] {strides = array<i32>} : memref<32768xf32, #tpu.memory_space<vmem>>, vector<16xf32>,
      %get3A_653 = vector.shape_cast %get3A_652 : vector<16xf32> to vector<16xf32>
      %swap3A_654 = arith.constant 0 : i32
      %swap3A_655 = arith.constant 0 : i32
      %swap3A_656 = tpu.memref_slice %arg9[%scan3A_330, %swap3A_654, %swap3A_655] : memref<5x128x128xf32, #tpu.memory_space<vmem>> -> memref<1x128x128xf32, #tpu.memory_space<vmem>>
      %swap3A_657 = tpu.memref_squeeze %swap3A_656 : memref<1x128x128xf32, #tpu.memory_space<vmem>> -> memref<128x128xf32, #tpu.memory_space<vmem>>
      %swap3A_658 = arith.index_cast %scan3A_588 : i32 to index
      %swap3A_659 = arith.constant 64 : index
      %swap3A_660 = tpu.vector_load %swap3A_657[%swap3A_658, %swap3A_659] {strides = array<i32>} : memref<128x128xf32, #tpu.memory_space<vmem>>, vector<1x16xf32>,
      %swap3A_661 = vector.shape_cast %swap3A_660 : vector<1x16xf32> to vector<16xf32>
      %swap3A_662 = vector.shape_cast %get3A_653 : vector<16xf32> to vector<1x16xf32>
      tpu.vector_store %swap3A_657[%swap3A_658, %swap3A_659], %swap3A_662 {add = true, strides = array<i32>} : memref<128x128xf32, #tpu.memory_space<vmem>>, vector<1x16xf32>,
      %add3A_663 = arith.constant 80 : i32
      %add3A_664 = arith.addi %mul3A_593, %add3A_663 : i32
      %get3A_665 = arith.index_cast %add3A_664 : i32 to index
      %get3A_666 = tpu.vector_load %arg8[%get3A_665] {strides = array<i32>} : memref<32768xf32, #tpu.memory_space<vmem>>, vector<16xf32>,
      %get3A_667 = vector.shape_cast %get3A_666 : vector<16xf32> to vector<16xf32>
      %swap3A_668 = arith.constant 0 : i32
      %swap3A_669 = arith.constant 0 : i32
      %swap3A_670 = tpu.memref_slice %arg9[%scan3A_330, %swap3A_668, %swap3A_669] : memref<5x128x128xf32, #tpu.memory_space<vmem>> -> memref<1x128x128xf32, #tpu.memory_space<vmem>>
      %swap3A_671 = tpu.memref_squeeze %swap3A_670 : memref<1x128x128xf32, #tpu.memory_space<vmem>> -> memref<128x128xf32, #tpu.memory_space<vmem>>
      %swap3A_672 = arith.index_cast %scan3A_588 : i32 to index
      %swap3A_673 = arith.constant 80 : index
      %swap3A_674 = tpu.vector_load %swap3A_671[%swap3A_672, %swap3A_673] {strides = array<i32>} : memref<128x128xf32, #tpu.memory_space<vmem>>, vector<1x16xf32>,
      %swap3A_675 = vector.shape_cast %swap3A_674 : vector<1x16xf32> to vector<16xf32>
      %swap3A_676 = vector.shape_cast %get3A_667 : vector<16xf32> to vector<1x16xf32>
      tpu.vector_store %swap3A_671[%swap3A_672, %swap3A_673], %swap3A_676 {add = true, strides = array<i32>} : memref<128x128xf32, #tpu.memory_space<vmem>>, vector<1x16xf32>,
      %add3A_677 = arith.constant 96 : i32
      %add3A_678 = arith.addi %mul3A_593, %add3A_677 : i32
      %get3A_679 = arith.index_cast %add3A_678 : i32 to index
      %get3A_680 = tpu.vector_load %arg8[%get3A_679] {strides = array<i32>} : memref<32768xf32, #tpu.memory_space<vmem>>, vector<16xf32>,
      %get3A_681 = vector.shape_cast %get3A_680 : vector<16xf32> to vector<16xf32>
      %swap3A_682 = arith.constant 0 : i32
      %swap3A_683 = arith.constant 0 : i32
      %swap3A_684 = tpu.memref_slice %arg9[%scan3A_330, %swap3A_682, %swap3A_683] : memref<5x128x128xf32, #tpu.memory_space<vmem>> -> memref<1x128x128xf32, #tpu.memory_space<vmem>>
      %swap3A_685 = tpu.memref_squeeze %swap3A_684 : memref<1x128x128xf32, #tpu.memory_space<vmem>> -> memref<128x128xf32, #tpu.memory_space<vmem>>
      %swap3A_686 = arith.index_cast %scan3A_588 : i32 to index
      %swap3A_687 = arith.constant 96 : index
      %swap3A_688 = tpu.vector_load %swap3A_685[%swap3A_686, %swap3A_687] {strides = array<i32>} : memref<128x128xf32, #tpu.memory_space<vmem>>, vector<1x16xf32>,
      %swap3A_689 = vector.shape_cast %swap3A_688 : vector<1x16xf32> to vector<16xf32>
      %swap3A_690 = vector.shape_cast %get3A_681 : vector<16xf32> to vector<1x16xf32>
      tpu.vector_store %swap3A_685[%swap3A_686, %swap3A_687], %swap3A_690 {add = true, strides = array<i32>} : memref<128x128xf32, #tpu.memory_space<vmem>>, vector<1x16xf32>,
      %add3A_691 = arith.constant 112 : i32
      %add3A_692 = arith.addi %mul3A_593, %add3A_691 : i32
      %get3A_693 = arith.index_cast %add3A_692 : i32 to index
      %get3A_694 = tpu.vector_load %arg8[%get3A_693] {strides = array<i32>} : memref<32768xf32, #tpu.memory_space<vmem>>, vector<16xf32>,
      %get3A_695 = vector.shape_cast %get3A_694 : vector<16xf32> to vector<16xf32>
      %swap3A_696 = arith.constant 0 : i32
      %swap3A_697 = arith.constant 0 : i32
      %swap3A_698 = tpu.memref_slice %arg9[%scan3A_330, %swap3A_696, %swap3A_697] : memref<5x128x128xf32, #tpu.memory_space<vmem>> -> memref<1x128x128xf32, #tpu.memory_space<vmem>>
      %swap3A_699 = tpu.memref_squeeze %swap3A_698 : memref<1x128x128xf32, #tpu.memory_space<vmem>> -> memref<128x128xf32, #tpu.memory_space<vmem>>
      %swap3A_700 = arith.index_cast %scan3A_588 : i32 to index
      %swap3A_701 = arith.constant 112 : index
      %swap3A_702 = tpu.vector_load %swap3A_699[%swap3A_700, %swap3A_701] {strides = array<i32>} : memref<128x128xf32, #tpu.memory_space<vmem>>, vector<1x16xf32>,
      %swap3A_703 = vector.shape_cast %swap3A_702 : vector<1x16xf32> to vector<16xf32>
      %swap3A_704 = vector.shape_cast %get3A_695 : vector<16xf32> to vector<1x16xf32>
      tpu.vector_store %swap3A_699[%swap3A_700, %swap3A_701], %swap3A_704 {add = true, strides = array<i32>} : memref<128x128xf32, #tpu.memory_space<vmem>>, vector<1x16xf32>,
      %scan3A_705 = arith.constant 0 : i32
      scf.yield %scan3A_705 : i32
    }
    %scan3A_337 = arith.constant 128 : i32
    %add3A_338 = arith.constant 128 : i32
    %add3A_339 = arith.addi %mul3A_2, %add3A_338 : i32
    %dma_start3A_340 = arith.constant 3 : i32
    %dma_start3A_341 = arith.constant 1 : i32
    %dma_start3A_342 = arith.constant 0 : i32
    %dma_start3A_343 = arith.constant 0 : i32
    %dma_start3A_344 = tpu.memref_slice %arg9[%dma_start3A_340, %dma_start3A_342, %dma_start3A_343] : memref<5x128x128xf32, #tpu.memory_space<vmem>> -> memref<1x128x128xf32, #tpu.memory_space<vmem>>
    %dma_start3A_345 = tpu.memref_squeeze %dma_start3A_344 : memref<1x128x128xf32, #tpu.memory_space<vmem>> -> memref<128x128xf32, #tpu.memory_space<vmem>>
    %dma_start3A_346 = arith.constant 0 : i32
    %dma_start3A_347 = tpu.memref_slice %arg5[%dma_start3A_341, %add3A_339, %dma_start3A_346] : memref<4x8192x128xf32, #tpu.memory_space<hbm>> -> memref<1x128x128xf32, #tpu.memory_space<hbm>>
    %dma_start3A_348 = tpu.memref_squeeze %dma_start3A_347 : memref<1x128x128xf32, #tpu.memory_space<hbm>> -> memref<128x128xf32, #tpu.memory_space<hbm>>
    %dma_start3A_349 = arith.constant 0 : i32
    %dma_start3A_350 = tpu.memref_slice %arg5[%dma_start3A_341, %add3A_339, %dma_start3A_349] : memref<4x8192x128xf32, #tpu.memory_space<hbm>> -> memref<1x128x128xf32, #tpu.memory_space<hbm>>
    %dma_start3A_351 = tpu.memref_squeeze %dma_start3A_350 : memref<1x128x128xf32, #tpu.memory_space<hbm>> -> memref<128x128xf32, #tpu.memory_space<hbm>>
    %dma_start3A_352 = arith.constant 0 : i32
    %dma_start3A_353 = arith.constant 0 : i32
    %dma_start3A_354 = tpu.memref_slice %arg9[%dma_start3A_340, %dma_start3A_352, %dma_start3A_353] : memref<5x128x128xf32, #tpu.memory_space<vmem>> -> memref<1x128x128xf32, #tpu.memory_space<vmem>>
    %dma_start3A_355 = tpu.memref_squeeze %dma_start3A_354 : memref<1x128x128xf32, #tpu.memory_space<vmem>> -> memref<128x128xf32, #tpu.memory_space<vmem>>
    tpu.enqueue_dma source(%dma_start3A_355 : memref<128x128xf32, #tpu.memory_space<vmem>>) target(%dma_start3A_351 : memref<128x128xf32, #tpu.memory_space<hbm>>) target_semaphore(%arg18 : memref<!tpu.dma_semaphore, #tpu.memory_space<semaphore_mem>>)
    %dma_wait3A_356 = arith.constant 2 : i32
    %dma_wait3A_357 = arith.constant 4 : i32
    %dma_wait3A_358 = arith.constant 0 : i32
    %dma_wait3A_359 = arith.constant 0 : i32
    %dma_wait3A_360 = tpu.memref_slice %arg9[%dma_wait3A_357, %dma_wait3A_358, %dma_wait3A_359] : memref<5x128x128xf32, #tpu.memory_space<vmem>> -> memref<1x128x128xf32, #tpu.memory_space<vmem>>
    %dma_wait3A_361 = tpu.memref_squeeze %dma_wait3A_360 : memref<1x128x128xf32, #tpu.memory_space<vmem>> -> memref<128x128xf32, #tpu.memory_space<vmem>>
    %dma_wait3A_362 = arith.constant 0 : i32
    %dma_wait3A_363 = tpu.memref_slice %arg7[%dma_wait3A_356, %dma_wait3A_362] : memref<4x256xi32, #tpu.memory_space<vmem>> -> memref<1x128xi32, #tpu.memory_space<vmem>>
    %dma_wait3A_364 = tpu.memref_squeeze %dma_wait3A_363 : memref<1x128xi32, #tpu.memory_space<vmem>> -> memref<128xi32, #tpu.memory_space<vmem>>
    %dma_wait3A_365 = arith.constant 0 : i32
    %dma_wait3A_366 = arith.constant 0 : i32
    %dma_wait3A_367 = tpu.memref_slice %arg3[%dma_wait3A_365, %dma_wait3A_366] : memref<100000x128xf32, #tpu.memory_space<hbm>> -> memref<100000x128xf32, #tpu.memory_space<hbm>>
    tpu.wait_indirect_dma semaphore(%arg16 : memref<!tpu.dma_semaphore, #tpu.memory_space<semaphore_mem>>) src(%dma_wait3A_367 : memref<100000x128xf32, #tpu.memory_space<hbm>>) dst(%dma_wait3A_361 : memref<128x128xf32, #tpu.memory_space<vmem>>)
    %scan3A_368 = arith.constant 4 : i32
    %scan3A_369 = arith.constant 0 : i32
    %scan3A_370 = arith.constant 0 : i32
    %scan3A_371 = arith.constant 128 : i32
    %scan3A_372 = arith.addi %scan3A_370, %scan3A_371 : i32
    %scan3A_373 = arith.constant 1 : i32
    %scan3A_374 = scf.for %scan3A_588 = %scan3A_370 to %scan3A_372 step %scan3A_373 iter_args(%scan3A_589 = %scan3A_369) -> (i32)  : i32 {
      %add3A_590 = arith.constant 0 : i32
      %add3A_591 = arith.addi %add3A_590, %scan3A_588 : i32
      %mul3A_592 = arith.constant 128 : i32
      %mul3A_593 = arith.muli %add3A_591, %mul3A_592 : i32
      %add3A_594 = arith.constant 0 : i32
      %add3A_595 = arith.addi %mul3A_593, %add3A_594 : i32
      %get3A = arith.index_cast %add3A_595 : i32 to index
      %get3A_596 = tpu.vector_load %arg8[%get3A] {strides = array<i32>} : memref<32768xf32, #tpu.memory_space<vmem>>, vector<16xf32>,
      %get3A_597 = vector.shape_cast %get3A_596 : vector<16xf32> to vector<16xf32>
      %swap3A_598 = arith.constant 0 : i32
      %swap3A_599 = arith.constant 0 : i32
      %swap3A_600 = tpu.memref_slice %arg9[%scan3A_368, %swap3A_598, %swap3A_599] : memref<5x128x128xf32, #tpu.memory_space<vmem>> -> memref<1x128x128xf32, #tpu.memory_space<vmem>>
      %swap3A_601 = tpu.memref_squeeze %swap3A_600 : memref<1x128x128xf32, #tpu.memory_space<vmem>> -> memref<128x128xf32, #tpu.memory_space<vmem>>
      %swap3A_602 = arith.index_cast %scan3A_588 : i32 to index
      %swap3A_603 = arith.constant 0 : index
      %swap3A_604 = tpu.vector_load %swap3A_601[%swap3A_602, %swap3A_603] {strides = array<i32>} : memref<128x128xf32, #tpu.memory_space<vmem>>, vector<1x16xf32>,
      %swap3A_605 = vector.shape_cast %swap3A_604 : vector<1x16xf32> to vector<16xf32>
      %swap3A_606 = vector.shape_cast %get3A_597 : vector<16xf32> to vector<1x16xf32>
      tpu.vector_store %swap3A_601[%swap3A_602, %swap3A_603], %swap3A_606 {add = true, strides = array<i32>} : memref<128x128xf32, #tpu.memory_space<vmem>>, vector<1x16xf32>,
      %add3A_607 = arith.constant 16 : i32
      %add3A_608 = arith.addi %mul3A_593, %add3A_607 : i32
      %get3A_609 = arith.index_cast %add3A_608 : i32 to index
      %get3A_610 = tpu.vector_load %arg8[%get3A_609] {strides = array<i32>} : memref<32768xf32, #tpu.memory_space<vmem>>, vector<16xf32>,
      %get3A_611 = vector.shape_cast %get3A_610 : vector<16xf32> to vector<16xf32>
      %swap3A_612 = arith.constant 0 : i32
      %swap3A_613 = arith.constant 0 : i32
      %swap3A_614 = tpu.memref_slice %arg9[%scan3A_368, %swap3A_612, %swap3A_613] : memref<5x128x128xf32, #tpu.memory_space<vmem>> -> memref<1x128x128xf32, #tpu.memory_space<vmem>>
      %swap3A_615 = tpu.memref_squeeze %swap3A_614 : memref<1x128x128xf32, #tpu.memory_space<vmem>> -> memref<128x128xf32, #tpu.memory_space<vmem>>
      %swap3A_616 = arith.index_cast %scan3A_588 : i32 to index
      %swap3A_617 = arith.constant 16 : index
      %swap3A_618 = tpu.vector_load %swap3A_615[%swap3A_616, %swap3A_617] {strides = array<i32>} : memref<128x128xf32, #tpu.memory_space<vmem>>, vector<1x16xf32>,
      %swap3A_619 = vector.shape_cast %swap3A_618 : vector<1x16xf32> to vector<16xf32>
      %swap3A_620 = vector.shape_cast %get3A_611 : vector<16xf32> to vector<1x16xf32>
      tpu.vector_store %swap3A_615[%swap3A_616, %swap3A_617], %swap3A_620 {add = true, strides = array<i32>} : memref<128x128xf32, #tpu.memory_space<vmem>>, vector<1x16xf32>,
      %add3A_621 = arith.constant 32 : i32
      %add3A_622 = arith.addi %mul3A_593, %add3A_621 : i32
      %get3A_623 = arith.index_cast %add3A_622 : i32 to index
      %get3A_624 = tpu.vector_load %arg8[%get3A_623] {strides = array<i32>} : memref<32768xf32, #tpu.memory_space<vmem>>, vector<16xf32>,
      %get3A_625 = vector.shape_cast %get3A_624 : vector<16xf32> to vector<16xf32>
      %swap3A_626 = arith.constant 0 : i32
      %swap3A_627 = arith.constant 0 : i32
      %swap3A_628 = tpu.memref_slice %arg9[%scan3A_368, %swap3A_626, %swap3A_627] : memref<5x128x128xf32, #tpu.memory_space<vmem>> -> memref<1x128x128xf32, #tpu.memory_space<vmem>>
      %swap3A_629 = tpu.memref_squeeze %swap3A_628 : memref<1x128x128xf32, #tpu.memory_space<vmem>> -> memref<128x128xf32, #tpu.memory_space<vmem>>
      %swap3A_630 = arith.index_cast %scan3A_588 : i32 to index
      %swap3A_631 = arith.constant 32 : index
      %swap3A_632 = tpu.vector_load %swap3A_629[%swap3A_630, %swap3A_631] {strides = array<i32>} : memref<128x128xf32, #tpu.memory_space<vmem>>, vector<1x16xf32>,
      %swap3A_633 = vector.shape_cast %swap3A_632 : vector<1x16xf32> to vector<16xf32>
      %swap3A_634 = vector.shape_cast %get3A_625 : vector<16xf32> to vector<1x16xf32>
      tpu.vector_store %swap3A_629[%swap3A_630, %swap3A_631], %swap3A_634 {add = true, strides = array<i32>} : memref<128x128xf32, #tpu.memory_space<vmem>>, vector<1x16xf32>,
      %add3A_635 = arith.constant 48 : i32
      %add3A_636 = arith.addi %mul3A_593, %add3A_635 : i32
      %get3A_637 = arith.index_cast %add3A_636 : i32 to index
      %get3A_638 = tpu.vector_load %arg8[%get3A_637] {strides = array<i32>} : memref<32768xf32, #tpu.memory_space<vmem>>, vector<16xf32>,
      %get3A_639 = vector.shape_cast %get3A_638 : vector<16xf32> to vector<16xf32>
      %swap3A_640 = arith.constant 0 : i32
      %swap3A_641 = arith.constant 0 : i32
      %swap3A_642 = tpu.memref_slice %arg9[%scan3A_368, %swap3A_640, %swap3A_641] : memref<5x128x128xf32, #tpu.memory_space<vmem>> -> memref<1x128x128xf32, #tpu.memory_space<vmem>>
      %swap3A_643 = tpu.memref_squeeze %swap3A_642 : memref<1x128x128xf32, #tpu.memory_space<vmem>> -> memref<128x128xf32, #tpu.memory_space<vmem>>
      %swap3A_644 = arith.index_cast %scan3A_588 : i32 to index
      %swap3A_645 = arith.constant 48 : index
      %swap3A_646 = tpu.vector_load %swap3A_643[%swap3A_644, %swap3A_645] {strides = array<i32>} : memref<128x128xf32, #tpu.memory_space<vmem>>, vector<1x16xf32>,
      %swap3A_647 = vector.shape_cast %swap3A_646 : vector<1x16xf32> to vector<16xf32>
      %swap3A_648 = vector.shape_cast %get3A_639 : vector<16xf32> to vector<1x16xf32>
      tpu.vector_store %swap3A_643[%swap3A_644, %swap3A_645], %swap3A_648 {add = true, strides = array<i32>} : memref<128x128xf32, #tpu.memory_space<vmem>>, vector<1x16xf32>,
      %add3A_649 = arith.constant 64 : i32
      %add3A_650 = arith.addi %mul3A_593, %add3A_649 : i32
      %get3A_651 = arith.index_cast %add3A_650 : i32 to index
      %get3A_652 = tpu.vector_load %arg8[%get3A_651] {strides = array<i32>} : memref<32768xf32, #tpu.memory_space<vmem>>, vector<16xf32>,
      %get3A_653 = vector.shape_cast %get3A_652 : vector<16xf32> to vector<16xf32>
      %swap3A_654 = arith.constant 0 : i32
      %swap3A_655 = arith.constant 0 : i32
      %swap3A_656 = tpu.memref_slice %arg9[%scan3A_368, %swap3A_654, %swap3A_655] : memref<5x128x128xf32, #tpu.memory_space<vmem>> -> memref<1x128x128xf32, #tpu.memory_space<vmem>>
      %swap3A_657 = tpu.memref_squeeze %swap3A_656 : memref<1x128x128xf32, #tpu.memory_space<vmem>> -> memref<128x128xf32, #tpu.memory_space<vmem>>
      %swap3A_658 = arith.index_cast %scan3A_588 : i32 to index
      %swap3A_659 = arith.constant 64 : index
      %swap3A_660 = tpu.vector_load %swap3A_657[%swap3A_658, %swap3A_659] {strides = array<i32>} : memref<128x128xf32, #tpu.memory_space<vmem>>, vector<1x16xf32>,
      %swap3A_661 = vector.shape_cast %swap3A_660 : vector<1x16xf32> to vector<16xf32>
      %swap3A_662 = vector.shape_cast %get3A_653 : vector<16xf32> to vector<1x16xf32>
      tpu.vector_store %swap3A_657[%swap3A_658, %swap3A_659], %swap3A_662 {add = true, strides = array<i32>} : memref<128x128xf32, #tpu.memory_space<vmem>>, vector<1x16xf32>,
      %add3A_663 = arith.constant 80 : i32
      %add3A_664 = arith.addi %mul3A_593, %add3A_663 : i32
      %get3A_665 = arith.index_cast %add3A_664 : i32 to index
      %get3A_666 = tpu.vector_load %arg8[%get3A_665] {strides = array<i32>} : memref<32768xf32, #tpu.memory_space<vmem>>, vector<16xf32>,
      %get3A_667 = vector.shape_cast %get3A_666 : vector<16xf32> to vector<16xf32>
      %swap3A_668 = arith.constant 0 : i32
      %swap3A_669 = arith.constant 0 : i32
      %swap3A_670 = tpu.memref_slice %arg9[%scan3A_368, %swap3A_668, %swap3A_669] : memref<5x128x128xf32, #tpu.memory_space<vmem>> -> memref<1x128x128xf32, #tpu.memory_space<vmem>>
      %swap3A_671 = tpu.memref_squeeze %swap3A_670 : memref<1x128x128xf32, #tpu.memory_space<vmem>> -> memref<128x128xf32, #tpu.memory_space<vmem>>
      %swap3A_672 = arith.index_cast %scan3A_588 : i32 to index
      %swap3A_673 = arith.constant 80 : index
      %swap3A_674 = tpu.vector_load %swap3A_671[%swap3A_672, %swap3A_673] {strides = array<i32>} : memref<128x128xf32, #tpu.memory_space<vmem>>, vector<1x16xf32>,
      %swap3A_675 = vector.shape_cast %swap3A_674 : vector<1x16xf32> to vector<16xf32>
      %swap3A_676 = vector.shape_cast %get3A_667 : vector<16xf32> to vector<1x16xf32>
      tpu.vector_store %swap3A_671[%swap3A_672, %swap3A_673], %swap3A_676 {add = true, strides = array<i32>} : memref<128x128xf32, #tpu.memory_space<vmem>>, vector<1x16xf32>,
      %add3A_677 = arith.constant 96 : i32
      %add3A_678 = arith.addi %mul3A_593, %add3A_677 : i32
      %get3A_679 = arith.index_cast %add3A_678 : i32 to index
      %get3A_680 = tpu.vector_load %arg8[%get3A_679] {strides = array<i32>} : memref<32768xf32, #tpu.memory_space<vmem>>, vector<16xf32>,
      %get3A_681 = vector.shape_cast %get3A_680 : vector<16xf32> to vector<16xf32>
      %swap3A_682 = arith.constant 0 : i32
      %swap3A_683 = arith.constant 0 : i32
      %swap3A_684 = tpu.memref_slice %arg9[%scan3A_368, %swap3A_682, %swap3A_683] : memref<5x128x128xf32, #tpu.memory_space<vmem>> -> memref<1x128x128xf32, #tpu.memory_space<vmem>>
      %swap3A_685 = tpu.memref_squeeze %swap3A_684 : memref<1x128x128xf32, #tpu.memory_space<vmem>> -> memref<128x128xf32, #tpu.memory_space<vmem>>
      %swap3A_686 = arith.index_cast %scan3A_588 : i32 to index
      %swap3A_687 = arith.constant 96 : index
      %swap3A_688 = tpu.vector_load %swap3A_685[%swap3A_686, %swap3A_687] {strides = array<i32>} : memref<128x128xf32, #tpu.memory_space<vmem>>, vector<1x16xf32>,
      %swap3A_689 = vector.shape_cast %swap3A_688 : vector<1x16xf32> to vector<16xf32>
      %swap3A_690 = vector.shape_cast %get3A_681 : vector<16xf32> to vector<1x16xf32>
      tpu.vector_store %swap3A_685[%swap3A_686, %swap3A_687], %swap3A_690 {add = true, strides = array<i32>} : memref<128x128xf32, #tpu.memory_space<vmem>>, vector<1x16xf32>,
      %add3A_691 = arith.constant 112 : i32
      %add3A_692 = arith.addi %mul3A_593, %add3A_691 : i32
      %get3A_693 = arith.index_cast %add3A_692 : i32 to index
      %get3A_694 = tpu.vector_load %arg8[%get3A_693] {strides = array<i32>} : memref<32768xf32, #tpu.memory_space<vmem>>, vector<16xf32>,
      %get3A_695 = vector.shape_cast %get3A_694 : vector<16xf32> to vector<16xf32>
      %swap3A_696 = arith.constant 0 : i32
      %swap3A_697 = arith.constant 0 : i32
      %swap3A_698 = tpu.memref_slice %arg9[%scan3A_368, %swap3A_696, %swap3A_697] : memref<5x128x128xf32, #tpu.memory_space<vmem>> -> memref<1x128x128xf32, #tpu.memory_space<vmem>>
      %swap3A_699 = tpu.memref_squeeze %swap3A_698 : memref<1x128x128xf32, #tpu.memory_space<vmem>> -> memref<128x128xf32, #tpu.memory_space<vmem>>
      %swap3A_700 = arith.index_cast %scan3A_588 : i32 to index
      %swap3A_701 = arith.constant 112 : index
      %swap3A_702 = tpu.vector_load %swap3A_699[%swap3A_700, %swap3A_701] {strides = array<i32>} : memref<128x128xf32, #tpu.memory_space<vmem>>, vector<1x16xf32>,
      %swap3A_703 = vector.shape_cast %swap3A_702 : vector<1x16xf32> to vector<16xf32>
      %swap3A_704 = vector.shape_cast %get3A_695 : vector<16xf32> to vector<1x16xf32>
      tpu.vector_store %swap3A_699[%swap3A_700, %swap3A_701], %swap3A_704 {add = true, strides = array<i32>} : memref<128x128xf32, #tpu.memory_space<vmem>>, vector<1x16xf32>,
      %scan3A_705 = arith.constant 0 : i32
      scf.yield %scan3A_705 : i32
    }
    %scan3A_375 = arith.constant 128 : i32
    %add3A_376 = arith.constant 0 : i32
    %add3A_377 = arith.addi %mul3A_2, %add3A_376 : i32
    %dma_start3A_378 = arith.constant 4 : i32
    %dma_start3A_379 = arith.constant 2 : i32
    %dma_start3A_380 = arith.constant 0 : i32
    %dma_start3A_381 = arith.constant 0 : i32
    %dma_start3A_382 = tpu.memref_slice %arg9[%dma_start3A_378, %dma_start3A_380, %dma_start3A_381] : memref<5x128x128xf32, #tpu.memory_space<vmem>> -> memref<1x128x128xf32, #tpu.memory_space<vmem>>
    %dma_start3A_383 = tpu.memref_squeeze %dma_start3A_382 : memref<1x128x128xf32, #tpu.memory_space<vmem>> -> memref<128x128xf32, #tpu.memory_space<vmem>>
    %dma_start3A_384 = arith.constant 0 : i32
    %dma_start3A_385 = tpu.memref_slice %arg5[%dma_start3A_379, %add3A_377, %dma_start3A_384] : memref<4x8192x128xf32, #tpu.memory_space<hbm>> -> memref<1x128x128xf32, #tpu.memory_space<hbm>>
    %dma_start3A_386 = tpu.memref_squeeze %dma_start3A_385 : memref<1x128x128xf32, #tpu.memory_space<hbm>> -> memref<128x128xf32, #tpu.memory_space<hbm>>
    %dma_start3A_387 = arith.constant 0 : i32
    %dma_start3A_388 = tpu.memref_slice %arg5[%dma_start3A_379, %add3A_377, %dma_start3A_387] : memref<4x8192x128xf32, #tpu.memory_space<hbm>> -> memref<1x128x128xf32, #tpu.memory_space<hbm>>
    %dma_start3A_389 = tpu.memref_squeeze %dma_start3A_388 : memref<1x128x128xf32, #tpu.memory_space<hbm>> -> memref<128x128xf32, #tpu.memory_space<hbm>>
    %dma_start3A_390 = arith.constant 0 : i32
    %dma_start3A_391 = arith.constant 0 : i32
    %dma_start3A_392 = tpu.memref_slice %arg9[%dma_start3A_378, %dma_start3A_390, %dma_start3A_391] : memref<5x128x128xf32, #tpu.memory_space<vmem>> -> memref<1x128x128xf32, #tpu.memory_space<vmem>>
    %dma_start3A_393 = tpu.memref_squeeze %dma_start3A_392 : memref<1x128x128xf32, #tpu.memory_space<vmem>> -> memref<128x128xf32, #tpu.memory_space<vmem>>
    tpu.enqueue_dma source(%dma_start3A_393 : memref<128x128xf32, #tpu.memory_space<vmem>>) target(%dma_start3A_389 : memref<128x128xf32, #tpu.memory_space<hbm>>) target_semaphore(%arg17 : memref<!tpu.dma_semaphore, #tpu.memory_space<semaphore_mem>>)
    %dma_wait3A_394 = arith.constant 2 : i32
    %dma_wait3A_395 = arith.constant 0 : i32
    %dma_wait3A_396 = arith.constant 0 : i32
    %dma_wait3A_397 = arith.constant 0 : i32
    %dma_wait3A_398 = tpu.memref_slice %arg9[%dma_wait3A_395, %dma_wait3A_396, %dma_wait3A_397] : memref<5x128x128xf32, #tpu.memory_space<vmem>> -> memref<1x128x128xf32, #tpu.memory_space<vmem>>
    %dma_wait3A_399 = tpu.memref_squeeze %dma_wait3A_398 : memref<1x128x128xf32, #tpu.memory_space<vmem>> -> memref<128x128xf32, #tpu.memory_space<vmem>>
    %dma_wait3A_400 = arith.constant 128 : i32
    %dma_wait3A_401 = tpu.memref_slice %arg7[%dma_wait3A_394, %dma_wait3A_400] : memref<4x256xi32, #tpu.memory_space<vmem>> -> memref<1x128xi32, #tpu.memory_space<vmem>>
    %dma_wait3A_402 = tpu.memref_squeeze %dma_wait3A_401 : memref<1x128xi32, #tpu.memory_space<vmem>> -> memref<128xi32, #tpu.memory_space<vmem>>
    %dma_wait3A_403 = arith.constant 0 : i32
    %dma_wait3A_404 = arith.constant 0 : i32
    %dma_wait3A_405 = tpu.memref_slice %arg3[%dma_wait3A_403, %dma_wait3A_404] : memref<100000x128xf32, #tpu.memory_space<hbm>> -> memref<100000x128xf32, #tpu.memory_space<hbm>>
    tpu.wait_indirect_dma semaphore(%arg12 : memref<!tpu.dma_semaphore, #tpu.memory_space<semaphore_mem>>) src(%dma_wait3A_405 : memref<100000x128xf32, #tpu.memory_space<hbm>>) dst(%dma_wait3A_399 : memref<128x128xf32, #tpu.memory_space<vmem>>)
    %scan3A_406 = arith.constant 0 : i32
    %scan3A_407 = arith.constant 0 : i32
    %scan3A_408 = arith.constant 0 : i32
    %scan3A_409 = arith.constant 128 : i32
    %scan3A_410 = arith.addi %scan3A_408, %scan3A_409 : i32
    %scan3A_411 = arith.constant 1 : i32
    %scan3A_412 = scf.for %scan3A_588 = %scan3A_408 to %scan3A_410 step %scan3A_411 iter_args(%scan3A_589 = %scan3A_407) -> (i32)  : i32 {
      %add3A_590 = arith.constant 128 : i32
      %add3A_591 = arith.addi %add3A_590, %scan3A_588 : i32
      %mul3A_592 = arith.constant 128 : i32
      %mul3A_593 = arith.muli %add3A_591, %mul3A_592 : i32
      %add3A_594 = arith.constant 0 : i32
      %add3A_595 = arith.addi %mul3A_593, %add3A_594 : i32
      %get3A = arith.index_cast %add3A_595 : i32 to index
      %get3A_596 = tpu.vector_load %arg8[%get3A] {strides = array<i32>} : memref<32768xf32, #tpu.memory_space<vmem>>, vector<16xf32>,
      %get3A_597 = vector.shape_cast %get3A_596 : vector<16xf32> to vector<16xf32>
      %swap3A_598 = arith.constant 0 : i32
      %swap3A_599 = arith.constant 0 : i32
      %swap3A_600 = tpu.memref_slice %arg9[%scan3A_406, %swap3A_598, %swap3A_599] : memref<5x128x128xf32, #tpu.memory_space<vmem>> -> memref<1x128x128xf32, #tpu.memory_space<vmem>>
      %swap3A_601 = tpu.memref_squeeze %swap3A_600 : memref<1x128x128xf32, #tpu.memory_space<vmem>> -> memref<128x128xf32, #tpu.memory_space<vmem>>
      %swap3A_602 = arith.index_cast %scan3A_588 : i32 to index
      %swap3A_603 = arith.constant 0 : index
      %swap3A_604 = tpu.vector_load %swap3A_601[%swap3A_602, %swap3A_603] {strides = array<i32>} : memref<128x128xf32, #tpu.memory_space<vmem>>, vector<1x16xf32>,
      %swap3A_605 = vector.shape_cast %swap3A_604 : vector<1x16xf32> to vector<16xf32>
      %swap3A_606 = vector.shape_cast %get3A_597 : vector<16xf32> to vector<1x16xf32>
      tpu.vector_store %swap3A_601[%swap3A_602, %swap3A_603], %swap3A_606 {add = true, strides = array<i32>} : memref<128x128xf32, #tpu.memory_space<vmem>>, vector<1x16xf32>,
      %add3A_607 = arith.constant 16 : i32
      %add3A_608 = arith.addi %mul3A_593, %add3A_607 : i32
      %get3A_609 = arith.index_cast %add3A_608 : i32 to index
      %get3A_610 = tpu.vector_load %arg8[%get3A_609] {strides = array<i32>} : memref<32768xf32, #tpu.memory_space<vmem>>, vector<16xf32>,
      %get3A_611 = vector.shape_cast %get3A_610 : vector<16xf32> to vector<16xf32>
      %swap3A_612 = arith.constant 0 : i32
      %swap3A_613 = arith.constant 0 : i32
      %swap3A_614 = tpu.memref_slice %arg9[%scan3A_406, %swap3A_612, %swap3A_613] : memref<5x128x128xf32, #tpu.memory_space<vmem>> -> memref<1x128x128xf32, #tpu.memory_space<vmem>>
      %swap3A_615 = tpu.memref_squeeze %swap3A_614 : memref<1x128x128xf32, #tpu.memory_space<vmem>> -> memref<128x128xf32, #tpu.memory_space<vmem>>
      %swap3A_616 = arith.index_cast %scan3A_588 : i32 to index
      %swap3A_617 = arith.constant 16 : index
      %swap3A_618 = tpu.vector_load %swap3A_615[%swap3A_616, %swap3A_617] {strides = array<i32>} : memref<128x128xf32, #tpu.memory_space<vmem>>, vector<1x16xf32>,
      %swap3A_619 = vector.shape_cast %swap3A_618 : vector<1x16xf32> to vector<16xf32>
      %swap3A_620 = vector.shape_cast %get3A_611 : vector<16xf32> to vector<1x16xf32>
      tpu.vector_store %swap3A_615[%swap3A_616, %swap3A_617], %swap3A_620 {add = true, strides = array<i32>} : memref<128x128xf32, #tpu.memory_space<vmem>>, vector<1x16xf32>,
      %add3A_621 = arith.constant 32 : i32
      %add3A_622 = arith.addi %mul3A_593, %add3A_621 : i32
      %get3A_623 = arith.index_cast %add3A_622 : i32 to index
      %get3A_624 = tpu.vector_load %arg8[%get3A_623] {strides = array<i32>} : memref<32768xf32, #tpu.memory_space<vmem>>, vector<16xf32>,
      %get3A_625 = vector.shape_cast %get3A_624 : vector<16xf32> to vector<16xf32>
      %swap3A_626 = arith.constant 0 : i32
      %swap3A_627 = arith.constant 0 : i32
      %swap3A_628 = tpu.memref_slice %arg9[%scan3A_406, %swap3A_626, %swap3A_627] : memref<5x128x128xf32, #tpu.memory_space<vmem>> -> memref<1x128x128xf32, #tpu.memory_space<vmem>>
      %swap3A_629 = tpu.memref_squeeze %swap3A_628 : memref<1x128x128xf32, #tpu.memory_space<vmem>> -> memref<128x128xf32, #tpu.memory_space<vmem>>
      %swap3A_630 = arith.index_cast %scan3A_588 : i32 to index
      %swap3A_631 = arith.constant 32 : index
      %swap3A_632 = tpu.vector_load %swap3A_629[%swap3A_630, %swap3A_631] {strides = array<i32>} : memref<128x128xf32, #tpu.memory_space<vmem>>, vector<1x16xf32>,
      %swap3A_633 = vector.shape_cast %swap3A_632 : vector<1x16xf32> to vector<16xf32>
      %swap3A_634 = vector.shape_cast %get3A_625 : vector<16xf32> to vector<1x16xf32>
      tpu.vector_store %swap3A_629[%swap3A_630, %swap3A_631], %swap3A_634 {add = true, strides = array<i32>} : memref<128x128xf32, #tpu.memory_space<vmem>>, vector<1x16xf32>,
      %add3A_635 = arith.constant 48 : i32
      %add3A_636 = arith.addi %mul3A_593, %add3A_635 : i32
      %get3A_637 = arith.index_cast %add3A_636 : i32 to index
      %get3A_638 = tpu.vector_load %arg8[%get3A_637] {strides = array<i32>} : memref<32768xf32, #tpu.memory_space<vmem>>, vector<16xf32>,
      %get3A_639 = vector.shape_cast %get3A_638 : vector<16xf32> to vector<16xf32>
      %swap3A_640 = arith.constant 0 : i32
      %swap3A_641 = arith.constant 0 : i32
      %swap3A_642 = tpu.memref_slice %arg9[%scan3A_406, %swap3A_640, %swap3A_641] : memref<5x128x128xf32, #tpu.memory_space<vmem>> -> memref<1x128x128xf32, #tpu.memory_space<vmem>>
      %swap3A_643 = tpu.memref_squeeze %swap3A_642 : memref<1x128x128xf32, #tpu.memory_space<vmem>> -> memref<128x128xf32, #tpu.memory_space<vmem>>
      %swap3A_644 = arith.index_cast %scan3A_588 : i32 to index
      %swap3A_645 = arith.constant 48 : index
      %swap3A_646 = tpu.vector_load %swap3A_643[%swap3A_644, %swap3A_645] {strides = array<i32>} : memref<128x128xf32, #tpu.memory_space<vmem>>, vector<1x16xf32>,
      %swap3A_647 = vector.shape_cast %swap3A_646 : vector<1x16xf32> to vector<16xf32>
      %swap3A_648 = vector.shape_cast %get3A_639 : vector<16xf32> to vector<1x16xf32>
      tpu.vector_store %swap3A_643[%swap3A_644, %swap3A_645], %swap3A_648 {add = true, strides = array<i32>} : memref<128x128xf32, #tpu.memory_space<vmem>>, vector<1x16xf32>,
      %add3A_649 = arith.constant 64 : i32
      %add3A_650 = arith.addi %mul3A_593, %add3A_649 : i32
      %get3A_651 = arith.index_cast %add3A_650 : i32 to index
      %get3A_652 = tpu.vector_load %arg8[%get3A_651] {strides = array<i32>} : memref<32768xf32, #tpu.memory_space<vmem>>, vector<16xf32>,
      %get3A_653 = vector.shape_cast %get3A_652 : vector<16xf32> to vector<16xf32>
      %swap3A_654 = arith.constant 0 : i32
      %swap3A_655 = arith.constant 0 : i32
      %swap3A_656 = tpu.memref_slice %arg9[%scan3A_406, %swap3A_654, %swap3A_655] : memref<5x128x128xf32, #tpu.memory_space<vmem>> -> memref<1x128x128xf32, #tpu.memory_space<vmem>>
      %swap3A_657 = tpu.memref_squeeze %swap3A_656 : memref<1x128x128xf32, #tpu.memory_space<vmem>> -> memref<128x128xf32, #tpu.memory_space<vmem>>
      %swap3A_658 = arith.index_cast %scan3A_588 : i32 to index
      %swap3A_659 = arith.constant 64 : index
      %swap3A_660 = tpu.vector_load %swap3A_657[%swap3A_658, %swap3A_659] {strides = array<i32>} : memref<128x128xf32, #tpu.memory_space<vmem>>, vector<1x16xf32>,
      %swap3A_661 = vector.shape_cast %swap3A_660 : vector<1x16xf32> to vector<16xf32>
      %swap3A_662 = vector.shape_cast %get3A_653 : vector<16xf32> to vector<1x16xf32>
      tpu.vector_store %swap3A_657[%swap3A_658, %swap3A_659], %swap3A_662 {add = true, strides = array<i32>} : memref<128x128xf32, #tpu.memory_space<vmem>>, vector<1x16xf32>,
      %add3A_663 = arith.constant 80 : i32
      %add3A_664 = arith.addi %mul3A_593, %add3A_663 : i32
      %get3A_665 = arith.index_cast %add3A_664 : i32 to index
      %get3A_666 = tpu.vector_load %arg8[%get3A_665] {strides = array<i32>} : memref<32768xf32, #tpu.memory_space<vmem>>, vector<16xf32>,
      %get3A_667 = vector.shape_cast %get3A_666 : vector<16xf32> to vector<16xf32>
      %swap3A_668 = arith.constant 0 : i32
      %swap3A_669 = arith.constant 0 : i32
      %swap3A_670 = tpu.memref_slice %arg9[%scan3A_406, %swap3A_668, %swap3A_669] : memref<5x128x128xf32, #tpu.memory_space<vmem>> -> memref<1x128x128xf32, #tpu.memory_space<vmem>>
      %swap3A_671 = tpu.memref_squeeze %swap3A_670 : memref<1x128x128xf32, #tpu.memory_space<vmem>> -> memref<128x128xf32, #tpu.memory_space<vmem>>
      %swap3A_672 = arith.index_cast %scan3A_588 : i32 to index
      %swap3A_673 = arith.constant 80 : index
      %swap3A_674 = tpu.vector_load %swap3A_671[%swap3A_672, %swap3A_673] {strides = array<i32>} : memref<128x128xf32, #tpu.memory_space<vmem>>, vector<1x16xf32>,
      %swap3A_675 = vector.shape_cast %swap3A_674 : vector<1x16xf32> to vector<16xf32>
      %swap3A_676 = vector.shape_cast %get3A_667 : vector<16xf32> to vector<1x16xf32>
      tpu.vector_store %swap3A_671[%swap3A_672, %swap3A_673], %swap3A_676 {add = true, strides = array<i32>} : memref<128x128xf32, #tpu.memory_space<vmem>>, vector<1x16xf32>,
      %add3A_677 = arith.constant 96 : i32
      %add3A_678 = arith.addi %mul3A_593, %add3A_677 : i32
      %get3A_679 = arith.index_cast %add3A_678 : i32 to index
      %get3A_680 = tpu.vector_load %arg8[%get3A_679] {strides = array<i32>} : memref<32768xf32, #tpu.memory_space<vmem>>, vector<16xf32>,
      %get3A_681 = vector.shape_cast %get3A_680 : vector<16xf32> to vector<16xf32>
      %swap3A_682 = arith.constant 0 : i32
      %swap3A_683 = arith.constant 0 : i32
      %swap3A_684 = tpu.memref_slice %arg9[%scan3A_406, %swap3A_682, %swap3A_683] : memref<5x128x128xf32, #tpu.memory_space<vmem>> -> memref<1x128x128xf32, #tpu.memory_space<vmem>>
      %swap3A_685 = tpu.memref_squeeze %swap3A_684 : memref<1x128x128xf32, #tpu.memory_space<vmem>> -> memref<128x128xf32, #tpu.memory_space<vmem>>
      %swap3A_686 = arith.index_cast %scan3A_588 : i32 to index
      %swap3A_687 = arith.constant 96 : index
      %swap3A_688 = tpu.vector_load %swap3A_685[%swap3A_686, %swap3A_687] {strides = array<i32>} : memref<128x128xf32, #tpu.memory_space<vmem>>, vector<1x16xf32>,
      %swap3A_689 = vector.shape_cast %swap3A_688 : vector<1x16xf32> to vector<16xf32>
      %swap3A_690 = vector.shape_cast %get3A_681 : vector<16xf32> to vector<1x16xf32>
      tpu.vector_store %swap3A_685[%swap3A_686, %swap3A_687], %swap3A_690 {add = true, strides = array<i32>} : memref<128x128xf32, #tpu.memory_space<vmem>>, vector<1x16xf32>,
      %add3A_691 = arith.constant 112 : i32
      %add3A_692 = arith.addi %mul3A_593, %add3A_691 : i32
      %get3A_693 = arith.index_cast %add3A_692 : i32 to index
      %get3A_694 = tpu.vector_load %arg8[%get3A_693] {strides = array<i32>} : memref<32768xf32, #tpu.memory_space<vmem>>, vector<16xf32>,
      %get3A_695 = vector.shape_cast %get3A_694 : vector<16xf32> to vector<16xf32>
      %swap3A_696 = arith.constant 0 : i32
      %swap3A_697 = arith.constant 0 : i32
      %swap3A_698 = tpu.memref_slice %arg9[%scan3A_406, %swap3A_696, %swap3A_697] : memref<5x128x128xf32, #tpu.memory_space<vmem>> -> memref<1x128x128xf32, #tpu.memory_space<vmem>>
      %swap3A_699 = tpu.memref_squeeze %swap3A_698 : memref<1x128x128xf32, #tpu.memory_space<vmem>> -> memref<128x128xf32, #tpu.memory_space<vmem>>
      %swap3A_700 = arith.index_cast %scan3A_588 : i32 to index
      %swap3A_701 = arith.constant 112 : index
      %swap3A_702 = tpu.vector_load %swap3A_699[%swap3A_700, %swap3A_701] {strides = array<i32>} : memref<128x128xf32, #tpu.memory_space<vmem>>, vector<1x16xf32>,
      %swap3A_703 = vector.shape_cast %swap3A_702 : vector<1x16xf32> to vector<16xf32>
      %swap3A_704 = vector.shape_cast %get3A_695 : vector<16xf32> to vector<1x16xf32>
      tpu.vector_store %swap3A_699[%swap3A_700, %swap3A_701], %swap3A_704 {add = true, strides = array<i32>} : memref<128x128xf32, #tpu.memory_space<vmem>>, vector<1x16xf32>,
      %scan3A_705 = arith.constant 0 : i32
      scf.yield %scan3A_705 : i32
    }
    %scan3A_413 = arith.constant 128 : i32
    %add3A_414 = arith.constant 128 : i32
    %add3A_415 = arith.addi %mul3A_2, %add3A_414 : i32
    %dma_start3A_416 = arith.constant 0 : i32
    %dma_start3A_417 = arith.constant 2 : i32
    %dma_start3A_418 = arith.constant 0 : i32
    %dma_start3A_419 = arith.constant 0 : i32
    %dma_start3A_420 = tpu.memref_slice %arg9[%dma_start3A_416, %dma_start3A_418, %dma_start3A_419] : memref<5x128x128xf32, #tpu.memory_space<vmem>> -> memref<1x128x128xf32, #tpu.memory_space<vmem>>
    %dma_start3A_421 = tpu.memref_squeeze %dma_start3A_420 : memref<1x128x128xf32, #tpu.memory_space<vmem>> -> memref<128x128xf32, #tpu.memory_space<vmem>>
    %dma_start3A_422 = arith.constant 0 : i32
    %dma_start3A_423 = tpu.memref_slice %arg5[%dma_start3A_417, %add3A_415, %dma_start3A_422] : memref<4x8192x128xf32, #tpu.memory_space<hbm>> -> memref<1x128x128xf32, #tpu.memory_space<hbm>>
    %dma_start3A_424 = tpu.memref_squeeze %dma_start3A_423 : memref<1x128x128xf32, #tpu.memory_space<hbm>> -> memref<128x128xf32, #tpu.memory_space<hbm>>
    %dma_start3A_425 = arith.constant 0 : i32
    %dma_start3A_426 = tpu.memref_slice %arg5[%dma_start3A_417, %add3A_415, %dma_start3A_425] : memref<4x8192x128xf32, #tpu.memory_space<hbm>> -> memref<1x128x128xf32, #tpu.memory_space<hbm>>
    %dma_start3A_427 = tpu.memref_squeeze %dma_start3A_426 : memref<1x128x128xf32, #tpu.memory_space<hbm>> -> memref<128x128xf32, #tpu.memory_space<hbm>>
    %dma_start3A_428 = arith.constant 0 : i32
    %dma_start3A_429 = arith.constant 0 : i32
    %dma_start3A_430 = tpu.memref_slice %arg9[%dma_start3A_416, %dma_start3A_428, %dma_start3A_429] : memref<5x128x128xf32, #tpu.memory_space<vmem>> -> memref<1x128x128xf32, #tpu.memory_space<vmem>>
    %dma_start3A_431 = tpu.memref_squeeze %dma_start3A_430 : memref<1x128x128xf32, #tpu.memory_space<vmem>> -> memref<128x128xf32, #tpu.memory_space<vmem>>
    tpu.enqueue_dma source(%dma_start3A_431 : memref<128x128xf32, #tpu.memory_space<vmem>>) target(%dma_start3A_427 : memref<128x128xf32, #tpu.memory_space<hbm>>) target_semaphore(%arg18 : memref<!tpu.dma_semaphore, #tpu.memory_space<semaphore_mem>>)
    %dma_wait3A_432 = arith.constant 3 : i32
    %dma_wait3A_433 = arith.constant 1 : i32
    %dma_wait3A_434 = arith.constant 0 : i32
    %dma_wait3A_435 = arith.constant 0 : i32
    %dma_wait3A_436 = tpu.memref_slice %arg9[%dma_wait3A_433, %dma_wait3A_434, %dma_wait3A_435] : memref<5x128x128xf32, #tpu.memory_space<vmem>> -> memref<1x128x128xf32, #tpu.memory_space<vmem>>
    %dma_wait3A_437 = tpu.memref_squeeze %dma_wait3A_436 : memref<1x128x128xf32, #tpu.memory_space<vmem>> -> memref<128x128xf32, #tpu.memory_space<vmem>>
    %dma_wait3A_438 = arith.constant 0 : i32
    %dma_wait3A_439 = tpu.memref_slice %arg7[%dma_wait3A_432, %dma_wait3A_438] : memref<4x256xi32, #tpu.memory_space<vmem>> -> memref<1x128xi32, #tpu.memory_space<vmem>>
    %dma_wait3A_440 = tpu.memref_squeeze %dma_wait3A_439 : memref<1x128xi32, #tpu.memory_space<vmem>> -> memref<128xi32, #tpu.memory_space<vmem>>
    %dma_wait3A_441 = arith.constant 0 : i32
    %dma_wait3A_442 = arith.constant 0 : i32
    %dma_wait3A_443 = tpu.memref_slice %arg3[%dma_wait3A_441, %dma_wait3A_442] : memref<100000x128xf32, #tpu.memory_space<hbm>> -> memref<100000x128xf32, #tpu.memory_space<hbm>>
    tpu.wait_indirect_dma semaphore(%arg13 : memref<!tpu.dma_semaphore, #tpu.memory_space<semaphore_mem>>) src(%dma_wait3A_443 : memref<100000x128xf32, #tpu.memory_space<hbm>>) dst(%dma_wait3A_437 : memref<128x128xf32, #tpu.memory_space<vmem>>)
    %scan3A_444 = arith.constant 1 : i32
    %scan3A_445 = arith.constant 0 : i32
    %scan3A_446 = arith.constant 0 : i32
    %scan3A_447 = arith.constant 128 : i32
    %scan3A_448 = arith.addi %scan3A_446, %scan3A_447 : i32
    %scan3A_449 = arith.constant 1 : i32
    %scan3A_450 = scf.for %scan3A_588 = %scan3A_446 to %scan3A_448 step %scan3A_449 iter_args(%scan3A_589 = %scan3A_445) -> (i32)  : i32 {
      %add3A_590 = arith.constant 0 : i32
      %add3A_591 = arith.addi %add3A_590, %scan3A_588 : i32
      %mul3A_592 = arith.constant 128 : i32
      %mul3A_593 = arith.muli %add3A_591, %mul3A_592 : i32
      %add3A_594 = arith.constant 0 : i32
      %add3A_595 = arith.addi %mul3A_593, %add3A_594 : i32
      %get3A = arith.index_cast %add3A_595 : i32 to index
      %get3A_596 = tpu.vector_load %arg8[%get3A] {strides = array<i32>} : memref<32768xf32, #tpu.memory_space<vmem>>, vector<16xf32>,
      %get3A_597 = vector.shape_cast %get3A_596 : vector<16xf32> to vector<16xf32>
      %swap3A_598 = arith.constant 0 : i32
      %swap3A_599 = arith.constant 0 : i32
      %swap3A_600 = tpu.memref_slice %arg9[%scan3A_444, %swap3A_598, %swap3A_599] : memref<5x128x128xf32, #tpu.memory_space<vmem>> -> memref<1x128x128xf32, #tpu.memory_space<vmem>>
      %swap3A_601 = tpu.memref_squeeze %swap3A_600 : memref<1x128x128xf32, #tpu.memory_space<vmem>> -> memref<128x128xf32, #tpu.memory_space<vmem>>
      %swap3A_602 = arith.index_cast %scan3A_588 : i32 to index
      %swap3A_603 = arith.constant 0 : index
      %swap3A_604 = tpu.vector_load %swap3A_601[%swap3A_602, %swap3A_603] {strides = array<i32>} : memref<128x128xf32, #tpu.memory_space<vmem>>, vector<1x16xf32>,
      %swap3A_605 = vector.shape_cast %swap3A_604 : vector<1x16xf32> to vector<16xf32>
      %swap3A_606 = vector.shape_cast %get3A_597 : vector<16xf32> to vector<1x16xf32>
      tpu.vector_store %swap3A_601[%swap3A_602, %swap3A_603], %swap3A_606 {add = true, strides = array<i32>} : memref<128x128xf32, #tpu.memory_space<vmem>>, vector<1x16xf32>,
      %add3A_607 = arith.constant 16 : i32
      %add3A_608 = arith.addi %mul3A_593, %add3A_607 : i32
      %get3A_609 = arith.index_cast %add3A_608 : i32 to index
      %get3A_610 = tpu.vector_load %arg8[%get3A_609] {strides = array<i32>} : memref<32768xf32, #tpu.memory_space<vmem>>, vector<16xf32>,
      %get3A_611 = vector.shape_cast %get3A_610 : vector<16xf32> to vector<16xf32>
      %swap3A_612 = arith.constant 0 : i32
      %swap3A_613 = arith.constant 0 : i32
      %swap3A_614 = tpu.memref_slice %arg9[%scan3A_444, %swap3A_612, %swap3A_613] : memref<5x128x128xf32, #tpu.memory_space<vmem>> -> memref<1x128x128xf32, #tpu.memory_space<vmem>>
      %swap3A_615 = tpu.memref_squeeze %swap3A_614 : memref<1x128x128xf32, #tpu.memory_space<vmem>> -> memref<128x128xf32, #tpu.memory_space<vmem>>
      %swap3A_616 = arith.index_cast %scan3A_588 : i32 to index
      %swap3A_617 = arith.constant 16 : index
      %swap3A_618 = tpu.vector_load %swap3A_615[%swap3A_616, %swap3A_617] {strides = array<i32>} : memref<128x128xf32, #tpu.memory_space<vmem>>, vector<1x16xf32>,
      %swap3A_619 = vector.shape_cast %swap3A_618 : vector<1x16xf32> to vector<16xf32>
      %swap3A_620 = vector.shape_cast %get3A_611 : vector<16xf32> to vector<1x16xf32>
      tpu.vector_store %swap3A_615[%swap3A_616, %swap3A_617], %swap3A_620 {add = true, strides = array<i32>} : memref<128x128xf32, #tpu.memory_space<vmem>>, vector<1x16xf32>,
      %add3A_621 = arith.constant 32 : i32
      %add3A_622 = arith.addi %mul3A_593, %add3A_621 : i32
      %get3A_623 = arith.index_cast %add3A_622 : i32 to index
      %get3A_624 = tpu.vector_load %arg8[%get3A_623] {strides = array<i32>} : memref<32768xf32, #tpu.memory_space<vmem>>, vector<16xf32>,
      %get3A_625 = vector.shape_cast %get3A_624 : vector<16xf32> to vector<16xf32>
      %swap3A_626 = arith.constant 0 : i32
      %swap3A_627 = arith.constant 0 : i32
      %swap3A_628 = tpu.memref_slice %arg9[%scan3A_444, %swap3A_626, %swap3A_627] : memref<5x128x128xf32, #tpu.memory_space<vmem>> -> memref<1x128x128xf32, #tpu.memory_space<vmem>>
      %swap3A_629 = tpu.memref_squeeze %swap3A_628 : memref<1x128x128xf32, #tpu.memory_space<vmem>> -> memref<128x128xf32, #tpu.memory_space<vmem>>
      %swap3A_630 = arith.index_cast %scan3A_588 : i32 to index
      %swap3A_631 = arith.constant 32 : index
      %swap3A_632 = tpu.vector_load %swap3A_629[%swap3A_630, %swap3A_631] {strides = array<i32>} : memref<128x128xf32, #tpu.memory_space<vmem>>, vector<1x16xf32>,
      %swap3A_633 = vector.shape_cast %swap3A_632 : vector<1x16xf32> to vector<16xf32>
      %swap3A_634 = vector.shape_cast %get3A_625 : vector<16xf32> to vector<1x16xf32>
      tpu.vector_store %swap3A_629[%swap3A_630, %swap3A_631], %swap3A_634 {add = true, strides = array<i32>} : memref<128x128xf32, #tpu.memory_space<vmem>>, vector<1x16xf32>,
      %add3A_635 = arith.constant 48 : i32
      %add3A_636 = arith.addi %mul3A_593, %add3A_635 : i32
      %get3A_637 = arith.index_cast %add3A_636 : i32 to index
      %get3A_638 = tpu.vector_load %arg8[%get3A_637] {strides = array<i32>} : memref<32768xf32, #tpu.memory_space<vmem>>, vector<16xf32>,
      %get3A_639 = vector.shape_cast %get3A_638 : vector<16xf32> to vector<16xf32>
      %swap3A_640 = arith.constant 0 : i32
      %swap3A_641 = arith.constant 0 : i32
      %swap3A_642 = tpu.memref_slice %arg9[%scan3A_444, %swap3A_640, %swap3A_641] : memref<5x128x128xf32, #tpu.memory_space<vmem>> -> memref<1x128x128xf32, #tpu.memory_space<vmem>>
      %swap3A_643 = tpu.memref_squeeze %swap3A_642 : memref<1x128x128xf32, #tpu.memory_space<vmem>> -> memref<128x128xf32, #tpu.memory_space<vmem>>
      %swap3A_644 = arith.index_cast %scan3A_588 : i32 to index
      %swap3A_645 = arith.constant 48 : index
      %swap3A_646 = tpu.vector_load %swap3A_643[%swap3A_644, %swap3A_645] {strides = array<i32>} : memref<128x128xf32, #tpu.memory_space<vmem>>, vector<1x16xf32>,
      %swap3A_647 = vector.shape_cast %swap3A_646 : vector<1x16xf32> to vector<16xf32>
      %swap3A_648 = vector.shape_cast %get3A_639 : vector<16xf32> to vector<1x16xf32>
      tpu.vector_store %swap3A_643[%swap3A_644, %swap3A_645], %swap3A_648 {add = true, strides = array<i32>} : memref<128x128xf32, #tpu.memory_space<vmem>>, vector<1x16xf32>,
      %add3A_649 = arith.constant 64 : i32
      %add3A_650 = arith.addi %mul3A_593, %add3A_649 : i32
      %get3A_651 = arith.index_cast %add3A_650 : i32 to index
      %get3A_652 = tpu.vector_load %arg8[%get3A_651] {strides = array<i32>} : memref<32768xf32, #tpu.memory_space<vmem>>, vector<16xf32>,
      %get3A_653 = vector.shape_cast %get3A_652 : vector<16xf32> to vector<16xf32>
      %swap3A_654 = arith.constant 0 : i32
      %swap3A_655 = arith.constant 0 : i32
      %swap3A_656 = tpu.memref_slice %arg9[%scan3A_444, %swap3A_654, %swap3A_655] : memref<5x128x128xf32, #tpu.memory_space<vmem>> -> memref<1x128x128xf32, #tpu.memory_space<vmem>>
      %swap3A_657 = tpu.memref_squeeze %swap3A_656 : memref<1x128x128xf32, #tpu.memory_space<vmem>> -> memref<128x128xf32, #tpu.memory_space<vmem>>
      %swap3A_658 = arith.index_cast %scan3A_588 : i32 to index
      %swap3A_659 = arith.constant 64 : index
      %swap3A_660 = tpu.vector_load %swap3A_657[%swap3A_658, %swap3A_659] {strides = array<i32>} : memref<128x128xf32, #tpu.memory_space<vmem>>, vector<1x16xf32>,
      %swap3A_661 = vector.shape_cast %swap3A_660 : vector<1x16xf32> to vector<16xf32>
      %swap3A_662 = vector.shape_cast %get3A_653 : vector<16xf32> to vector<1x16xf32>
      tpu.vector_store %swap3A_657[%swap3A_658, %swap3A_659], %swap3A_662 {add = true, strides = array<i32>} : memref<128x128xf32, #tpu.memory_space<vmem>>, vector<1x16xf32>,
      %add3A_663 = arith.constant 80 : i32
      %add3A_664 = arith.addi %mul3A_593, %add3A_663 : i32
      %get3A_665 = arith.index_cast %add3A_664 : i32 to index
      %get3A_666 = tpu.vector_load %arg8[%get3A_665] {strides = array<i32>} : memref<32768xf32, #tpu.memory_space<vmem>>, vector<16xf32>,
      %get3A_667 = vector.shape_cast %get3A_666 : vector<16xf32> to vector<16xf32>
      %swap3A_668 = arith.constant 0 : i32
      %swap3A_669 = arith.constant 0 : i32
      %swap3A_670 = tpu.memref_slice %arg9[%scan3A_444, %swap3A_668, %swap3A_669] : memref<5x128x128xf32, #tpu.memory_space<vmem>> -> memref<1x128x128xf32, #tpu.memory_space<vmem>>
      %swap3A_671 = tpu.memref_squeeze %swap3A_670 : memref<1x128x128xf32, #tpu.memory_space<vmem>> -> memref<128x128xf32, #tpu.memory_space<vmem>>
      %swap3A_672 = arith.index_cast %scan3A_588 : i32 to index
      %swap3A_673 = arith.constant 80 : index
      %swap3A_674 = tpu.vector_load %swap3A_671[%swap3A_672, %swap3A_673] {strides = array<i32>} : memref<128x128xf32, #tpu.memory_space<vmem>>, vector<1x16xf32>,
      %swap3A_675 = vector.shape_cast %swap3A_674 : vector<1x16xf32> to vector<16xf32>
      %swap3A_676 = vector.shape_cast %get3A_667 : vector<16xf32> to vector<1x16xf32>
      tpu.vector_store %swap3A_671[%swap3A_672, %swap3A_673], %swap3A_676 {add = true, strides = array<i32>} : memref<128x128xf32, #tpu.memory_space<vmem>>, vector<1x16xf32>,
      %add3A_677 = arith.constant 96 : i32
      %add3A_678 = arith.addi %mul3A_593, %add3A_677 : i32
      %get3A_679 = arith.index_cast %add3A_678 : i32 to index
      %get3A_680 = tpu.vector_load %arg8[%get3A_679] {strides = array<i32>} : memref<32768xf32, #tpu.memory_space<vmem>>, vector<16xf32>,
      %get3A_681 = vector.shape_cast %get3A_680 : vector<16xf32> to vector<16xf32>
      %swap3A_682 = arith.constant 0 : i32
      %swap3A_683 = arith.constant 0 : i32
      %swap3A_684 = tpu.memref_slice %arg9[%scan3A_444, %swap3A_682, %swap3A_683] : memref<5x128x128xf32, #tpu.memory_space<vmem>> -> memref<1x128x128xf32, #tpu.memory_space<vmem>>
      %swap3A_685 = tpu.memref_squeeze %swap3A_684 : memref<1x128x128xf32, #tpu.memory_space<vmem>> -> memref<128x128xf32, #tpu.memory_space<vmem>>
      %swap3A_686 = arith.index_cast %scan3A_588 : i32 to index
      %swap3A_687 = arith.constant 96 : index
      %swap3A_688 = tpu.vector_load %swap3A_685[%swap3A_686, %swap3A_687] {strides = array<i32>} : memref<128x128xf32, #tpu.memory_space<vmem>>, vector<1x16xf32>,
      %swap3A_689 = vector.shape_cast %swap3A_688 : vector<1x16xf32> to vector<16xf32>
      %swap3A_690 = vector.shape_cast %get3A_681 : vector<16xf32> to vector<1x16xf32>
      tpu.vector_store %swap3A_685[%swap3A_686, %swap3A_687], %swap3A_690 {add = true, strides = array<i32>} : memref<128x128xf32, #tpu.memory_space<vmem>>, vector<1x16xf32>,
      %add3A_691 = arith.constant 112 : i32
      %add3A_692 = arith.addi %mul3A_593, %add3A_691 : i32
      %get3A_693 = arith.index_cast %add3A_692 : i32 to index
      %get3A_694 = tpu.vector_load %arg8[%get3A_693] {strides = array<i32>} : memref<32768xf32, #tpu.memory_space<vmem>>, vector<16xf32>,
      %get3A_695 = vector.shape_cast %get3A_694 : vector<16xf32> to vector<16xf32>
      %swap3A_696 = arith.constant 0 : i32
      %swap3A_697 = arith.constant 0 : i32
      %swap3A_698 = tpu.memref_slice %arg9[%scan3A_444, %swap3A_696, %swap3A_697] : memref<5x128x128xf32, #tpu.memory_space<vmem>> -> memref<1x128x128xf32, #tpu.memory_space<vmem>>
      %swap3A_699 = tpu.memref_squeeze %swap3A_698 : memref<1x128x128xf32, #tpu.memory_space<vmem>> -> memref<128x128xf32, #tpu.memory_space<vmem>>
      %swap3A_700 = arith.index_cast %scan3A_588 : i32 to index
      %swap3A_701 = arith.constant 112 : index
      %swap3A_702 = tpu.vector_load %swap3A_699[%swap3A_700, %swap3A_701] {strides = array<i32>} : memref<128x128xf32, #tpu.memory_space<vmem>>, vector<1x16xf32>,
      %swap3A_703 = vector.shape_cast %swap3A_702 : vector<1x16xf32> to vector<16xf32>
      %swap3A_704 = vector.shape_cast %get3A_695 : vector<16xf32> to vector<1x16xf32>
      tpu.vector_store %swap3A_699[%swap3A_700, %swap3A_701], %swap3A_704 {add = true, strides = array<i32>} : memref<128x128xf32, #tpu.memory_space<vmem>>, vector<1x16xf32>,
      %scan3A_705 = arith.constant 0 : i32
      scf.yield %scan3A_705 : i32
    }
    %scan3A_451 = arith.constant 128 : i32
    %add3A_452 = arith.constant 0 : i32
    %add3A_453 = arith.addi %mul3A_2, %add3A_452 : i32
    %dma_start3A_454 = arith.constant 1 : i32
    %dma_start3A_455 = arith.constant 3 : i32
    %dma_start3A_456 = arith.constant 0 : i32
    %dma_start3A_457 = arith.constant 0 : i32
    %dma_start3A_458 = tpu.memref_slice %arg9[%dma_start3A_454, %dma_start3A_456, %dma_start3A_457] : memref<5x128x128xf32, #tpu.memory_space<vmem>> -> memref<1x128x128xf32, #tpu.memory_space<vmem>>
    %dma_start3A_459 = tpu.memref_squeeze %dma_start3A_458 : memref<1x128x128xf32, #tpu.memory_space<vmem>> -> memref<128x128xf32, #tpu.memory_space<vmem>>
    %dma_start3A_460 = arith.constant 0 : i32
    %dma_start3A_461 = tpu.memref_slice %arg5[%dma_start3A_455, %add3A_453, %dma_start3A_460] : memref<4x8192x128xf32, #tpu.memory_space<hbm>> -> memref<1x128x128xf32, #tpu.memory_space<hbm>>
    %dma_start3A_462 = tpu.memref_squeeze %dma_start3A_461 : memref<1x128x128xf32, #tpu.memory_space<hbm>> -> memref<128x128xf32, #tpu.memory_space<hbm>>
    %dma_start3A_463 = arith.constant 0 : i32
    %dma_start3A_464 = tpu.memref_slice %arg5[%dma_start3A_455, %add3A_453, %dma_start3A_463] : memref<4x8192x128xf32, #tpu.memory_space<hbm>> -> memref<1x128x128xf32, #tpu.memory_space<hbm>>
    %dma_start3A_465 = tpu.memref_squeeze %dma_start3A_464 : memref<1x128x128xf32, #tpu.memory_space<hbm>> -> memref<128x128xf32, #tpu.memory_space<hbm>>
    %dma_start3A_466 = arith.constant 0 : i32
    %dma_start3A_467 = arith.constant 0 : i32
    %dma_start3A_468 = tpu.memref_slice %arg9[%dma_start3A_454, %dma_start3A_466, %dma_start3A_467] : memref<5x128x128xf32, #tpu.memory_space<vmem>> -> memref<1x128x128xf32, #tpu.memory_space<vmem>>
    %dma_start3A_469 = tpu.memref_squeeze %dma_start3A_468 : memref<1x128x128xf32, #tpu.memory_space<vmem>> -> memref<128x128xf32, #tpu.memory_space<vmem>>
    tpu.enqueue_dma source(%dma_start3A_469 : memref<128x128xf32, #tpu.memory_space<vmem>>) target(%dma_start3A_465 : memref<128x128xf32, #tpu.memory_space<hbm>>) target_semaphore(%arg17 : memref<!tpu.dma_semaphore, #tpu.memory_space<semaphore_mem>>)
    %dma_wait3A_470 = arith.constant 3 : i32
    %dma_wait3A_471 = arith.constant 2 : i32
    %dma_wait3A_472 = arith.constant 0 : i32
    %dma_wait3A_473 = arith.constant 0 : i32
    %dma_wait3A_474 = tpu.memref_slice %arg9[%dma_wait3A_471, %dma_wait3A_472, %dma_wait3A_473] : memref<5x128x128xf32, #tpu.memory_space<vmem>> -> memref<1x128x128xf32, #tpu.memory_space<vmem>>
    %dma_wait3A_475 = tpu.memref_squeeze %dma_wait3A_474 : memref<1x128x128xf32, #tpu.memory_space<vmem>> -> memref<128x128xf32, #tpu.memory_space<vmem>>
    %dma_wait3A_476 = arith.constant 128 : i32
    %dma_wait3A_477 = tpu.memref_slice %arg7[%dma_wait3A_470, %dma_wait3A_476] : memref<4x256xi32, #tpu.memory_space<vmem>> -> memref<1x128xi32, #tpu.memory_space<vmem>>
    %dma_wait3A_478 = tpu.memref_squeeze %dma_wait3A_477 : memref<1x128xi32, #tpu.memory_space<vmem>> -> memref<128xi32, #tpu.memory_space<vmem>>
    %dma_wait3A_479 = arith.constant 0 : i32
    %dma_wait3A_480 = arith.constant 0 : i32
    %dma_wait3A_481 = tpu.memref_slice %arg3[%dma_wait3A_479, %dma_wait3A_480] : memref<100000x128xf32, #tpu.memory_space<hbm>> -> memref<100000x128xf32, #tpu.memory_space<hbm>>
    tpu.wait_indirect_dma semaphore(%arg14 : memref<!tpu.dma_semaphore, #tpu.memory_space<semaphore_mem>>) src(%dma_wait3A_481 : memref<100000x128xf32, #tpu.memory_space<hbm>>) dst(%dma_wait3A_475 : memref<128x128xf32, #tpu.memory_space<vmem>>)
    %scan3A_482 = arith.constant 2 : i32
    %scan3A_483 = arith.constant 0 : i32
    %scan3A_484 = arith.constant 0 : i32
    %scan3A_485 = arith.constant 128 : i32
    %scan3A_486 = arith.addi %scan3A_484, %scan3A_485 : i32
    %scan3A_487 = arith.constant 1 : i32
    %scan3A_488 = scf.for %scan3A_588 = %scan3A_484 to %scan3A_486 step %scan3A_487 iter_args(%scan3A_589 = %scan3A_483) -> (i32)  : i32 {
      %add3A_590 = arith.constant 128 : i32
      %add3A_591 = arith.addi %add3A_590, %scan3A_588 : i32
      %mul3A_592 = arith.constant 128 : i32
      %mul3A_593 = arith.muli %add3A_591, %mul3A_592 : i32
      %add3A_594 = arith.constant 0 : i32
      %add3A_595 = arith.addi %mul3A_593, %add3A_594 : i32
      %get3A = arith.index_cast %add3A_595 : i32 to index
      %get3A_596 = tpu.vector_load %arg8[%get3A] {strides = array<i32>} : memref<32768xf32, #tpu.memory_space<vmem>>, vector<16xf32>,
      %get3A_597 = vector.shape_cast %get3A_596 : vector<16xf32> to vector<16xf32>
      %swap3A_598 = arith.constant 0 : i32
      %swap3A_599 = arith.constant 0 : i32
      %swap3A_600 = tpu.memref_slice %arg9[%scan3A_482, %swap3A_598, %swap3A_599] : memref<5x128x128xf32, #tpu.memory_space<vmem>> -> memref<1x128x128xf32, #tpu.memory_space<vmem>>
      %swap3A_601 = tpu.memref_squeeze %swap3A_600 : memref<1x128x128xf32, #tpu.memory_space<vmem>> -> memref<128x128xf32, #tpu.memory_space<vmem>>
      %swap3A_602 = arith.index_cast %scan3A_588 : i32 to index
      %swap3A_603 = arith.constant 0 : index
      %swap3A_604 = tpu.vector_load %swap3A_601[%swap3A_602, %swap3A_603] {strides = array<i32>} : memref<128x128xf32, #tpu.memory_space<vmem>>, vector<1x16xf32>,
      %swap3A_605 = vector.shape_cast %swap3A_604 : vector<1x16xf32> to vector<16xf32>
      %swap3A_606 = vector.shape_cast %get3A_597 : vector<16xf32> to vector<1x16xf32>
      tpu.vector_store %swap3A_601[%swap3A_602, %swap3A_603], %swap3A_606 {add = true, strides = array<i32>} : memref<128x128xf32, #tpu.memory_space<vmem>>, vector<1x16xf32>,
      %add3A_607 = arith.constant 16 : i32
      %add3A_608 = arith.addi %mul3A_593, %add3A_607 : i32
      %get3A_609 = arith.index_cast %add3A_608 : i32 to index
      %get3A_610 = tpu.vector_load %arg8[%get3A_609] {strides = array<i32>} : memref<32768xf32, #tpu.memory_space<vmem>>, vector<16xf32>,
      %get3A_611 = vector.shape_cast %get3A_610 : vector<16xf32> to vector<16xf32>
      %swap3A_612 = arith.constant 0 : i32
      %swap3A_613 = arith.constant 0 : i32
      %swap3A_614 = tpu.memref_slice %arg9[%scan3A_482, %swap3A_612, %swap3A_613] : memref<5x128x128xf32, #tpu.memory_space<vmem>> -> memref<1x128x128xf32, #tpu.memory_space<vmem>>
      %swap3A_615 = tpu.memref_squeeze %swap3A_614 : memref<1x128x128xf32, #tpu.memory_space<vmem>> -> memref<128x128xf32, #tpu.memory_space<vmem>>
      %swap3A_616 = arith.index_cast %scan3A_588 : i32 to index
      %swap3A_617 = arith.constant 16 : index
      %swap3A_618 = tpu.vector_load %swap3A_615[%swap3A_616, %swap3A_617] {strides = array<i32>} : memref<128x128xf32, #tpu.memory_space<vmem>>, vector<1x16xf32>,
      %swap3A_619 = vector.shape_cast %swap3A_618 : vector<1x16xf32> to vector<16xf32>
      %swap3A_620 = vector.shape_cast %get3A_611 : vector<16xf32> to vector<1x16xf32>
      tpu.vector_store %swap3A_615[%swap3A_616, %swap3A_617], %swap3A_620 {add = true, strides = array<i32>} : memref<128x128xf32, #tpu.memory_space<vmem>>, vector<1x16xf32>,
      %add3A_621 = arith.constant 32 : i32
      %add3A_622 = arith.addi %mul3A_593, %add3A_621 : i32
      %get3A_623 = arith.index_cast %add3A_622 : i32 to index
      %get3A_624 = tpu.vector_load %arg8[%get3A_623] {strides = array<i32>} : memref<32768xf32, #tpu.memory_space<vmem>>, vector<16xf32>,
      %get3A_625 = vector.shape_cast %get3A_624 : vector<16xf32> to vector<16xf32>
      %swap3A_626 = arith.constant 0 : i32
      %swap3A_627 = arith.constant 0 : i32
      %swap3A_628 = tpu.memref_slice %arg9[%scan3A_482, %swap3A_626, %swap3A_627] : memref<5x128x128xf32, #tpu.memory_space<vmem>> -> memref<1x128x128xf32, #tpu.memory_space<vmem>>
      %swap3A_629 = tpu.memref_squeeze %swap3A_628 : memref<1x128x128xf32, #tpu.memory_space<vmem>> -> memref<128x128xf32, #tpu.memory_space<vmem>>
      %swap3A_630 = arith.index_cast %scan3A_588 : i32 to index
      %swap3A_631 = arith.constant 32 : index
      %swap3A_632 = tpu.vector_load %swap3A_629[%swap3A_630, %swap3A_631] {strides = array<i32>} : memref<128x128xf32, #tpu.memory_space<vmem>>, vector<1x16xf32>,
      %swap3A_633 = vector.shape_cast %swap3A_632 : vector<1x16xf32> to vector<16xf32>
      %swap3A_634 = vector.shape_cast %get3A_625 : vector<16xf32> to vector<1x16xf32>
      tpu.vector_store %swap3A_629[%swap3A_630, %swap3A_631], %swap3A_634 {add = true, strides = array<i32>} : memref<128x128xf32, #tpu.memory_space<vmem>>, vector<1x16xf32>,
      %add3A_635 = arith.constant 48 : i32
      %add3A_636 = arith.addi %mul3A_593, %add3A_635 : i32
      %get3A_637 = arith.index_cast %add3A_636 : i32 to index
      %get3A_638 = tpu.vector_load %arg8[%get3A_637] {strides = array<i32>} : memref<32768xf32, #tpu.memory_space<vmem>>, vector<16xf32>,
      %get3A_639 = vector.shape_cast %get3A_638 : vector<16xf32> to vector<16xf32>
      %swap3A_640 = arith.constant 0 : i32
      %swap3A_641 = arith.constant 0 : i32
      %swap3A_642 = tpu.memref_slice %arg9[%scan3A_482, %swap3A_640, %swap3A_641] : memref<5x128x128xf32, #tpu.memory_space<vmem>> -> memref<1x128x128xf32, #tpu.memory_space<vmem>>
      %swap3A_643 = tpu.memref_squeeze %swap3A_642 : memref<1x128x128xf32, #tpu.memory_space<vmem>> -> memref<128x128xf32, #tpu.memory_space<vmem>>
      %swap3A_644 = arith.index_cast %scan3A_588 : i32 to index
      %swap3A_645 = arith.constant 48 : index
      %swap3A_646 = tpu.vector_load %swap3A_643[%swap3A_644, %swap3A_645] {strides = array<i32>} : memref<128x128xf32, #tpu.memory_space<vmem>>, vector<1x16xf32>,
      %swap3A_647 = vector.shape_cast %swap3A_646 : vector<1x16xf32> to vector<16xf32>
      %swap3A_648 = vector.shape_cast %get3A_639 : vector<16xf32> to vector<1x16xf32>
      tpu.vector_store %swap3A_643[%swap3A_644, %swap3A_645], %swap3A_648 {add = true, strides = array<i32>} : memref<128x128xf32, #tpu.memory_space<vmem>>, vector<1x16xf32>,
      %add3A_649 = arith.constant 64 : i32
      %add3A_650 = arith.addi %mul3A_593, %add3A_649 : i32
      %get3A_651 = arith.index_cast %add3A_650 : i32 to index
      %get3A_652 = tpu.vector_load %arg8[%get3A_651] {strides = array<i32>} : memref<32768xf32, #tpu.memory_space<vmem>>, vector<16xf32>,
      %get3A_653 = vector.shape_cast %get3A_652 : vector<16xf32> to vector<16xf32>
      %swap3A_654 = arith.constant 0 : i32
      %swap3A_655 = arith.constant 0 : i32
      %swap3A_656 = tpu.memref_slice %arg9[%scan3A_482, %swap3A_654, %swap3A_655] : memref<5x128x128xf32, #tpu.memory_space<vmem>> -> memref<1x128x128xf32, #tpu.memory_space<vmem>>
      %swap3A_657 = tpu.memref_squeeze %swap3A_656 : memref<1x128x128xf32, #tpu.memory_space<vmem>> -> memref<128x128xf32, #tpu.memory_space<vmem>>
      %swap3A_658 = arith.index_cast %scan3A_588 : i32 to index
      %swap3A_659 = arith.constant 64 : index
      %swap3A_660 = tpu.vector_load %swap3A_657[%swap3A_658, %swap3A_659] {strides = array<i32>} : memref<128x128xf32, #tpu.memory_space<vmem>>, vector<1x16xf32>,
      %swap3A_661 = vector.shape_cast %swap3A_660 : vector<1x16xf32> to vector<16xf32>
      %swap3A_662 = vector.shape_cast %get3A_653 : vector<16xf32> to vector<1x16xf32>
      tpu.vector_store %swap3A_657[%swap3A_658, %swap3A_659], %swap3A_662 {add = true, strides = array<i32>} : memref<128x128xf32, #tpu.memory_space<vmem>>, vector<1x16xf32>,
      %add3A_663 = arith.constant 80 : i32
      %add3A_664 = arith.addi %mul3A_593, %add3A_663 : i32
      %get3A_665 = arith.index_cast %add3A_664 : i32 to index
      %get3A_666 = tpu.vector_load %arg8[%get3A_665] {strides = array<i32>} : memref<32768xf32, #tpu.memory_space<vmem>>, vector<16xf32>,
      %get3A_667 = vector.shape_cast %get3A_666 : vector<16xf32> to vector<16xf32>
      %swap3A_668 = arith.constant 0 : i32
      %swap3A_669 = arith.constant 0 : i32
      %swap3A_670 = tpu.memref_slice %arg9[%scan3A_482, %swap3A_668, %swap3A_669] : memref<5x128x128xf32, #tpu.memory_space<vmem>> -> memref<1x128x128xf32, #tpu.memory_space<vmem>>
      %swap3A_671 = tpu.memref_squeeze %swap3A_670 : memref<1x128x128xf32, #tpu.memory_space<vmem>> -> memref<128x128xf32, #tpu.memory_space<vmem>>
      %swap3A_672 = arith.index_cast %scan3A_588 : i32 to index
      %swap3A_673 = arith.constant 80 : index
      %swap3A_674 = tpu.vector_load %swap3A_671[%swap3A_672, %swap3A_673] {strides = array<i32>} : memref<128x128xf32, #tpu.memory_space<vmem>>, vector<1x16xf32>,
      %swap3A_675 = vector.shape_cast %swap3A_674 : vector<1x16xf32> to vector<16xf32>
      %swap3A_676 = vector.shape_cast %get3A_667 : vector<16xf32> to vector<1x16xf32>
      tpu.vector_store %swap3A_671[%swap3A_672, %swap3A_673], %swap3A_676 {add = true, strides = array<i32>} : memref<128x128xf32, #tpu.memory_space<vmem>>, vector<1x16xf32>,
      %add3A_677 = arith.constant 96 : i32
      %add3A_678 = arith.addi %mul3A_593, %add3A_677 : i32
      %get3A_679 = arith.index_cast %add3A_678 : i32 to index
      %get3A_680 = tpu.vector_load %arg8[%get3A_679] {strides = array<i32>} : memref<32768xf32, #tpu.memory_space<vmem>>, vector<16xf32>,
      %get3A_681 = vector.shape_cast %get3A_680 : vector<16xf32> to vector<16xf32>
      %swap3A_682 = arith.constant 0 : i32
      %swap3A_683 = arith.constant 0 : i32
      %swap3A_684 = tpu.memref_slice %arg9[%scan3A_482, %swap3A_682, %swap3A_683] : memref<5x128x128xf32, #tpu.memory_space<vmem>> -> memref<1x128x128xf32, #tpu.memory_space<vmem>>
      %swap3A_685 = tpu.memref_squeeze %swap3A_684 : memref<1x128x128xf32, #tpu.memory_space<vmem>> -> memref<128x128xf32, #tpu.memory_space<vmem>>
      %swap3A_686 = arith.index_cast %scan3A_588 : i32 to index
      %swap3A_687 = arith.constant 96 : index
      %swap3A_688 = tpu.vector_load %swap3A_685[%swap3A_686, %swap3A_687] {strides = array<i32>} : memref<128x128xf32, #tpu.memory_space<vmem>>, vector<1x16xf32>,
      %swap3A_689 = vector.shape_cast %swap3A_688 : vector<1x16xf32> to vector<16xf32>
      %swap3A_690 = vector.shape_cast %get3A_681 : vector<16xf32> to vector<1x16xf32>
      tpu.vector_store %swap3A_685[%swap3A_686, %swap3A_687], %swap3A_690 {add = true, strides = array<i32>} : memref<128x128xf32, #tpu.memory_space<vmem>>, vector<1x16xf32>,
      %add3A_691 = arith.constant 112 : i32
      %add3A_692 = arith.addi %mul3A_593, %add3A_691 : i32
      %get3A_693 = arith.index_cast %add3A_692 : i32 to index
      %get3A_694 = tpu.vector_load %arg8[%get3A_693] {strides = array<i32>} : memref<32768xf32, #tpu.memory_space<vmem>>, vector<16xf32>,
      %get3A_695 = vector.shape_cast %get3A_694 : vector<16xf32> to vector<16xf32>
      %swap3A_696 = arith.constant 0 : i32
      %swap3A_697 = arith.constant 0 : i32
      %swap3A_698 = tpu.memref_slice %arg9[%scan3A_482, %swap3A_696, %swap3A_697] : memref<5x128x128xf32, #tpu.memory_space<vmem>> -> memref<1x128x128xf32, #tpu.memory_space<vmem>>
      %swap3A_699 = tpu.memref_squeeze %swap3A_698 : memref<1x128x128xf32, #tpu.memory_space<vmem>> -> memref<128x128xf32, #tpu.memory_space<vmem>>
      %swap3A_700 = arith.index_cast %scan3A_588 : i32 to index
      %swap3A_701 = arith.constant 112 : index
      %swap3A_702 = tpu.vector_load %swap3A_699[%swap3A_700, %swap3A_701] {strides = array<i32>} : memref<128x128xf32, #tpu.memory_space<vmem>>, vector<1x16xf32>,
      %swap3A_703 = vector.shape_cast %swap3A_702 : vector<1x16xf32> to vector<16xf32>
      %swap3A_704 = vector.shape_cast %get3A_695 : vector<16xf32> to vector<1x16xf32>
      tpu.vector_store %swap3A_699[%swap3A_700, %swap3A_701], %swap3A_704 {add = true, strides = array<i32>} : memref<128x128xf32, #tpu.memory_space<vmem>>, vector<1x16xf32>,
      %scan3A_705 = arith.constant 0 : i32
      scf.yield %scan3A_705 : i32
    }
    %scan3A_489 = arith.constant 128 : i32
    %add3A_490 = arith.constant 128 : i32
    %add3A_491 = arith.addi %mul3A_2, %add3A_490 : i32
    %dma_start3A_492 = arith.constant 2 : i32
    %dma_start3A_493 = arith.constant 3 : i32
    %dma_start3A_494 = arith.constant 0 : i32
    %dma_start3A_495 = arith.constant 0 : i32
    %dma_start3A_496 = tpu.memref_slice %arg9[%dma_start3A_492, %dma_start3A_494, %dma_start3A_495] : memref<5x128x128xf32, #tpu.memory_space<vmem>> -> memref<1x128x128xf32, #tpu.memory_space<vmem>>
    %dma_start3A_497 = tpu.memref_squeeze %dma_start3A_496 : memref<1x128x128xf32, #tpu.memory_space<vmem>> -> memref<128x128xf32, #tpu.memory_space<vmem>>
    %dma_start3A_498 = arith.constant 0 : i32
    %dma_start3A_499 = tpu.memref_slice %arg5[%dma_start3A_493, %add3A_491, %dma_start3A_498] : memref<4x8192x128xf32, #tpu.memory_space<hbm>> -> memref<1x128x128xf32, #tpu.memory_space<hbm>>
    %dma_start3A_500 = tpu.memref_squeeze %dma_start3A_499 : memref<1x128x128xf32, #tpu.memory_space<hbm>> -> memref<128x128xf32, #tpu.memory_space<hbm>>
    %dma_start3A_501 = arith.constant 0 : i32
    %dma_start3A_502 = tpu.memref_slice %arg5[%dma_start3A_493, %add3A_491, %dma_start3A_501] : memref<4x8192x128xf32, #tpu.memory_space<hbm>> -> memref<1x128x128xf32, #tpu.memory_space<hbm>>
    %dma_start3A_503 = tpu.memref_squeeze %dma_start3A_502 : memref<1x128x128xf32, #tpu.memory_space<hbm>> -> memref<128x128xf32, #tpu.memory_space<hbm>>
    %dma_start3A_504 = arith.constant 0 : i32
    %dma_start3A_505 = arith.constant 0 : i32
    %dma_start3A_506 = tpu.memref_slice %arg9[%dma_start3A_492, %dma_start3A_504, %dma_start3A_505] : memref<5x128x128xf32, #tpu.memory_space<vmem>> -> memref<1x128x128xf32, #tpu.memory_space<vmem>>
    %dma_start3A_507 = tpu.memref_squeeze %dma_start3A_506 : memref<1x128x128xf32, #tpu.memory_space<vmem>> -> memref<128x128xf32, #tpu.memory_space<vmem>>
    tpu.enqueue_dma source(%dma_start3A_507 : memref<128x128xf32, #tpu.memory_space<vmem>>) target(%dma_start3A_503 : memref<128x128xf32, #tpu.memory_space<hbm>>) target_semaphore(%arg18 : memref<!tpu.dma_semaphore, #tpu.memory_space<semaphore_mem>>)
    %dma_wait3A_508 = arith.constant 3 : i32
    %dma_wait3A_509 = arith.constant 1 : i32
    %dma_wait3A_510 = arith.constant 0 : i32
    %dma_wait3A_511 = arith.constant 0 : i32
    %dma_wait3A_512 = tpu.memref_slice %arg9[%dma_wait3A_508, %dma_wait3A_510, %dma_wait3A_511] : memref<5x128x128xf32, #tpu.memory_space<vmem>> -> memref<1x128x128xf32, #tpu.memory_space<vmem>>
    %dma_wait3A_513 = tpu.memref_squeeze %dma_wait3A_512 : memref<1x128x128xf32, #tpu.memory_space<vmem>> -> memref<128x128xf32, #tpu.memory_space<vmem>>
    %dma_wait3A_514 = arith.constant 0 : i32
    %dma_wait3A_515 = tpu.memref_slice %arg5[%dma_wait3A_509, %add3A_339, %dma_wait3A_514] : memref<4x8192x128xf32, #tpu.memory_space<hbm>> -> memref<1x128x128xf32, #tpu.memory_space<hbm>>
    %dma_wait3A_516 = tpu.memref_squeeze %dma_wait3A_515 : memref<1x128x128xf32, #tpu.memory_space<hbm>> -> memref<128x128xf32, #tpu.memory_space<hbm>>
    %dma_wait3A_517 = arith.constant 0 : i32
    %dma_wait3A_518 = tpu.memref_slice %arg5[%dma_wait3A_509, %add3A_339, %dma_wait3A_517] : memref<4x8192x128xf32, #tpu.memory_space<hbm>> -> memref<1x128x128xf32, #tpu.memory_space<hbm>>
    %dma_wait3A_519 = tpu.memref_squeeze %dma_wait3A_518 : memref<1x128x128xf32, #tpu.memory_space<hbm>> -> memref<128x128xf32, #tpu.memory_space<hbm>>
    %dma_wait3A_520 = arith.constant 0 : i32
    %dma_wait3A_521 = arith.constant 0 : i32
    %dma_wait3A_522 = tpu.memref_slice %arg9[%dma_wait3A_508, %dma_wait3A_520, %dma_wait3A_521] : memref<5x128x128xf32, #tpu.memory_space<vmem>> -> memref<1x128x128xf32, #tpu.memory_space<vmem>>
    %dma_wait3A_523 = tpu.memref_squeeze %dma_wait3A_522 : memref<1x128x128xf32, #tpu.memory_space<vmem>> -> memref<128x128xf32, #tpu.memory_space<vmem>>
    tpu.wait_dma2 semaphore(%arg18 : memref<!tpu.dma_semaphore, #tpu.memory_space<semaphore_mem>>) src(%dma_wait3A_523 : memref<128x128xf32, #tpu.memory_space<vmem>>) dst(%dma_wait3A_519 : memref<128x128xf32, #tpu.memory_space<hbm>>)
    %dma_wait3A_524 = arith.constant 4 : i32
    %dma_wait3A_525 = arith.constant 2 : i32
    %dma_wait3A_526 = arith.constant 0 : i32
    %dma_wait3A_527 = arith.constant 0 : i32
    %dma_wait3A_528 = tpu.memref_slice %arg9[%dma_wait3A_524, %dma_wait3A_526, %dma_wait3A_527] : memref<5x128x128xf32, #tpu.memory_space<vmem>> -> memref<1x128x128xf32, #tpu.memory_space<vmem>>
    %dma_wait3A_529 = tpu.memref_squeeze %dma_wait3A_528 : memref<1x128x128xf32, #tpu.memory_space<vmem>> -> memref<128x128xf32, #tpu.memory_space<vmem>>
    %dma_wait3A_530 = arith.constant 0 : i32
    %dma_wait3A_531 = tpu.memref_slice %arg5[%dma_wait3A_525, %add3A_377, %dma_wait3A_530] : memref<4x8192x128xf32, #tpu.memory_space<hbm>> -> memref<1x128x128xf32, #tpu.memory_space<hbm>>
    %dma_wait3A_532 = tpu.memref_squeeze %dma_wait3A_531 : memref<1x128x128xf32, #tpu.memory_space<hbm>> -> memref<128x128xf32, #tpu.memory_space<hbm>>
    %dma_wait3A_533 = arith.constant 0 : i32
    %dma_wait3A_534 = tpu.memref_slice %arg5[%dma_wait3A_525, %add3A_377, %dma_wait3A_533] : memref<4x8192x128xf32, #tpu.memory_space<hbm>> -> memref<1x128x128xf32, #tpu.memory_space<hbm>>
    %dma_wait3A_535 = tpu.memref_squeeze %dma_wait3A_534 : memref<1x128x128xf32, #tpu.memory_space<hbm>> -> memref<128x128xf32, #tpu.memory_space<hbm>>
    %dma_wait3A_536 = arith.constant 0 : i32
    %dma_wait3A_537 = arith.constant 0 : i32
    %dma_wait3A_538 = tpu.memref_slice %arg9[%dma_wait3A_524, %dma_wait3A_536, %dma_wait3A_537] : memref<5x128x128xf32, #tpu.memory_space<vmem>> -> memref<1x128x128xf32, #tpu.memory_space<vmem>>
    %dma_wait3A_539 = tpu.memref_squeeze %dma_wait3A_538 : memref<1x128x128xf32, #tpu.memory_space<vmem>> -> memref<128x128xf32, #tpu.memory_space<vmem>>
    tpu.wait_dma2 semaphore(%arg17 : memref<!tpu.dma_semaphore, #tpu.memory_space<semaphore_mem>>) src(%dma_wait3A_539 : memref<128x128xf32, #tpu.memory_space<vmem>>) dst(%dma_wait3A_535 : memref<128x128xf32, #tpu.memory_space<hbm>>)
    %dma_wait3A_540 = arith.constant 0 : i32
    %dma_wait3A_541 = arith.constant 2 : i32
    %dma_wait3A_542 = arith.constant 0 : i32
    %dma_wait3A_543 = arith.constant 0 : i32
    %dma_wait3A_544 = tpu.memref_slice %arg9[%dma_wait3A_540, %dma_wait3A_542, %dma_wait3A_543] : memref<5x128x128xf32, #tpu.memory_space<vmem>> -> memref<1x128x128xf32, #tpu.memory_space<vmem>>
    %dma_wait3A_545 = tpu.memref_squeeze %dma_wait3A_544 : memref<1x128x128xf32, #tpu.memory_space<vmem>> -> memref<128x128xf32, #tpu.memory_space<vmem>>
    %dma_wait3A_546 = arith.constant 0 : i32
    %dma_wait3A_547 = tpu.memref_slice %arg5[%dma_wait3A_541, %add3A_415, %dma_wait3A_546] : memref<4x8192x128xf32, #tpu.memory_space<hbm>> -> memref<1x128x128xf32, #tpu.memory_space<hbm>>
    %dma_wait3A_548 = tpu.memref_squeeze %dma_wait3A_547 : memref<1x128x128xf32, #tpu.memory_space<hbm>> -> memref<128x128xf32, #tpu.memory_space<hbm>>
    %dma_wait3A_549 = arith.constant 0 : i32
    %dma_wait3A_550 = tpu.memref_slice %arg5[%dma_wait3A_541, %add3A_415, %dma_wait3A_549] : memref<4x8192x128xf32, #tpu.memory_space<hbm>> -> memref<1x128x128xf32, #tpu.memory_space<hbm>>
    %dma_wait3A_551 = tpu.memref_squeeze %dma_wait3A_550 : memref<1x128x128xf32, #tpu.memory_space<hbm>> -> memref<128x128xf32, #tpu.memory_space<hbm>>
    %dma_wait3A_552 = arith.constant 0 : i32
    %dma_wait3A_553 = arith.constant 0 : i32
    %dma_wait3A_554 = tpu.memref_slice %arg9[%dma_wait3A_540, %dma_wait3A_552, %dma_wait3A_553] : memref<5x128x128xf32, #tpu.memory_space<vmem>> -> memref<1x128x128xf32, #tpu.memory_space<vmem>>
    %dma_wait3A_555 = tpu.memref_squeeze %dma_wait3A_554 : memref<1x128x128xf32, #tpu.memory_space<vmem>> -> memref<128x128xf32, #tpu.memory_space<vmem>>
    tpu.wait_dma2 semaphore(%arg18 : memref<!tpu.dma_semaphore, #tpu.memory_space<semaphore_mem>>) src(%dma_wait3A_555 : memref<128x128xf32, #tpu.memory_space<vmem>>) dst(%dma_wait3A_551 : memref<128x128xf32, #tpu.memory_space<hbm>>)
    %dma_wait3A_556 = arith.constant 1 : i32
    %dma_wait3A_557 = arith.constant 3 : i32
    %dma_wait3A_558 = arith.constant 0 : i32
    %dma_wait3A_559 = arith.constant 0 : i32
    %dma_wait3A_560 = tpu.memref_slice %arg9[%dma_wait3A_556, %dma_wait3A_558, %dma_wait3A_559] : memref<5x128x128xf32, #tpu.memory_space<vmem>> -> memref<1x128x128xf32, #tpu.memory_space<vmem>>
    %dma_wait3A_561 = tpu.memref_squeeze %dma_wait3A_560 : memref<1x128x128xf32, #tpu.memory_space<vmem>> -> memref<128x128xf32, #tpu.memory_space<vmem>>
    %dma_wait3A_562 = arith.constant 0 : i32
    %dma_wait3A_563 = tpu.memref_slice %arg5[%dma_wait3A_557, %add3A_453, %dma_wait3A_562] : memref<4x8192x128xf32, #tpu.memory_space<hbm>> -> memref<1x128x128xf32, #tpu.memory_space<hbm>>
    %dma_wait3A_564 = tpu.memref_squeeze %dma_wait3A_563 : memref<1x128x128xf32, #tpu.memory_space<hbm>> -> memref<128x128xf32, #tpu.memory_space<hbm>>
    %dma_wait3A_565 = arith.constant 0 : i32
    %dma_wait3A_566 = tpu.memref_slice %arg5[%dma_wait3A_557, %add3A_453, %dma_wait3A_565] : memref<4x8192x128xf32, #tpu.memory_space<hbm>> -> memref<1x128x128xf32, #tpu.memory_space<hbm>>
    %dma_wait3A_567 = tpu.memref_squeeze %dma_wait3A_566 : memref<1x128x128xf32, #tpu.memory_space<hbm>> -> memref<128x128xf32, #tpu.memory_space<hbm>>
    %dma_wait3A_568 = arith.constant 0 : i32
    %dma_wait3A_569 = arith.constant 0 : i32
    %dma_wait3A_570 = tpu.memref_slice %arg9[%dma_wait3A_556, %dma_wait3A_568, %dma_wait3A_569] : memref<5x128x128xf32, #tpu.memory_space<vmem>> -> memref<1x128x128xf32, #tpu.memory_space<vmem>>
    %dma_wait3A_571 = tpu.memref_squeeze %dma_wait3A_570 : memref<1x128x128xf32, #tpu.memory_space<vmem>> -> memref<128x128xf32, #tpu.memory_space<vmem>>
    tpu.wait_dma2 semaphore(%arg17 : memref<!tpu.dma_semaphore, #tpu.memory_space<semaphore_mem>>) src(%dma_wait3A_571 : memref<128x128xf32, #tpu.memory_space<vmem>>) dst(%dma_wait3A_567 : memref<128x128xf32, #tpu.memory_space<hbm>>)
    %dma_wait3A_572 = arith.constant 2 : i32
    %dma_wait3A_573 = arith.constant 3 : i32
    %dma_wait3A_574 = arith.constant 0 : i32
    %dma_wait3A_575 = arith.constant 0 : i32
    %dma_wait3A_576 = tpu.memref_slice %arg9[%dma_wait3A_572, %dma_wait3A_574, %dma_wait3A_575] : memref<5x128x128xf32, #tpu.memory_space<vmem>> -> memref<1x128x128xf32, #tpu.memory_space<vmem>>
    %dma_wait3A_577 = tpu.memref_squeeze %dma_wait3A_576 : memref<1x128x128xf32, #tpu.memory_space<vmem>> -> memref<128x128xf32, #tpu.memory_space<vmem>>
    %dma_wait3A_578 = arith.constant 0 : i32
    %dma_wait3A_579 = tpu.memref_slice %arg5[%dma_wait3A_573, %add3A_491, %dma_wait3A_578] : memref<4x8192x128xf32, #tpu.memory_space<hbm>> -> memref<1x128x128xf32, #tpu.memory_space<hbm>>
    %dma_wait3A_580 = tpu.memref_squeeze %dma_wait3A_579 : memref<1x128x128xf32, #tpu.memory_space<hbm>> -> memref<128x128xf32, #tpu.memory_space<hbm>>
    %dma_wait3A_581 = arith.constant 0 : i32
    %dma_wait3A_582 = tpu.memref_slice %arg5[%dma_wait3A_573, %add3A_491, %dma_wait3A_581] : memref<4x8192x128xf32, #tpu.memory_space<hbm>> -> memref<1x128x128xf32, #tpu.memory_space<hbm>>
    %dma_wait3A_583 = tpu.memref_squeeze %dma_wait3A_582 : memref<1x128x128xf32, #tpu.memory_space<hbm>> -> memref<128x128xf32, #tpu.memory_space<hbm>>
    %dma_wait3A_584 = arith.constant 0 : i32
    %dma_wait3A_585 = arith.constant 0 : i32
    %dma_wait3A_586 = tpu.memref_slice %arg9[%dma_wait3A_572, %dma_wait3A_584, %dma_wait3A_585] : memref<5x128x128xf32, #tpu.memory_space<vmem>> -> memref<1x128x128xf32, #tpu.memory_space<vmem>>
    %dma_wait3A_587 = tpu.memref_squeeze %dma_wait3A_586 : memref<1x128x128xf32, #tpu.memory_space<vmem>> -> memref<128x128xf32, #tpu.memory_space<vmem>>
    tpu.wait_dma2 semaphore(%arg18 : memref<!tpu.dma_semaphore, #tpu.memory_space<semaphore_mem>>) src(%dma_wait3A_587 : memref<128x128xf32, #tpu.memory_space<vmem>>) dst(%dma_wait3A_583 : memref<128x128xf32, #tpu.memory_space<hbm>>)
    return
  }
}

</mosaic_0001>

<sc_bundles>
// kernel: kernel.3.cloned.1.call-start
scs
__scs_entry_jumppad:
0x0: {  	(pc) =	sbr.rel $0x88, $3  }
0x1: {  	(tag) =	ssettag $0x0;
	lr =	simm.s32 $0x1  }
0x2: {  	[smem:$0x3F9F] =	sst lr;
	_ =	strace $0xD0000000  }
0x3: {  	_ = 	snop  }
0x4: {  	_ = 	snop  }
0x5: {  	_ = 	snop  }
0x6: {  	_ = 	snop  }
0x7: {  	_ = 	snop  }
__scs_overlays_trampoline_lowered:
0x8: {  	[smem:$0x3FAE] =	sst s0  }
0x9: {  	[smem:$0x3FAF] =	sst s1  }
0xa: {  	[smem:$0x3FB0] =	sst s2  }
0xb: {  	[smem:$0x3FB1] =	sst s3  }
0xc: {  	[smem:$0x3FB2] =	sst s4  }
0xd: {  	[smem:$0x3FB3] =	sst s5  }
0xe: {  	[smem:$0x3FB4] =	sst s6  }
0xf: {  	[smem:$0x3FB5] =	sst s7  }
0x10: {  	[smem:$0x3FB6] =	sst s8  }
0x11: {  	[smem:$0x3FB7] =	sst s9;
	s0 =	simm.s32 @!p0 $0x0  }
0x12: {  	s1 =	sld [smem:$0x3F9D];
	s0 =	simm.s32 @p0 $0x1  }
0x13: {  	[smem:$0x3FB8] =	sst s0;
	s0 =	simm.s32 @!p1 $0x0  }
0x14: {  	s2 =	sld [smem:$0x3F9C];
	s0 =	simm.s32 @p1 $0x1  }
0x15: {  	[smem:$0x3FB9] =	sst s0;
	s0 =	simm.s32 @!p2 $0x0  }
0x16: {  	s3 =	sld [smem:$0x3FDB];
	s0 =	simm.s32 @p2 $0x1  }
0x17: {  	s4 =	simm.s32 $0x1BF5;
	[smem:$0x3FBB] =	sst s0  }
0x18: {  	s0 =	sld [smem:$0x3F9E];
	_ =	swait.ge [sflag:s4], $0x0  }
0x19: {  	s7 =	sld [smem:$0x3F9F]  }
0x1a: {  	s8 =	sadd.s32 $0xFFFFE003, lr  }
0x1b: {  	s9 =	sadd.s32 $0xFFFFFEF7, lr;
	s5 =	simm.s32 $0xFFFFFFFF;
	p2 =	slt.u32 s8, $0xFFFFF086  }
0x1c: {  	p1 =	slt.u32 s9, $0xF7A;
	s5 =	simm.s32 @!p2 $0x0  }
0x1d: {  	s5 =	simm.s32 @p1 $0x1;
	p0 =	seq.s32 s7, s2  }
0x1e: {  	s7 =	smul.u32 @!p0 $0xF7A, s2;
	p2 =	seq.s32 @!p0 s5, $0x0  }
0x1f: {  	s9 =	smul.u32 $0xF7A, s1;
	s8 =	simm.s32 @!p0 $0x1BF5;
	p2 =	por !p2, p0  }
0x20: {  	[sflag:s8] =	ssyncset.s32 @!p0 $0xFFFFF086;
	s6 =	sadd.s32 @!p0 s3, s7;
	s7 =	simm.s32 @!p0 $0x108  }
0x21: {  	s3 =	sadd.s32 s3, s9;
	s6 =	sadd.s32 @!p0 $0x88, s6;
	s7 =	simm.s32 @p2 $0x1082  }
0x22: {  	[simem:s7], [sflag:s8] =	dma.local @!p0 [hbm:s6], $0xF7A  }
0x23: {  	s9 =	sor.u32 $0xD0000000, s2;
	s6 =	simm.s32 $0x108;
	_ =	swait.ge @!p0 [sflag:s8], $0x0  }
0x24: {  	s3 =	sadd.s32 $0x88, s3;
	s6 =	simm.s32 @!p1 $0x1082;
	[sflag:s4] =	ssyncset.s32 $0xFFFFF086  }
0x25: {  	[simem:s6], [sflag:s4] =	dma.local [hbm:s3], $0xF7A  }
0x26: {  	[smem:$0x3F9F] =	sst s1;
	(tag) =	ssettag s2;
	_ =	strace s9  }
0x27: {  	s1 =	sld [smem:$0x3FAF]  }
0x28: {  	s2 =	sld [smem:$0x3FB0]  }
0x29: {  	s4 =	sld [smem:$0x3FB2]  }
0x2a: {  	p0 =	seq.s32 s5, $0x0;
	s5 =	sld [smem:$0x3FB3]  }
0x2b: {  	s6 =	sld [smem:$0x3FB4]  }
0x2c: {  	s7 =	sld [smem:$0x3FB5]  }
0x2d: {  	s3 =	simm.s32 $0x108;
	s8 =	sld [smem:$0x3FB6]  }
0x2e: {  	s3 =	simm.s32 @!p0 $0x1082;
	s9 =	sld [smem:$0x3FB7]  }
0x2f: {  	lr =	sadd.s32 s0, s3;
	s0 =	sld [smem:$0x3FAE]  }
0x30: {  	s3 =	sld [smem:$0x3FB1]  }
0x31: {  	[smem:$0x3FBA] =	sst s10  }
0x32: {  	s10 =	sld [smem:$0x3FB8];
	_ =	sdelay $0x3  }
0x33: {  	p0 =	seq.s32 s10, $0x1;
	s10 =	sld [smem:$0x3FBA];
	_ =	sdelay $0x3  }
0x34: {  	[smem:$0x3FBA] =	sst s10  }
0x35: {  	s10 =	sld [smem:$0x3FB9];
	_ =	sdelay $0x3  }
0x36: {  	p1 =	seq.s32 s10, $0x1;
	s10 =	sld [smem:$0x3FBA];
	_ =	sdelay $0x3  }
0x37: {  	[smem:$0x3FBA] =	sst s10  }
0x38: {  	s10 =	sld [smem:$0x3FBB]  }
0x39: {  	_ = 	snop;
	(pc) =	sbr.ind lr, $3  }
0x3a: {  	_ = 	snop  }
0x3b: {  	_ = 	snop  }
0x3c: {  	p2 =	seq.s32 s10, $0x1;
	s10 =	sld [smem:$0x3FBA]  }
0x3d: {  	_ =	shalt  }
0x3e: {  	_ =	shalt  }
0x3f: {  	_ =	shalt  }
0x40: {  	_ =	shalt  }
0x41: {  	_ =	shalt  }
0x42: {  	_ =	shalt  }
0x43: {  	_ =	shalt  }
0x44: {  	_ =	shalt  }
0x45: {  	_ =	shalt  }
0x46: {  	_ =	shalt  }
0x47: {  	_ =	shalt  }
0x48: {  	_ =	shalt  }
0x49: {  	_ =	shalt  }
0x4a: {  	_ =	shalt  }
0x4b: {  	_ =	shalt  }
0x4c: {  	_ =	shalt  }
0x4d: {  	_ =	shalt  }
0x4e: {  	_ =	shalt  }
0x4f: {  	_ =	shalt  }
0x50: {  	_ =	shalt  }
0x51: {  	_ =	shalt  }
0x52: {  	_ =	shalt  }
0x53: {  	_ =	shalt  }
0x54: {  	_ =	shalt  }
0x55: {  	_ =	shalt  }
0x56: {  	_ =	shalt  }
0x57: {  	_ =	shalt  }
0x58: {  	_ =	shalt  }
0x59: {  	_ =	shalt  }
0x5a: {  	_ =	shalt  }
0x5b: {  	_ =	shalt  }
0x5c: {  	_ =	shalt  }
0x5d: {  	_ =	shalt  }
0x5e: {  	_ =	shalt  }
0x5f: {  	_ =	shalt  }
0x60: {  	_ =	shalt  }
0x61: {  	_ =	shalt  }
0x62: {  	_ =	shalt  }
0x63: {  	_ =	shalt  }
0x64: {  	_ =	shalt  }
0x65: {  	_ =	shalt  }
0x66: {  	_ =	shalt  }
0x67: {  	_ =	shalt  }
0x68: {  	_ =	shalt  }
0x69: {  	_ =	shalt  }
0x6a: {  	_ =	shalt  }
0x6b: {  	_ =	shalt  }
0x6c: {  	_ =	shalt  }
0x6d: {  	_ =	shalt  }
0x6e: {  	_ =	shalt  }
0x6f: {  	_ =	shalt  }
0x70: {  	_ =	shalt  }
0x71: {  	_ =	shalt  }
0x72: {  	_ =	shalt  }
0x73: {  	_ =	shalt  }
0x74: {  	_ =	shalt  }
0x75: {  	_ =	shalt  }
0x76: {  	_ =	shalt  }
0x77: {  	_ =	shalt  }
0x78: {  	_ =	shalt  }
0x79: {  	_ =	shalt  }
0x7a: {  	_ =	shalt  }
0x7b: {  	_ =	shalt  }
0x7c: {  	_ =	shalt  }
0x7d: {  	_ =	shalt  }
0x7e: {  	_ =	shalt  }
0x7f: {  	_ =	shalt  }
0x80: {  	_ =	shalt  }
0x81: {  	_ =	shalt  }
0x82: {  	_ =	shalt  }
0x83: {  	_ =	shalt  }
0x84: {  	_ =	shalt  }
0x85: {  	_ =	shalt  }
0x86: {  	_ =	shalt  }
0x87: {  	_ =	shalt  }
.Lfunc_end0:
.L_simem_size_0:
called_computation_lowered:
.L_overlay_start_0:
0x88: {  	s2 =	sld [smem:$0x3FD9]  }
0x89: {  	s3 =	sld [smem:$0x3FFE];
	_ =	sdelay $0x1  }
0x8a: {  	s1 =	srdreg.scid  }
0x8b: {  	s0 =	sand.u32 $0x1, s1  }
0x8c: {  	s14 =	sshll.u32 s0, $0xA;
	s2 =	sadd.s32 s3, s2  }
0x8d: {  	s2 =	sadd.s32 s2, s14  }
0x8e: {  	[smem:$0x3FC6] =	sst s2  }
0x8f: {  	_ = 	snop  }
0x90: {  	s2 =	sld [smem:$0x3FD0];
	_ =	sdelay $0x1  }
0x91: {  	s15 =	sld [smem:$0x3FC9]  }
0x92: {  	s5 =	simm.s32 $0xA;
	s6 =	simm.s32 $0x10;
	s4 =	sld [smem:$0x3FC8]  }
0x93: {  	[smem:s6], [sflag:s5] =	dma.local [hbm:s2], $0x1  }
0x94: {  	_ =	swait.eq [sflag:s5], $0x1  }
0x95: {  	[sflag:s5] =	ssyncset.done $0x0  }
0x96: {  	[sflag:s5] =	ssyncadd.s32 $0xFFFFFFFF  }
0x97: {  	s16 =	sld [smem:$0x10];
	(tm) =	ssettm $0x1  }
0x98: {  	s17 =	sld [smem:$0x3FFB];
	_ =	sdelay $0x3  }
0x99: {  	_ =	strace s17  }
0x9a: {  	s5 =	sld [smem:$0x3FFC];
	_ =	sdelay $0x3  }
0x9b: {  	_ =	strace s5  }
0x9c: {  	s5 =	sld [smem:$0x3FFD];
	_ =	sdelay $0x3  }
0x9d: {  	_ =	strace s5  }
0x9e: {  	_ =	strace $0x8FFFFFFF  }
0x9f: {  	s18 =	sld [smem:$0x3FDB];
	_ =	sdelay $0x1  }
0xa0: {  	s19 =	simm.s32 $_scs_section_size  }
0xa1: {  	s7 =	simm.s32 $_size__tile_overlayer_lowered;
	s8 =	simm.s32 $_tile_overlayer_lowered  }
0xa2: {  	s22 =	simm.s32 $0x1BFF;
	s21 =	sshll.u32 s8, $0x1;
	s5 =	sadd.s32 s19, s18  }
0xa3: {  	s9 =	simm.s32 $0x0;
	s20 =	sshll.u32 s7, $0x1;
	s7 =	sadd.s32 s21, s5  }
0xa4: {  	[timem:s9], [sflag:s22] =	dma.local [hbm:s7], s20  }
0xa5: {  	_ =	swait.ge [sflag:s22], s20  }
0xa6: {  	s6 =	ssub.s32 $0x0, s20;
	[sflag:s22] =	ssyncset.done $0x0  }
0xa7: {  	[sflag:s22] =	ssyncadd.s32 s6;
	_ =	sdelay $0x1  }
0xa8: {  	s23 =	simm.s32 $0x1B8B  }
0xa9: {  	_ =	swait.ge [sflag:s23], $0x1  }
0xaa: {  	[sflag:s23] =	ssyncset.done $0x0  }
0xab: {  	s25 =	simm.s32 $0x1B8E;
	s24 =	sld [smem:$0x3FFE];
	[sflag:s23] =	ssyncadd.s32 $0xFFFFFFFF  }
0xac: {  	s26 =	simm.s32 $execute0_lowered;
	[smem:$0x3FD2] =	sst s25  }
0xad: {  	s7 =	sshll.u32 s26, $0x1;
	_ =	strace $0x80000046;
	[dreg:$0x1] =	wrdreg $0xFFFFFFFF  }
0xae: {  	s28 =	simm.s32 $_size_execute0_lowered;
	s5 =	sadd.s32 s5, s7;
	[dreg:$0x0] =	wrdreg $0x0  }
0xaf: {  	s7 =	sshll.u32 s28, $0x1;
	[dreg:$0x2] =	wrdreg s5  }
0xb0: {  	[dreg:$0x3] =	wrdreg s7  }
0xb1: {  	[dreg:$0x4] =	wrdreg $0xC0  }
0xb2: {  	_ =	task [dreg:s9], $0x5FFFF  }
0xb3: {  	[dreg:$0x1] =	wrdreg $0xFFFFFFFF  }
0xb4: {  	[dreg:$0x0] =	wrdreg $0x60  }
0xb5: {  	[dreg:$0x2] =	wrdreg s15  }
0xb6: {  	[dreg:$0x3] =	wrdreg s4  }
0xb7: {  	[dreg:$0x4] =	wrdreg s24  }
0xb8: {  	[dreg:$0x5] =	wrdreg s16  }
0xb9: {  	[dreg:$0x6] =	wrdreg $0x9  }
0xba: {  	_ =	task.clear_ibuf [dreg:s9], $0x7FFFF;
	_ =	strace $0x90000046  }
0xbb: {  	s29 =	simm.s32 $0x9;
	_ =	strace $0x80000048  }
0xbc: {  	_ =	swait.ge [sflag:s29], $0x1  }
0xbd: {  	[sflag:s29] =	ssyncadd.s32 $0xFFFFFFFF  }
0xbe: {  	_ =	strace $0x90000048  }
0xbf: {  	_ =	sfence  }
0xc0: {  	s30 =	sld [smem:$0x0];
	_ =	sdelay $0x2  }
0xc1: {  	s31 =	sshll.u32 s1, $0xD;
	s1 =	sshrl.u32 s1, $0x2  }
0xc2: {  	s3 =	sand.u32 $0x4000, s31;
	s1 =	sadd.s32 s1, s30  }
0xc3: {  	s0 =	sor.u32 s3, s0;
	s1 =	sshll.u32 s1, $0x11  }
0xc4: {  	s0 =	sor.u32 s1, s0  }
0xc5: {  	s0 =	sadd.s32 $0x8F2B, s0  }
0xc6: {  	[sflag:s0] =	ssyncadd.remote.s32 $0x1  }
0xc7: {  	_ =	sfence.sel $0xFFFF  }
0xc8: {  	[dreg:$0x0] =	wrdreg $0xFFFFFFFF;
	(pc) =	sbr.abs _section_cstart, $3  }
0xc9: {  	[dreg:$0x1] =	wrdreg $0xFFFFFFFF  }
0xca: {  	_ =	task.clear_ibuf [dreg:s9], $0x2FFFF;
	_ =	strace $0x9FFFFFFF  }
0xcb: {  	(tm) =	ssettm $0x7FFFFFFF  }
tec
execute0_lowered:
.L_overlay_start_1:
0x0: {  	(tag) =	ssettag $0x1  }
0x1: {  	s0 =	rddreg [dreg:$0x0]  }
0x2: {  	s1 =	rddreg [dreg:$0x1]  }
0x3: {  	s2 =	rddreg [dreg:$0x2]  }
0x4: {  	s4 =	rddreg [dreg:$0x3]  }
0x5: {  	s5 =	srdreg.scid;
	s6 =	stileid.u32  }
0x6: {  	s3 =	simm.s32 $0x0;
	s17 =	simm.s32 $0x9;
	s18 =	simm.s32 $0x80  }
0x7: {  	s19 =	simm.s32 $0x8400;
	s21 =	simm.s32 $0xC400;
	s22 =	simm.s32 $0x10400  }
0x8: {  	s29 =	simm.s32 $0x18400;
	s30 =	simm.s32 $0x2;
	s31 =	simm.s32 $0x7  }
0x9: {  	s16 =	simm.s32 $0x8;
	s23 =	simm.s32 $0x4;
	s28 =	simm.s32 $0x5  }
0xa: {  	s5 =	sand.u32 $0x1, s5;
	s6 =	sshll.u32 s6, $0x1;
	[smem:$0x7FF] =	sst s3  }
0xb: {  	s20 =	simm.s32 $0x0;
	s6 =	sor.u32 s5, s6;
	_ =	strace $0x80000047  }
0xc: {  	s5 =	ssub.s32 $0x2, s5;
	s7 =	sshll.u32 s6, $0xC;
	s9 =	sshll.u32 s6, $0x6  }
0xd: {  	s10 =	sshrl.u32 s5, $0x1;
	s24 =	sshll.u32 s6, $0x7;
	s8 =	sadd.s32 s7, s2  }
0xe: {  	s2 =	sadd.s32 s9, s2;
	s15 =	ssub.s32 s5, s10;
	s0 =	sadd.s32 s0, s24  }
0xf: {  	s6 =	sadd.s32 s4, s7;
	s24 =	simm.s32 $0x14400;
	s25 =	sadd.s32 $0x400, s8  }
0x10: {  	[dreg:$0x6] =	wrdreg s0;
	s26 =	sadd.s32 $0x20400, s2;
	s8 =	sadd.s32 $0x800, s6  }
0x11: {  	s9 =	sadd.s32 $0x20000, s6;
	s10 =	sadd.s32 $0x20800, s6;
	s11 =	sadd.s32 $0x40000, s6  }
0x12: {  	s12 =	sadd.s32 $0x40800, s6;
	s13 =	sadd.s32 $0x60000, s6;
	s14 =	sadd.s32 $0x60800, s6  }
0x13: {  	s15 =	smax.u32 s15, $0x1;
	s2 =	simm.s32 $0x3;
	[dreg:$0x5] =	wrdreg s25  }
0x14: {  	v0 =	vimm.s32 $0x0;
	s0 =	simm.s32 $0x6;
	[dreg:$0x7] =	wrdreg s26;
	s26 =	simm.s32 $0x1  }
.LBB2_1:
0x15: {  	s4 =	rddreg [dreg:$0x5];
	s5 =	simm.s32 $0x400  }
0x16: {  	[tilespmem:s5], [sflag:$0x1] =	stream.linear.gather [hbm4b:s4+s3], $0x8000, $0x38;
	[tilespmem:$0x1C600] =	vst v63  }
0x17: {  	s7 =	rddreg [dreg:$0x6]  }
0x18: {  	[tilespmem:s3], [sflag:$0x9] =	stream.linear.gather [hbm4b:s7+s3], $0x400, $0x38;
	[tilespmem:$0x1C600] =	vst v63  }
0x19: {  	_ =	swait.ge [sflag:s17], $0x400  }
0x1a: {  	[sflag:s17] =	ssyncset.done $0x0  }
0x1b: {  	[sflag:s17] =	ssyncadd.s32 $0xFFFFFC00  }
0x1c: {  	[tilespmem:s19], [sflag:$0x2] =	stream.indirect.gather [hbm4b:s1+s18], $0x80, s3, s18, $0xb8;
	[tilespmem:$0x1C600] =	vst v63  }
0x1d: {  	s25 =	simm.s32 $0x200  }
0x1e: {  	[tilespmem:s21], [sflag:$0x3] =	stream.indirect.gather [hbm4b:s1+s18], $0x80, s25, s18, $0xb8;
	[tilespmem:$0x1C600] =	vst v63  }
0x1f: {  	s7 =	sand.u32 $0x70, s3;
	s25 =	sand.u32 $0x200, s3  }
0x20: {  	[tilespmem:s22], [sflag:$0x4] =	stream.indirect.gather [hbm4b:s1+s18], $0x80, s18, s18, $0xb8;
	[tilespmem:$0x1C600] =	vst v63  }
0x21: {  	s5 =	simm.s32 $0x280;
	s25 =	sor.u32 s7, s25  }
0x22: {  	[tilespmem:s24], [sflag:$0x5] =	stream.indirect.gather [hbm4b:s1+s18], $0x80, s5, s18, $0xb8;
	[tilespmem:$0x1C600] =	vst v63  }
0x23: {  	v2 =	vld [tilespmem:s25+$0x0]  }
0x24: {  	v1 =	vimm.s32 $0x0;
	s4 =	simm.s32 $0x10;
	s25 =	simm.s32 $0x0  }
.LBB2_2:
0x25: {  	p0 =	sne.s32 s4, $0xF0  }
.Ltmp0:
0x26: {  	s5 =	sand.u32 $0x70, s4;
	s25 =	sadd.s32 $0x40, s25;
	(pc) =	sbr.rel @p0 .LBB2_2-.Ltmp0, $4  }
0x27: {  	s4 =	sadd.s32 $0x10, s4;
	s7 =	sand.u32 $0x200, s25  }
0x28: {  	s5 =	sor.u32 s5, s7;
	vm0 =	veq.s32 v2, $0x1  }
0x29: {  	v2 =	vld [tilespmem:s5+$0x0];
	v3 =	vsel vm0, $0x1, v0  }
0x2a: {  	v1 =	vadd.s32 v3, v1  }
0x2b: {  	_ =	sdelay $0x2  }
0x2c: {  	vm0 =	veq.s32 v2, $0x1  }
0x2d: {  	s4 =	simm.s32 $0x0;
	v2 =	vsel vm0, $0x1, v0  }
0x2e: {  	s5 =	sand.u32 $0x70, s4;
	s7 =	sand.u32 $0x200, s4;
	v1 =	vadd.s32 v2, v1  }
0x2f: {  	s5 =	sor.u32 s5, s7;
	[tilespmem:$0x1C400] =	vst v1  }
0x30: {  	v2 =	vld [tilespmem:s5+$0x80]  }
0x31: {  	s25 =	simm.s32 $0x10;
	v1 =	vimm.s32 $0x0  }
.LBB2_4:
0x32: {  	p0 =	sne.s32 s25, $0xF0  }
.Ltmp1:
0x33: {  	s5 =	sand.u32 $0x70, s25;
	s4 =	sadd.s32 $0x40, s4;
	(pc) =	sbr.rel @p0 .LBB2_4-.Ltmp1, $4  }
0x34: {  	s25 =	sadd.s32 $0x10, s25;
	s7 =	sand.u32 $0x200, s4  }
0x35: {  	s5 =	sor.u32 s5, s7;
	vm0 =	veq.s32 v2, $0x1  }
0x36: {  	v2 =	vld [tilespmem:s5+$0x80];
	v3 =	vsel vm0, $0x1, v0  }
0x37: {  	v1 =	vadd.s32 v3, v1  }
0x38: {  	_ =	sdelay $0x2  }
0x39: {  	vm0 =	veq.s32 v2, $0x1  }
0x3a: {  	s4 =	simm.s32 $0x0;
	v2 =	vsel vm0, $0x1, v0  }
0x3b: {  	s5 =	sand.u32 $0x70, s4;
	s7 =	sand.u32 $0x200, s4;
	v1 =	vadd.s32 v2, v1  }
0x3c: {  	s5 =	sor.u32 s5, s7;
	[tilespmem:$0x1C480] =	vst v1  }
0x3d: {  	v2 =	vld [tilespmem:s5+$0x100]  }
0x3e: {  	s25 =	simm.s32 $0x10;
	v1 =	vimm.s32 $0x0  }
.LBB2_6:
0x3f: {  	p0 =	sne.s32 s25, $0xF0  }
.Ltmp2:
0x40: {  	s5 =	sand.u32 $0x70, s25;
	s4 =	sadd.s32 $0x40, s4;
	(pc) =	sbr.rel @p0 .LBB2_6-.Ltmp2, $4  }
0x41: {  	s25 =	sadd.s32 $0x10, s25;
	s7 =	sand.u32 $0x200, s4  }
0x42: {  	s5 =	sor.u32 s5, s7;
	vm0 =	veq.s32 v2, $0x1  }
0x43: {  	v2 =	vld [tilespmem:s5+$0x100];
	v3 =	vsel vm0, $0x1, v0  }
0x44: {  	v1 =	vadd.s32 v3, v1  }
0x45: {  	_ =	sdelay $0x2  }
0x46: {  	vm0 =	veq.s32 v2, $0x1  }
0x47: {  	s4 =	simm.s32 $0x0;
	v2 =	vsel vm0, $0x1, v0  }
0x48: {  	s5 =	sand.u32 $0x70, s4;
	s7 =	sand.u32 $0x200, s4;
	v1 =	vadd.s32 v2, v1  }
0x49: {  	s5 =	sor.u32 s5, s7;
	[tilespmem:$0x1C500] =	vst v1  }
0x4a: {  	v2 =	vld [tilespmem:s5+$0x180]  }
0x4b: {  	s25 =	simm.s32 $0x10;
	v1 =	vimm.s32 $0x0  }
.LBB2_8:
0x4c: {  	p0 =	sne.s32 s25, $0xF0  }
.Ltmp3:
0x4d: {  	s5 =	sand.u32 $0x70, s25;
	s4 =	sadd.s32 $0x40, s4;
	(pc) =	sbr.rel @p0 .LBB2_8-.Ltmp3, $4  }
0x4e: {  	s25 =	sadd.s32 $0x10, s25;
	s7 =	sand.u32 $0x200, s4  }
0x4f: {  	s5 =	sor.u32 s5, s7;
	vm0 =	veq.s32 v2, $0x1  }
0x50: {  	v2 =	vld [tilespmem:s5+$0x180];
	v3 =	vsel vm0, $0x1, v0  }
0x51: {  	v1 =	vadd.s32 v3, v1  }
0x52: {  	_ =	sdelay $0x2  }
0x53: {  	vm0 =	veq.s32 v2, $0x1  }
0x54: {  	v2 =	vsel vm0, $0x1, v0  }
0x55: {  	v1 =	vadd.s32 v2, v1  }
0x56: {  	s4 =	simm.s32 $0x0;
	s5 =	rddreg [dreg:$0x7];
	s7 =	simm.s32 $0x1C400;
	[tilespmem:$0x1C580] =	vst v1  }
0x57: {  	[hbm4b:s5+s4] =	stream.linear.scatter [tilespmem:s7], [sflag:$0x9], $0x200, $0x38;
	[tilespmem:$0x1C600] =	vst v63  }
0x58: {  	_ =	swait.ge [sflag:s17], $0x200  }
0x59: {  	[sflag:s17] =	ssyncset.done $0x0  }
0x5a: {  	[sflag:s17] =	ssyncadd.s32 $0xFFFFFE00  }
0x5b: {  	_ =	swait.ge [sflag:s26], $0x8000  }
0x5c: {  	[sflag:s26] =	ssyncset.done $0x0  }
0x5d: {  	s25 =	simm.s32 $0x100;
	[sflag:s26] =	ssyncadd.s32 $0xFFFF8000  }
0x5e: {  	[tilespmem:s29], [sflag:$0x6] =	stream.indirect.gather [hbm4b:s1+s18], $0x80, s25, s18, $0xb8;
	[tilespmem:$0x1C600] =	vst v63  }
0x5f: {  	_ =	swait.ge [sflag:s30], $0x4000  }
0x60: {  	[sflag:s30] =	ssyncset.done $0x0  }
0x61: {  	s4 =	simm.s32 $0x200;
	s25 =	simm.s32 $0x0;
	[sflag:s30] =	ssyncadd.s32 $0xFFFFC000  }
.LBB2_10:
0x62: {  	p0 =	sne.s32 s4, $0xFE00;
	v1 =	vld [tilespmem:s25+$0x470]  }
0x63: {  	v2 =	vld [tilespmem:s25+$0x400]  }
0x64: {  	v3 =	vld [tilespmem:s25+$0x410]  }
0x65: {  	v4 =	vld [tilespmem:s25+$0x420]  }
0x66: {  	v5 =	vld [tilespmem:s25+$0x430]  }
0x67: {  	[tilespmem:s25+$0x8470] =	vst.add.f32.msk $0xffff, v1  }
0x68: {  	v1 =	vld [tilespmem:s25+$0x440]  }
0x69: {  	v6 =	vld [tilespmem:s25+$0x450]  }
0x6a: {  	v7 =	vld [tilespmem:s25+$0x460]  }
0x6b: {  	[tilespmem:s25+$0x8400] =	vst.add.f32.msk $0xffff, v2  }
0x6c: {  	[tilespmem:s25+$0x8410] =	vst.add.f32.msk $0xffff, v3  }
.Ltmp4:
0x6d: {  	[tilespmem:s25+$0x8420] =	vst.add.f32.msk $0xffff, v4;
	(pc) =	sbr.rel @p0 .LBB2_10-.Ltmp4, $4  }
0x6e: {  	[tilespmem:s25+$0x8430] =	vst.add.f32.msk $0xffff, v5  }
0x6f: {  	[tilespmem:s25+$0x8440] =	vst.add.f32.msk $0xffff, v1  }
0x70: {  	[tilespmem:s25+$0x8450] =	vst.add.f32.msk $0xffff, v6  }
0x71: {  	[tilespmem:s25+$0x8460] =	vst.add.f32.msk $0xffff, v7;
	s25 =	sshra.s32 s4, $0x2;
	s4 =	sadd.s32 $0x200, s4  }
0x72: {  	v1 =	vld [tilespmem:s25+$0x470]  }
0x73: {  	v2 =	vld [tilespmem:s25+$0x400]  }
0x74: {  	v3 =	vld [tilespmem:s25+$0x410]  }
0x75: {  	v4 =	vld [tilespmem:s25+$0x420]  }
0x76: {  	v5 =	vld [tilespmem:s25+$0x430]  }
0x77: {  	v6 =	vld [tilespmem:s25+$0x450]  }
0x78: {  	v7 =	vld [tilespmem:s25+$0x460]  }
0x79: {  	[tilespmem:s25+$0x8470] =	vst.add.f32.msk $0xffff, v1  }
0x7a: {  	v1 =	vld [tilespmem:s25+$0x440]  }
0x7b: {  	[tilespmem:s25+$0x8400] =	vst.add.f32.msk $0xffff, v2  }
0x7c: {  	[tilespmem:s25+$0x8410] =	vst.add.f32.msk $0xffff, v3  }
0x7d: {  	[tilespmem:s25+$0x8420] =	vst.add.f32.msk $0xffff, v4  }
0x7e: {  	[tilespmem:s25+$0x8430] =	vst.add.f32.msk $0xffff, v5  }
0x7f: {  	[tilespmem:s25+$0x8450] =	vst.add.f32.msk $0xffff, v6  }
0x80: {  	[tilespmem:s25+$0x8460] =	vst.add.f32.msk $0xffff, v7  }
0x81: {  	s4 =	simm.s32 $0x0;
	[tilespmem:s25+$0x8440] =	vst.add.f32.msk $0xffff, v1  }
0x82: {  	[hbm4b:s6+s4] =	stream.linear.scatter [tilespmem:s19], [sflag:$0x7], $0x4000, $0x38;
	[tilespmem:$0x1C600] =	vst v63  }
0x83: {  	_ =	swait.ge [sflag:s31], $0x4000  }
0x84: {  	[sflag:s31] =	ssyncset.done $0x0  }
0x85: {  	s25 =	simm.s32 $0x300;
	[sflag:s31] =	ssyncadd.s32 $0xFFFFC000  }
0x86: {  	[tilespmem:s19], [sflag:$0x2] =	stream.indirect.gather [hbm4b:s1+s18], $0x80, s25, s18, $0xb8;
	[tilespmem:$0x1C600] =	vst v63  }
0x87: {  	_ =	swait.ge [sflag:s2], $0x4000  }
0x88: {  	[sflag:s2] =	ssyncset.done $0x0  }
0x89: {  	s4 =	simm.s32 $0x200;
	s25 =	simm.s32 $0x0;
	[sflag:s2] =	ssyncadd.s32 $0xFFFFC000  }
.LBB2_12:
0x8a: {  	p0 =	sne.s32 s4, $0xFE00;
	v1 =	vld [tilespmem:s25+$0x4470]  }
0x8b: {  	v2 =	vld [tilespmem:s25+$0x4400]  }
0x8c: {  	v3 =	vld [tilespmem:s25+$0x4410]  }
0x8d: {  	v4 =	vld [tilespmem:s25+$0x4420]  }
0x8e: {  	v5 =	vld [tilespmem:s25+$0x4430]  }
0x8f: {  	[tilespmem:s25+$0xC470] =	vst.add.f32.msk $0xffff, v1  }
0x90: {  	v1 =	vld [tilespmem:s25+$0x4440]  }
0x91: {  	v6 =	vld [tilespmem:s25+$0x4450]  }
0x92: {  	v7 =	vld [tilespmem:s25+$0x4460]  }
0x93: {  	[tilespmem:s25+$0xC400] =	vst.add.f32.msk $0xffff, v2  }
0x94: {  	[tilespmem:s25+$0xC410] =	vst.add.f32.msk $0xffff, v3  }
.Ltmp5:
0x95: {  	[tilespmem:s25+$0xC420] =	vst.add.f32.msk $0xffff, v4;
	(pc) =	sbr.rel @p0 .LBB2_12-.Ltmp5, $4  }
0x96: {  	[tilespmem:s25+$0xC430] =	vst.add.f32.msk $0xffff, v5  }
0x97: {  	[tilespmem:s25+$0xC440] =	vst.add.f32.msk $0xffff, v1  }
0x98: {  	[tilespmem:s25+$0xC450] =	vst.add.f32.msk $0xffff, v6  }
0x99: {  	[tilespmem:s25+$0xC460] =	vst.add.f32.msk $0xffff, v7;
	s25 =	sshra.s32 s4, $0x2;
	s4 =	sadd.s32 $0x200, s4  }
0x9a: {  	v1 =	vld [tilespmem:s25+$0x4470]  }
0x9b: {  	v2 =	vld [tilespmem:s25+$0x4400]  }
0x9c: {  	v3 =	vld [tilespmem:s25+$0x4410]  }
0x9d: {  	v4 =	vld [tilespmem:s25+$0x4420]  }
0x9e: {  	v5 =	vld [tilespmem:s25+$0x4430]  }
0x9f: {  	v6 =	vld [tilespmem:s25+$0x4450]  }
0xa0: {  	v7 =	vld [tilespmem:s25+$0x4460]  }
0xa1: {  	[tilespmem:s25+$0xC470] =	vst.add.f32.msk $0xffff, v1  }
0xa2: {  	v1 =	vld [tilespmem:s25+$0x4440]  }
0xa3: {  	[tilespmem:s25+$0xC400] =	vst.add.f32.msk $0xffff, v2  }
0xa4: {  	[tilespmem:s25+$0xC410] =	vst.add.f32.msk $0xffff, v3  }
0xa5: {  	[tilespmem:s25+$0xC420] =	vst.add.f32.msk $0xffff, v4  }
0xa6: {  	[tilespmem:s25+$0xC430] =	vst.add.f32.msk $0xffff, v5  }
0xa7: {  	[tilespmem:s25+$0xC450] =	vst.add.f32.msk $0xffff, v6  }
0xa8: {  	[tilespmem:s25+$0xC460] =	vst.add.f32.msk $0xffff, v7  }
0xa9: {  	s4 =	simm.s32 $0x0;
	[tilespmem:s25+$0xC440] =	vst.add.f32.msk $0xffff, v1  }
0xaa: {  	[hbm4b:s8+s4] =	stream.linear.scatter [tilespmem:s21], [sflag:$0x8], $0x4000, $0x38;
	[tilespmem:$0x1C600] =	vst v63  }
0xab: {  	_ =	swait.ge [sflag:s16], $0x4000  }
0xac: {  	[sflag:s16] =	ssyncset.done $0x0  }
0xad: {  	s25 =	simm.s32 $0x180;
	[sflag:s16] =	ssyncadd.s32 $0xFFFFC000  }
0xae: {  	[tilespmem:s21], [sflag:$0x3] =	stream.indirect.gather [hbm4b:s1+s18], $0x80, s25, s18, $0xb8;
	[tilespmem:$0x1C600] =	vst v63  }
0xaf: {  	_ =	swait.ge [sflag:s23], $0x4000  }
0xb0: {  	[sflag:s23] =	ssyncset.done $0x0  }
0xb1: {  	s4 =	simm.s32 $0x200;
	s25 =	simm.s32 $0x0;
	[sflag:s23] =	ssyncadd.s32 $0xFFFFC000  }
.LBB2_14:
0xb2: {  	p0 =	sne.s32 s4, $0xFE00;
	v1 =	vld [tilespmem:s25+$0x470]  }
0xb3: {  	v2 =	vld [tilespmem:s25+$0x400]  }
0xb4: {  	v3 =	vld [tilespmem:s25+$0x410]  }
0xb5: {  	v4 =	vld [tilespmem:s25+$0x420]  }
0xb6: {  	v5 =	vld [tilespmem:s25+$0x430]  }
0xb7: {  	[tilespmem:s25+$0x10470] =	vst.add.f32.msk $0xffff, v1  }
0xb8: {  	v1 =	vld [tilespmem:s25+$0x440]  }
0xb9: {  	v6 =	vld [tilespmem:s25+$0x450]  }
0xba: {  	v7 =	vld [tilespmem:s25+$0x460]  }
0xbb: {  	[tilespmem:s25+$0x10400] =	vst.add.f32.msk $0xffff, v2  }
0xbc: {  	[tilespmem:s25+$0x10410] =	vst.add.f32.msk $0xffff, v3  }
.Ltmp6:
0xbd: {  	[tilespmem:s25+$0x10420] =	vst.add.f32.msk $0xffff, v4;
	(pc) =	sbr.rel @p0 .LBB2_14-.Ltmp6, $4  }
0xbe: {  	[tilespmem:s25+$0x10430] =	vst.add.f32.msk $0xffff, v5  }
0xbf: {  	[tilespmem:s25+$0x10440] =	vst.add.f32.msk $0xffff, v1  }
0xc0: {  	[tilespmem:s25+$0x10450] =	vst.add.f32.msk $0xffff, v6  }
0xc1: {  	[tilespmem:s25+$0x10460] =	vst.add.f32.msk $0xffff, v7;
	s25 =	sshra.s32 s4, $0x2;
	s4 =	sadd.s32 $0x200, s4  }
0xc2: {  	v1 =	vld [tilespmem:s25+$0x470]  }
0xc3: {  	v2 =	vld [tilespmem:s25+$0x400]  }
0xc4: {  	v3 =	vld [tilespmem:s25+$0x410]  }
0xc5: {  	v4 =	vld [tilespmem:s25+$0x420]  }
0xc6: {  	v5 =	vld [tilespmem:s25+$0x430]  }
0xc7: {  	v6 =	vld [tilespmem:s25+$0x450]  }
0xc8: {  	v7 =	vld [tilespmem:s25+$0x460]  }
0xc9: {  	[tilespmem:s25+$0x10470] =	vst.add.f32.msk $0xffff, v1  }
0xca: {  	v1 =	vld [tilespmem:s25+$0x440]  }
0xcb: {  	[tilespmem:s25+$0x10400] =	vst.add.f32.msk $0xffff, v2  }
0xcc: {  	[tilespmem:s25+$0x10410] =	vst.add.f32.msk $0xffff, v3  }
0xcd: {  	[tilespmem:s25+$0x10420] =	vst.add.f32.msk $0xffff, v4  }
0xce: {  	[tilespmem:s25+$0x10430] =	vst.add.f32.msk $0xffff, v5  }
0xcf: {  	[tilespmem:s25+$0x10450] =	vst.add.f32.msk $0xffff, v6  }
0xd0: {  	[tilespmem:s25+$0x10460] =	vst.add.f32.msk $0xffff, v7  }
0xd1: {  	s4 =	simm.s32 $0x0;
	[tilespmem:s25+$0x10440] =	vst.add.f32.msk $0xffff, v1  }
0xd2: {  	[hbm4b:s9+s4] =	stream.linear.scatter [tilespmem:s22], [sflag:$0x7], $0x4000, $0x38;
	[tilespmem:$0x1C600] =	vst v63  }
0xd3: {  	_ =	swait.ge [sflag:s31], $0x4000  }
0xd4: {  	[sflag:s31] =	ssyncset.done $0x0  }
0xd5: {  	s25 =	simm.s32 $0x380;
	[sflag:s31] =	ssyncadd.s32 $0xFFFFC000  }
0xd6: {  	[tilespmem:s22], [sflag:$0x4] =	stream.indirect.gather [hbm4b:s1+s18], $0x80, s25, s18, $0xb8;
	[tilespmem:$0x1C600] =	vst v63  }
0xd7: {  	_ =	swait.ge [sflag:s28], $0x4000  }
0xd8: {  	[sflag:s28] =	ssyncset.done $0x0  }
0xd9: {  	s4 =	simm.s32 $0x200;
	s25 =	simm.s32 $0x0;
	[sflag:s28] =	ssyncadd.s32 $0xFFFFC000  }
.LBB2_16:
0xda: {  	p0 =	sne.s32 s4, $0xFE00;
	v1 =	vld [tilespmem:s25+$0x4470]  }
0xdb: {  	v2 =	vld [tilespmem:s25+$0x4400]  }
0xdc: {  	v3 =	vld [tilespmem:s25+$0x4410]  }
0xdd: {  	v4 =	vld [tilespmem:s25+$0x4420]  }
0xde: {  	v5 =	vld [tilespmem:s25+$0x4430]  }
0xdf: {  	[tilespmem:s25+$0x14470] =	vst.add.f32.msk $0xffff, v1  }
0xe0: {  	v1 =	vld [tilespmem:s25+$0x4440]  }
0xe1: {  	v6 =	vld [tilespmem:s25+$0x4450]  }
0xe2: {  	v7 =	vld [tilespmem:s25+$0x4460]  }
0xe3: {  	[tilespmem:s25+$0x14400] =	vst.add.f32.msk $0xffff, v2  }
0xe4: {  	[tilespmem:s25+$0x14410] =	vst.add.f32.msk $0xffff, v3  }
.Ltmp7:
0xe5: {  	[tilespmem:s25+$0x14420] =	vst.add.f32.msk $0xffff, v4;
	(pc) =	sbr.rel @p0 .LBB2_16-.Ltmp7, $4  }
0xe6: {  	[tilespmem:s25+$0x14430] =	vst.add.f32.msk $0xffff, v5  }
0xe7: {  	[tilespmem:s25+$0x14440] =	vst.add.f32.msk $0xffff, v1  }
0xe8: {  	[tilespmem:s25+$0x14450] =	vst.add.f32.msk $0xffff, v6  }
0xe9: {  	[tilespmem:s25+$0x14460] =	vst.add.f32.msk $0xffff, v7;
	s25 =	sshra.s32 s4, $0x2;
	s4 =	sadd.s32 $0x200, s4  }
0xea: {  	v1 =	vld [tilespmem:s25+$0x4470]  }
0xeb: {  	v2 =	vld [tilespmem:s25+$0x4400]  }
0xec: {  	v3 =	vld [tilespmem:s25+$0x4410]  }
0xed: {  	v4 =	vld [tilespmem:s25+$0x4420]  }
0xee: {  	v5 =	vld [tilespmem:s25+$0x4430]  }
0xef: {  	v6 =	vld [tilespmem:s25+$0x4450]  }
0xf0: {  	v7 =	vld [tilespmem:s25+$0x4460]  }
0xf1: {  	[tilespmem:s25+$0x14470] =	vst.add.f32.msk $0xffff, v1  }
0xf2: {  	v1 =	vld [tilespmem:s25+$0x4440]  }
0xf3: {  	[tilespmem:s25+$0x14400] =	vst.add.f32.msk $0xffff, v2  }
0xf4: {  	[tilespmem:s25+$0x14410] =	vst.add.f32.msk $0xffff, v3  }
0xf5: {  	[tilespmem:s25+$0x14420] =	vst.add.f32.msk $0xffff, v4  }
0xf6: {  	[tilespmem:s25+$0x14430] =	vst.add.f32.msk $0xffff, v5  }
0xf7: {  	[tilespmem:s25+$0x14450] =	vst.add.f32.msk $0xffff, v6  }
0xf8: {  	[tilespmem:s25+$0x14460] =	vst.add.f32.msk $0xffff, v7  }
0xf9: {  	s4 =	simm.s32 $0x0;
	[tilespmem:s25+$0x14440] =	vst.add.f32.msk $0xffff, v1  }
0xfa: {  	[hbm4b:s10+s4] =	stream.linear.scatter [tilespmem:s24], [sflag:$0x8], $0x4000, $0x38;
	[tilespmem:$0x1C600] =	vst v63  }
0xfb: {  	_ =	swait.ge [sflag:s0], $0x4000  }
0xfc: {  	[sflag:s0] =	ssyncset.done $0x0  }
0xfd: {  	s25 =	simm.s32 $0x0;
	s4 =	simm.s32 $0x200;
	[sflag:s0] =	ssyncadd.s32 $0xFFFFC000  }
.LBB2_18:
0xfe: {  	p0 =	sne.s32 s4, $0xFE00;
	v1 =	vld [tilespmem:s25+$0x470]  }
0xff: {  	v2 =	vld [tilespmem:s25+$0x400]  }
0x100: {  	v3 =	vld [tilespmem:s25+$0x410]  }
0x101: {  	v4 =	vld [tilespmem:s25+$0x420]  }
0x102: {  	v5 =	vld [tilespmem:s25+$0x430]  }
0x103: {  	[tilespmem:s25+$0x18470] =	vst.add.f32.msk $0xffff, v1  }
0x104: {  	v1 =	vld [tilespmem:s25+$0x440]  }
0x105: {  	v6 =	vld [tilespmem:s25+$0x450]  }
0x106: {  	v7 =	vld [tilespmem:s25+$0x460]  }
0x107: {  	[tilespmem:s25+$0x18400] =	vst.add.f32.msk $0xffff, v2  }
0x108: {  	[tilespmem:s25+$0x18410] =	vst.add.f32.msk $0xffff, v3  }
.Ltmp8:
0x109: {  	[tilespmem:s25+$0x18420] =	vst.add.f32.msk $0xffff, v4;
	(pc) =	sbr.rel @p0 .LBB2_18-.Ltmp8, $4  }
0x10a: {  	[tilespmem:s25+$0x18430] =	vst.add.f32.msk $0xffff, v5  }
0x10b: {  	[tilespmem:s25+$0x18440] =	vst.add.f32.msk $0xffff, v1  }
0x10c: {  	[tilespmem:s25+$0x18450] =	vst.add.f32.msk $0xffff, v6  }
0x10d: {  	[tilespmem:s25+$0x18460] =	vst.add.f32.msk $0xffff, v7;
	s25 =	sshra.s32 s4, $0x2;
	s4 =	sadd.s32 $0x200, s4  }
0x10e: {  	v1 =	vld [tilespmem:s25+$0x470]  }
0x10f: {  	v2 =	vld [tilespmem:s25+$0x400]  }
0x110: {  	v3 =	vld [tilespmem:s25+$0x410]  }
0x111: {  	v4 =	vld [tilespmem:s25+$0x420]  }
0x112: {  	v5 =	vld [tilespmem:s25+$0x430]  }
0x113: {  	v6 =	vld [tilespmem:s25+$0x450]  }
0x114: {  	v7 =	vld [tilespmem:s25+$0x460]  }
0x115: {  	[tilespmem:s25+$0x18470] =	vst.add.f32.msk $0xffff, v1  }
0x116: {  	v1 =	vld [tilespmem:s25+$0x440]  }
0x117: {  	[tilespmem:s25+$0x18400] =	vst.add.f32.msk $0xffff, v2  }
0x118: {  	[tilespmem:s25+$0x18410] =	vst.add.f32.msk $0xffff, v3  }
0x119: {  	[tilespmem:s25+$0x18420] =	vst.add.f32.msk $0xffff, v4  }
0x11a: {  	[tilespmem:s25+$0x18430] =	vst.add.f32.msk $0xffff, v5  }
0x11b: {  	[tilespmem:s25+$0x18450] =	vst.add.f32.msk $0xffff, v6  }
0x11c: {  	[tilespmem:s25+$0x18460] =	vst.add.f32.msk $0xffff, v7  }
0x11d: {  	s4 =	simm.s32 $0x0;
	[tilespmem:s25+$0x18440] =	vst.add.f32.msk $0xffff, v1  }
0x11e: {  	[hbm4b:s11+s4] =	stream.linear.scatter [tilespmem:s29], [sflag:$0x7], $0x4000, $0x38;
	[tilespmem:$0x1C600] =	vst v63  }
0x11f: {  	_ =	swait.ge [sflag:s30], $0x4000  }
0x120: {  	[sflag:s30] =	ssyncset.done $0x0  }
0x121: {  	s25 =	simm.s32 $0x0;
	s4 =	simm.s32 $0x200;
	[sflag:s30] =	ssyncadd.s32 $0xFFFFC000  }
.LBB2_20:
0x122: {  	p0 =	sne.s32 s4, $0xFE00;
	v1 =	vld [tilespmem:s25+$0x4470]  }
0x123: {  	v2 =	vld [tilespmem:s25+$0x4400]  }
0x124: {  	v3 =	vld [tilespmem:s25+$0x4410]  }
0x125: {  	v4 =	vld [tilespmem:s25+$0x4420]  }
0x126: {  	v5 =	vld [tilespmem:s25+$0x4430]  }
0x127: {  	[tilespmem:s25+$0x8470] =	vst.add.f32.msk $0xffff, v1  }
0x128: {  	v1 =	vld [tilespmem:s25+$0x4440]  }
0x129: {  	v6 =	vld [tilespmem:s25+$0x4450]  }
0x12a: {  	v7 =	vld [tilespmem:s25+$0x4460]  }
0x12b: {  	[tilespmem:s25+$0x8400] =	vst.add.f32.msk $0xffff, v2  }
0x12c: {  	[tilespmem:s25+$0x8410] =	vst.add.f32.msk $0xffff, v3  }
.Ltmp9:
0x12d: {  	[tilespmem:s25+$0x8420] =	vst.add.f32.msk $0xffff, v4;
	(pc) =	sbr.rel @p0 .LBB2_20-.Ltmp9, $4  }
0x12e: {  	[tilespmem:s25+$0x8430] =	vst.add.f32.msk $0xffff, v5  }
0x12f: {  	[tilespmem:s25+$0x8440] =	vst.add.f32.msk $0xffff, v1  }
0x130: {  	[tilespmem:s25+$0x8450] =	vst.add.f32.msk $0xffff, v6  }
0x131: {  	[tilespmem:s25+$0x8460] =	vst.add.f32.msk $0xffff, v7;
	s25 =	sshra.s32 s4, $0x2;
	s4 =	sadd.s32 $0x200, s4  }
0x132: {  	v1 =	vld [tilespmem:s25+$0x4470]  }
0x133: {  	v2 =	vld [tilespmem:s25+$0x4400]  }
0x134: {  	v3 =	vld [tilespmem:s25+$0x4410]  }
0x135: {  	v4 =	vld [tilespmem:s25+$0x4420]  }
0x136: {  	v5 =	vld [tilespmem:s25+$0x4430]  }
0x137: {  	v6 =	vld [tilespmem:s25+$0x4450]  }
0x138: {  	v7 =	vld [tilespmem:s25+$0x4460]  }
0x139: {  	[tilespmem:s25+$0x8470] =	vst.add.f32.msk $0xffff, v1  }
0x13a: {  	v1 =	vld [tilespmem:s25+$0x4440]  }
0x13b: {  	[tilespmem:s25+$0x8400] =	vst.add.f32.msk $0xffff, v2  }
0x13c: {  	[tilespmem:s25+$0x8410] =	vst.add.f32.msk $0xffff, v3  }
0x13d: {  	[tilespmem:s25+$0x8420] =	vst.add.f32.msk $0xffff, v4  }
0x13e: {  	[tilespmem:s25+$0x8430] =	vst.add.f32.msk $0xffff, v5  }
0x13f: {  	[tilespmem:s25+$0x8450] =	vst.add.f32.msk $0xffff, v6  }
0x140: {  	[tilespmem:s25+$0x8460] =	vst.add.f32.msk $0xffff, v7  }
0x141: {  	s4 =	simm.s32 $0x0;
	[tilespmem:s25+$0x8440] =	vst.add.f32.msk $0xffff, v1  }
0x142: {  	[hbm4b:s12+s4] =	stream.linear.scatter [tilespmem:s19], [sflag:$0x8], $0x4000, $0x38;
	[tilespmem:$0x1C600] =	vst v63  }
0x143: {  	_ =	swait.ge [sflag:s2], $0x4000  }
0x144: {  	[sflag:s2] =	ssyncset.done $0x0  }
0x145: {  	s25 =	simm.s32 $0x0;
	s4 =	simm.s32 $0x200;
	[sflag:s2] =	ssyncadd.s32 $0xFFFFC000  }
.LBB2_22:
0x146: {  	p0 =	sne.s32 s4, $0xFE00;
	v1 =	vld [tilespmem:s25+$0x470]  }
0x147: {  	v2 =	vld [tilespmem:s25+$0x400]  }
0x148: {  	v3 =	vld [tilespmem:s25+$0x410]  }
0x149: {  	v4 =	vld [tilespmem:s25+$0x420]  }
0x14a: {  	v5 =	vld [tilespmem:s25+$0x430]  }
0x14b: {  	[tilespmem:s25+$0xC470] =	vst.add.f32.msk $0xffff, v1  }
0x14c: {  	v1 =	vld [tilespmem:s25+$0x440]  }
0x14d: {  	v6 =	vld [tilespmem:s25+$0x450]  }
0x14e: {  	v7 =	vld [tilespmem:s25+$0x460]  }
0x14f: {  	[tilespmem:s25+$0xC400] =	vst.add.f32.msk $0xffff, v2  }
0x150: {  	[tilespmem:s25+$0xC410] =	vst.add.f32.msk $0xffff, v3  }
.Ltmp10:
0x151: {  	[tilespmem:s25+$0xC420] =	vst.add.f32.msk $0xffff, v4;
	(pc) =	sbr.rel @p0 .LBB2_22-.Ltmp10, $4  }
0x152: {  	[tilespmem:s25+$0xC430] =	vst.add.f32.msk $0xffff, v5  }
0x153: {  	[tilespmem:s25+$0xC440] =	vst.add.f32.msk $0xffff, v1  }
0x154: {  	[tilespmem:s25+$0xC450] =	vst.add.f32.msk $0xffff, v6  }
0x155: {  	[tilespmem:s25+$0xC460] =	vst.add.f32.msk $0xffff, v7;
	s25 =	sshra.s32 s4, $0x2;
	s4 =	sadd.s32 $0x200, s4  }
0x156: {  	v1 =	vld [tilespmem:s25+$0x470]  }
0x157: {  	v2 =	vld [tilespmem:s25+$0x400]  }
0x158: {  	v3 =	vld [tilespmem:s25+$0x410]  }
0x159: {  	v4 =	vld [tilespmem:s25+$0x420]  }
0x15a: {  	v5 =	vld [tilespmem:s25+$0x430]  }
0x15b: {  	v6 =	vld [tilespmem:s25+$0x450]  }
0x15c: {  	v7 =	vld [tilespmem:s25+$0x460]  }
0x15d: {  	[tilespmem:s25+$0xC470] =	vst.add.f32.msk $0xffff, v1  }
0x15e: {  	v1 =	vld [tilespmem:s25+$0x440]  }
0x15f: {  	[tilespmem:s25+$0xC400] =	vst.add.f32.msk $0xffff, v2  }
0x160: {  	[tilespmem:s25+$0xC410] =	vst.add.f32.msk $0xffff, v3  }
0x161: {  	[tilespmem:s25+$0xC420] =	vst.add.f32.msk $0xffff, v4  }
0x162: {  	[tilespmem:s25+$0xC430] =	vst.add.f32.msk $0xffff, v5  }
0x163: {  	[tilespmem:s25+$0xC450] =	vst.add.f32.msk $0xffff, v6  }
0x164: {  	[tilespmem:s25+$0xC460] =	vst.add.f32.msk $0xffff, v7  }
0x165: {  	s4 =	simm.s32 $0x0;
	[tilespmem:s25+$0xC440] =	vst.add.f32.msk $0xffff, v1  }
0x166: {  	[hbm4b:s13+s4] =	stream.linear.scatter [tilespmem:s21], [sflag:$0x7], $0x4000, $0x38;
	[tilespmem:$0x1C600] =	vst v63  }
0x167: {  	_ =	swait.ge [sflag:s23], $0x4000  }
0x168: {  	[sflag:s23] =	ssyncset.done $0x0  }
0x169: {  	s25 =	simm.s32 $0x0;
	s4 =	simm.s32 $0x200;
	[sflag:s23] =	ssyncadd.s32 $0xFFFFC000  }
.LBB2_24:
0x16a: {  	p0 =	sne.s32 s4, $0xFE00;
	v1 =	vld [tilespmem:s25+$0x4470]  }
0x16b: {  	v2 =	vld [tilespmem:s25+$0x4400]  }
0x16c: {  	v3 =	vld [tilespmem:s25+$0x4410]  }
0x16d: {  	v4 =	vld [tilespmem:s25+$0x4420]  }
0x16e: {  	v5 =	vld [tilespmem:s25+$0x4430]  }
0x16f: {  	[tilespmem:s25+$0x10470] =	vst.add.f32.msk $0xffff, v1  }
0x170: {  	v1 =	vld [tilespmem:s25+$0x4440]  }
0x171: {  	v6 =	vld [tilespmem:s25+$0x4450]  }
0x172: {  	v7 =	vld [tilespmem:s25+$0x4460]  }
0x173: {  	[tilespmem:s25+$0x10400] =	vst.add.f32.msk $0xffff, v2  }
0x174: {  	[tilespmem:s25+$0x10410] =	vst.add.f32.msk $0xffff, v3  }
.Ltmp11:
0x175: {  	[tilespmem:s25+$0x10420] =	vst.add.f32.msk $0xffff, v4;
	(pc) =	sbr.rel @p0 .LBB2_24-.Ltmp11, $4  }
0x176: {  	[tilespmem:s25+$0x10430] =	vst.add.f32.msk $0xffff, v5  }
0x177: {  	[tilespmem:s25+$0x10440] =	vst.add.f32.msk $0xffff, v1  }
0x178: {  	[tilespmem:s25+$0x10450] =	vst.add.f32.msk $0xffff, v6  }
0x179: {  	[tilespmem:s25+$0x10460] =	vst.add.f32.msk $0xffff, v7;
	s25 =	sshra.s32 s4, $0x2;
	s4 =	sadd.s32 $0x200, s4  }
0x17a: {  	v1 =	vld [tilespmem:s25+$0x4470]  }
0x17b: {  	v2 =	vld [tilespmem:s25+$0x4400]  }
0x17c: {  	v3 =	vld [tilespmem:s25+$0x4410]  }
0x17d: {  	v4 =	vld [tilespmem:s25+$0x4420]  }
0x17e: {  	v5 =	vld [tilespmem:s25+$0x4430]  }
0x17f: {  	v6 =	vld [tilespmem:s25+$0x4450]  }
0x180: {  	v7 =	vld [tilespmem:s25+$0x4460]  }
0x181: {  	[tilespmem:s25+$0x10470] =	vst.add.f32.msk $0xffff, v1  }
0x182: {  	v1 =	vld [tilespmem:s25+$0x4440]  }
0x183: {  	[tilespmem:s25+$0x10400] =	vst.add.f32.msk $0xffff, v2  }
0x184: {  	[tilespmem:s25+$0x10410] =	vst.add.f32.msk $0xffff, v3  }
0x185: {  	[tilespmem:s25+$0x10420] =	vst.add.f32.msk $0xffff, v4  }
0x186: {  	[tilespmem:s25+$0x10430] =	vst.add.f32.msk $0xffff, v5  }
0x187: {  	[tilespmem:s25+$0x10450] =	vst.add.f32.msk $0xffff, v6  }
0x188: {  	[tilespmem:s25+$0x10460] =	vst.add.f32.msk $0xffff, v7  }
0x189: {  	[tilespmem:s25+$0x10440] =	vst.add.f32.msk $0xffff, v1  }
0x18a: {  	[hbm4b:s14+s3] =	stream.linear.scatter [tilespmem:s22], [sflag:$0x8], $0x4000, $0x38;
	[tilespmem:$0x1C600] =	vst v63  }
0x18b: {  	_ =	swait.ge [sflag:s16], $0x4000  }
0x18c: {  	[sflag:s16] =	ssyncset.done $0x0  }
0x18d: {  	[sflag:s16] =	ssyncadd.s32 $0xFFFFC000  }
0x18e: {  	_ =	swait.ge [sflag:s31], $0x4000  }
0x18f: {  	[sflag:s31] =	ssyncset.done $0x0  }
0x190: {  	[sflag:s31] =	ssyncadd.s32 $0xFFFFC000  }
0x191: {  	_ =	swait.ge [sflag:s16], $0x4000  }
0x192: {  	[sflag:s16] =	ssyncset.done $0x0  }
0x193: {  	s20 =	sadd.s32 $0x1, s20;
	[sflag:s16] =	ssyncadd.s32 $0xFFFFC000  }
0x194: {  	p0 =	sne.s32 s20, s15;
	_ =	swait.ge [sflag:s31], $0x4000  }
.Ltmp12:
0x195: {  	[sflag:s31] =	ssyncset.done $0x0;
	(pc) =	sbr.rel @p0 .LBB2_1-.Ltmp12, $4  }
0x196: {  	[sflag:s31] =	ssyncadd.s32 $0xFFFFC000  }
0x197: {  	_ =	swait.ge [sflag:s16], $0x4000  }
0x198: {  	[sflag:s16] =	ssyncset.done $0x0  }
0x199: {  	[sflag:s16] =	ssyncadd.s32 $0xFFFFC000  }
0x19a: {  	_ =	sfence.sel $0x180000  }
0x19b: {  	[bflag:$0x0] =	sbarrier.arrive $0xFFFF  }
0x19c: {  	_ =	strace $0x90000047  }
0x19d: {  	s0 =	stileid.u32;
	[bflag:$0x2] =	sbarrier.arrive $0xFFFF  }
0x19e: {  	p0 =	sne.s32 s0, $0x0;
	s0 =	rddreg [dreg:$0x4]  }
0x19f: {  	s0 =	sadd.s32 @!p0 $0x100000, s0  }
0x1a0: {  	[sflag:s0] =	ssyncadd.tile.s32 @!p0 $0x1;
	_ =	shalt  }
.Lfunc_end2:
_tile_overlayer_lowered:
.L_overlay_start_2:
0x1a1: {  	(tag) =	ssettag $0x2  }
0x1a2: {  	s0 =	rddreg [dreg:$0x0];
	s2 =	stileid.u32  }
0x1a3: {  	s1 =	rddreg [dreg:$0x1];
	p0 =	sne.s32 s2, $0x0  }
0x1a4: {  	s3 =	rddreg [dreg:$0x2];
	[bflag:$0x3] =	sbarrier.arrive $0xFFFF;
	s2 =	simm.s32 @!p0 $0x1C09  }
0x1a5: {  	[timem:s3], [sflag:s2] =	dma.local @!p0 [hbm:s0], s1  }
0x1a6: {  	s0 =	simm.s32 @!p0 $0x9  }
0x1a7: {  	_ =	swait.ge @!p0 [sflag:s0], s1  }
0x1a8: {  	s1 =	ssub.s32 @!p0 $0x0, s1;
	[sflag:s0] =	ssyncset.done @!p0 $0x0  }
0x1a9: {  	[sflag:s0] =	ssyncadd.s32 @!p0 s1  }
0x1aa: {  	[bflag:$0x3] =	sbarrier.arrive $0xFFFF  }
0x1ab: {  	_ =	shalt  }

</sc_bundles>
